<compile_context>
chip_gen: v7x
topology: tpu7x:2x2x1
jax: 0.10.2.dev20260603
libtpu: 0.0.44.dev20260713+nightly
codegen_flags: <defaults>
</compile_context>

<pallas_src>
import functools

import jax
import jax.numpy as jnp
from jax import lax
from jax.experimental import pallas as pl
from jax.experimental.pallas import tpu as pltpu
from jax.experimental.pallas import tpu_sc as plsc

NNZ = 2097152
NBINS = 2048
NC = 2
NS = 16
NW = NC * NS
CHUNK = NNZ // NW
SUB = 8192
NSUB = CHUNK // SUB
VPS = SUB // 16
NVB = NBINS // 16
MASK21 = (1 << 21) - 1

_MESH = plsc.VectorSubcoreMesh(core_axis_name="c", subcore_axis_name="s")
_CP = pltpu.CompilerParams(needs_layout_passes=False)


def _wid():
    return lax.axis_index("s") * NC + lax.axis_index("c")


def _vsl(j):
    return pl.ds(pl.multiple_of(j * 16, 16), 16)


def _zero(ref, nv):
    def body(j, _):
        ref[_vsl(j)] = jnp.zeros((16,), jnp.int32)
        return 0
    lax.fori_loop(0, nv, body, 0)


def _chunk(arr, base, n):
    return arr.at[pl.ds(pl.multiple_of(base, 8), n)]


def _hist_common(src_hbm, out_hbm, fbuf, hist_v, dig):
    w = _wid()
    _zero(hist_v, NVB)
    ones = jnp.ones((16,), jnp.int32)

    def sub(s, _):
        pltpu.sync_copy(_chunk(src_hbm, w * CHUNK + s * SUB, SUB), fbuf)

        def body(j, _):
            d = dig(fbuf[_vsl(j)])
            plsc.addupdate_scatter(hist_v, [d], ones)
            return 0
        lax.fori_loop(0, VPS, body, 0)
        return 0
    lax.fori_loop(0, NSUB, sub, 0)
    pltpu.sync_copy(hist_v, out_hbm.at[w])


def _dig_id(x):
    return x & (NBINS - 1)


def _dig_hi(x):
    return (x >> 21) & (NBINS - 1)


def _offsets(hist_hbm, row_v, tot_v, off_v, spl_ref=None, upto=None):
    w = _wid() if upto is None else upto
    _zero(tot_v, NVB)
    _zero(off_v, NVB)

    def trow(t, _):
        pltpu.sync_copy(hist_hbm.at[t], row_v)
        m = (t < w).astype(jnp.int32)

        def inner(j, _):
            sl = _vsl(j)
            row = row_v[sl]
            tot_v[sl] = tot_v[sl] + row
            off_v[sl] = off_v[sl] + row * m
            return 0
        lax.fori_loop(0, NVB, inner, 0)
        return 0
    lax.fori_loop(0, NW, trow, 0)

    fifteen = jnp.full((16,), 15, jnp.int32)

    def scan(j, carry):
        sl = _vsl(j)
        v = tot_v[sl]
        cs = plsc.cumsum(v)
        excl = cs - v + carry
        if spl_ref is not None:
            spl_ref[sl] = excl
        off_v[sl] = off_v[sl] + excl
        return carry + jnp.take(cs, fifteen)
    lax.fori_loop(0, NVB, scan, jnp.zeros((16,), jnp.int32))


def _rank(off_v, d):
    cnt, lastm = plsc.scan_count(d)
    cnt = cnt.astype(jnp.int32)
    cur = plsc.load_gather(off_v, [d])
    plsc.store_scatter(off_v, [d], cur + cnt, mask=lastm)
    return cur + cnt - 1


@functools.partial(
    pl.kernel, mesh=_MESH, compiler_params=_CP,
    out_type=jax.ShapeDtypeStruct((NW, NBINS), jnp.int32),
    scratch_types=[pltpu.VMEM((SUB,), jnp.int32),
                   pltpu.VMEM((NBINS,), jnp.int32)],
)
def _hist_a(B, out, fbuf, hist_v):
    _hist_common(B, out, fbuf, hist_v, _dig_id)


@functools.partial(
    pl.kernel, mesh=_MESH, compiler_params=_CP,
    out_type=(jax.ShapeDtypeStruct((NNZ,), jnp.int32),
              jax.ShapeDtypeStruct((NBINS,), jnp.int32),
              jax.ShapeDtypeStruct((NNZ,), jnp.int32),
              jax.ShapeDtypeStruct((NW, NBINS), jnp.int32)),
    scratch_types=([pltpu.VMEM((SUB,), jnp.int32)] * 5
                   + [pltpu.VMEM_SHARED((NNZ // NC + 16,), jnp.int32)]
                   + [pltpu.VMEM((NBINS,), jnp.int32)] * 4
                   + [pltpu.SemaphoreType.DMA]),
)
def _perm_a(B, R, hA, W1, SPL, K2H, HB, bbuf, rbuf, wbuf, dbuf, hbuf, sp,
            row_v, tot_v, off_v, spl_v, sem):
    cid = lax.axis_index("c")
    tid = lax.axis_index("s")
    CH2 = NNZ // NS
    HALF = NNZ // NC
    _offsets(hA, row_v, tot_v, off_v, spl_v, upto=2 * tid)
    lo = cid * HALF
    iota = lax.iota(jnp.int32, 16)

    @pl.when(_wid() == 0)
    def _():
        pltpu.sync_copy(spl_v, SPL)

    def sub(s, _):
        base = tid * CH2 + s * SUB
        pltpu.sync_copy(_chunk(B, base, SUB), bbuf)
        pltpu.sync_copy(_chunk(R, base, SUB), rbuf)

        def body(j, _):
            sl = _vsl(j)
            b = bbuf[sl]
            k2 = rbuf[sl] + plsc.load_gather(spl_v, [b])
            hbuf[sl] = k2 >> 11
            dest = _rank(off_v, b) - lo
            inr = (dest >= 0) & (dest < HALF)
            dbuf[sl] = jnp.where(inr, dest, HALF + iota)
            wbuf[sl] = ((k2 & (NBINS - 1)) << 21) | (base + j * 16 + iota)
            return 0
        lax.fori_loop(0, VPS, body, 0)

        @pl.when(cid == 0)
        def _():
            pltpu.sync_copy(hbuf, _chunk(K2H, base, SUB))
        pltpu.async_copy(wbuf, sp.at[dbuf], sem).wait()
        return 0
    lax.fori_loop(0, CH2 // SUB, sub, 0)
    plsc.subcore_barrier()
    SL = HALF // NS
    pltpu.sync_copy(sp.at[pl.ds(tid * SL, SL)],
                    W1.at[pl.ds(pl.multiple_of(lo + tid * SL, 8), SL)])
    _zero(tot_v, NVB)
    ones = jnp.ones((16,), jnp.int32)

    def hsub(s, _):
        pltpu.sync_copy(sp.at[pl.ds(tid * SL + s * SUB, SUB)], bbuf)

        def hbody(j, _):
            plsc.addupdate_scatter(tot_v, [_dig_hi(bbuf[_vsl(j)])], ones)
            return 0
        lax.fori_loop(0, VPS, hbody, 0)
        return 0
    lax.fori_loop(0, SL // SUB, hsub, 0)
    pltpu.sync_copy(tot_v, HB.at[cid * NS + tid])


@functools.partial(
    pl.kernel, mesh=_MESH, compiler_params=_CP,
    out_type=(jax.ShapeDtypeStruct((NNZ,), jnp.int32),
              jax.ShapeDtypeStruct((NW, NBINS), jnp.int32)),
    scratch_types=([pltpu.VMEM((SUB,), jnp.int32)] * 5
                   + [pltpu.VMEM_SHARED((NNZ // NC + 16,), jnp.int32)]
                   + [pltpu.VMEM((NBINS,), jnp.int32)] * 3
                   + [pltpu.SemaphoreType.DMA, pltpu.SemaphoreType.DMA]),
)
def _perm_b(W1, K2H, hB, P2, HC, wbuf, ibuf, hgbuf, pbuf, dbuf, sp,
            row_v, tot_v, off_v, gsem, sem):
    cid = lax.axis_index("c")
    tid = lax.axis_index("s")
    CH2 = NNZ // NS
    HALF = NNZ // NC
    _offsets(hB, row_v, tot_v, off_v, upto=2 * tid)
    lo = cid * HALF
    iota = lax.iota(jnp.int32, 16)

    def sub(s, _):
        base = tid * CH2 + s * SUB
        pltpu.sync_copy(_chunk(W1, base, SUB), wbuf)

        def ext(j, _):
            sl = _vsl(j)
            ibuf[sl] = wbuf[sl] & MASK21
            return 0
        lax.fori_loop(0, VPS, ext, 0)
        pltpu.async_copy(K2H.at[ibuf], hgbuf, gsem).wait()

        def body(j, _):
            sl = _vsl(j)
            d = (wbuf[sl] >> 21) & (NBINS - 1)
            dest = _rank(off_v, d) - lo
            inr = (dest >= 0) & (dest < HALF)
            dbuf[sl] = jnp.where(inr, dest, HALF + iota)
            pbuf[sl] = (hgbuf[sl] << 21) | ibuf[sl]
            return 0
        lax.fori_loop(0, VPS, body, 0)
        pltpu.async_copy(pbuf, sp.at[dbuf], sem).wait()
        return 0
    lax.fori_loop(0, CH2 // SUB, sub, 0)
    plsc.subcore_barrier()
    SL = HALF // NS
    pltpu.sync_copy(sp.at[pl.ds(tid * SL, SL)],
                    P2.at[pl.ds(pl.multiple_of(lo + tid * SL, 8), SL)])
    _zero(tot_v, NVB)
    ones = jnp.ones((16,), jnp.int32)

    def hsub(s, _):
        pltpu.sync_copy(sp.at[pl.ds(tid * SL + s * SUB, SUB)], wbuf)

        def hbody(j, _):
            plsc.addupdate_scatter(tot_v, [_dig_hi(wbuf[_vsl(j)])], ones)
            return 0
        lax.fori_loop(0, VPS, hbody, 0)
        return 0
    lax.fori_loop(0, SL // SUB, hsub, 0)
    pltpu.sync_copy(tot_v, HC.at[cid * NS + tid])


@functools.partial(
    pl.kernel, mesh=_MESH, compiler_params=_CP,
    out_type=(jax.ShapeDtypeStruct((2 * NNZ,), jnp.int32),
              jax.ShapeDtypeStruct((NNZ,), jnp.int32),
              jax.ShapeDtypeStruct((NNZ,), jnp.float32)),
    scratch_types=([pltpu.VMEM((SUB,), jnp.int32)] * 3
                   + [pltpu.VMEM_SHARED((NNZ // NC + 16,), jnp.int32)]
                   + [pltpu.VMEM((NBINS,), jnp.int32)] * 3
                   + [pltpu.VMEM((SUB,), jnp.int32)]
                   + [pltpu.VMEM((SUB,), jnp.float32)]
                   + [pltpu.VMEM((2 * SUB,), jnp.int32)]
                   + [pltpu.SemaphoreType.DMA, pltpu.SemaphoreType.DMA]),
)
def _perm_c(P2, hC, B, R, C, V, EI2, RID, EW, pfbuf, obuf, dbuf, sp,
            row_v, tot_v, off_v, cb, vb, eibuf, sem, gsem):
    bb, rb = obuf, dbuf
    cid = lax.axis_index("c")
    tid = lax.axis_index("s")
    CH2 = NNZ // NS
    HALF = NNZ // NC
    _offsets(hC, row_v, tot_v, off_v, upto=2 * tid)
    lo = cid * HALF
    iota = lax.iota(jnp.int32, 16)

    def sub(s, _):
        base = tid * CH2 + s * SUB
        pltpu.sync_copy(_chunk(P2, base, SUB), pfbuf)

        def body(j, _):
            sl = _vsl(j)
            x = pfbuf[sl]
            d = (x >> 21) & (NBINS - 1)
            dest = _rank(off_v, d) - lo
            inr = (dest >= 0) & (dest < HALF)
            dbuf[sl] = jnp.where(inr, dest, HALF + iota)
            obuf[sl] = x & MASK21
            return 0
        lax.fori_loop(0, VPS, body, 0)
        pltpu.async_copy(obuf, sp.at[dbuf], sem).wait()
        return 0
    lax.fori_loop(0, CH2 // SUB, sub, 0)
    plsc.subcore_barrier()
    SL = HALF // NS

    def fsub(s, _):
        base = lo + tid * SL + s * SUB
        pltpu.sync_copy(sp.at[pl.ds(tid * SL + s * SUB, SUB)], pfbuf)
        c0 = pltpu.async_copy(B.at[pfbuf], bb, gsem)
        c1 = pltpu.async_copy(R.at[pfbuf], rb, gsem)
        c2 = pltpu.async_copy(C.at[pfbuf], cb, gsem)
        c3 = pltpu.async_copy(V.at[pfbuf], vb, gsem)
        c0.wait()
        c1.wait()
        c2.wait()
        c3.wait()

        def ilv(j, _):
            sl = _vsl(j)
            lidx = j * 16 + iota
            plsc.store_scatter(eibuf, [lidx * 2], rb[sl])
            plsc.store_scatter(eibuf, [lidx * 2 + 1], cb[sl])
            return 0
        lax.fori_loop(0, VPS, ilv, 0)
        pltpu.sync_copy(eibuf, _chunk(EI2, base * 2, SUB * 2))
        pltpu.sync_copy(bb, _chunk(RID, base, SUB))
        pltpu.sync_copy(vb, _chunk(EW, base, SUB))
        return 0
    lax.fori_loop(0, SL // SUB, fsub, 0)


def kernel(indices, values):
    B = indices[:, 0]
    R = indices[:, 1]
    C = indices[:, 2]
    hA = _hist_a(B)
    W1, SPL, K2H, hB = _perm_a(B, R, hA)
    P2, hC = _perm_b(W1, K2H, hB)
    EI2, RID, EW = _perm_c(P2, hC, B, R, C, values)
    return EI2.reshape(NNZ, 2), RID, EW[:, None]

# --- scband reference (transcript-rebuilt; emitter-appended) ---
"""Pipeline reference for scband-cast-sparse-batched-adjacency-matrix-to-ragged-list-16329465659716 (READ-ONLY COPY).

The authoritative reference and input builder live on the scoring server;
editing this copy changes nothing except your own understanding.
"""

import jax, jax.numpy as jnp
import numpy as np

NNZ = 2097152
BATCH = 2048
NMAX = 2048

def setup_inputs(seed: int = 0) -> dict:
    key = jax.random.key(seed)
    k1, k2 = jax.random.split(key)
    # indices of the sparse (batch, N_max, N_max) adjacency: columns are (batch_id, row, col)
    indices = jax.random.randint(k1, (NNZ, 3), 0, NMAX, dtype=jnp.int32)
    values = jax.random.normal(k2, (NNZ,), dtype=jnp.float32)
    return {"indices": indices, "values": values}

def reference(indices, values):
    indexlist = indices
    valuelist = values
    # sort_index=True branch
    # 1) stable sort edges by batch id
    batch_order = jnp.argsort(indexlist[:, 0], axis=0, stable=True)
    indexlist = jnp.take(indexlist, batch_order, axis=0)
    valuelist = jnp.take(valuelist, batch_order, axis=0)
    # 2) edges per batch (tf.math.segment_sum of ones over sorted batch ids)
    batch_length = jax.ops.segment_sum(jnp.ones_like(indexlist[:, 0]), indexlist[:, 0], num_segments=BATCH)
    # exclusive cumsum
    batch_splits = jnp.cumsum(batch_length) - batch_length
    batch_shifted_index = jnp.repeat(batch_splits, batch_length, total_repeat_length=NNZ)
    # 3) stable sort by shifted node index within batches
    node_order = jnp.argsort(indexlist[:, 1] + batch_shifted_index, axis=0, stable=True)
    indexlist = jnp.take(indexlist, node_order, axis=0)
    valuelist = jnp.take(valuelist, node_order, axis=0)
    # ragged outputs in flat (values, row_ids) form:
    # edge_index ragged (batch, None, 2) -> flat values indexlist[:, 1:] with row_ids indexlist[:, 0]
    # edges ragged (batch, None, 1) -> flat values valuelist[:, None] with same row_ids
    edge_index = indexlist[:, 1:]
    row_ids = indexlist[:, 0]
    edge_weight = valuelist[:, None]
    return edge_index, row_ids, edge_weight

if __name__ == "__main__":
    import jax
    _d = setup_inputs()
    print(jax.jit(kernel)(*tuple(_d.values())))

</pallas_src>

<mosaic_0001>
#map = affine_map<(d0, d1) -> (0)>
#map1 = affine_map<(d0, d1) -> (0, 0)>
module attributes {stable_mosaic.version = 14 : i64} {
  func.func @_perm_a(%arg0: i32, %arg1: i32, %arg2: memref<2097152xi32, #tpu.memory_space<hbm>>, %arg3: memref<2097152xi32, #tpu.memory_space<hbm>>, %arg4: memref<32x2048xi32, #tpu.memory_space<hbm>>, %arg5: memref<2097152xi32, #tpu.memory_space<hbm>>, %arg6: memref<2048xi32, #tpu.memory_space<hbm>>, %arg7: memref<2097152xi32, #tpu.memory_space<hbm>>, %arg8: memref<32x2048xi32, #tpu.memory_space<hbm>>, %arg9: memref<8192xi32, #tpu.memory_space<vmem>>, %arg10: memref<8192xi32, #tpu.memory_space<vmem>>, %arg11: memref<8192xi32, #tpu.memory_space<vmem>>, %arg12: memref<8192xi32, #tpu.memory_space<vmem>>, %arg13: memref<8192xi32, #tpu.memory_space<vmem>>, %arg14: memref<1048592xi32, #tpu.memory_space<vmem_shared>>, %arg15: memref<2048xi32, #tpu.memory_space<vmem>>, %arg16: memref<2048xi32, #tpu.memory_space<vmem>>, %arg17: memref<2048xi32, #tpu.memory_space<vmem>>, %arg18: memref<2048xi32, #tpu.memory_space<vmem>>, %arg19: memref<!tpu.dma_semaphore, #tpu.memory_space<semaphore_mem>>) attributes {dimension_semantics = [#tpu.dimension_semantics<core_parallel>, #tpu.dimension_semantics<subcore_parallel>], iteration_bounds = array<i64: 2, 16>, scalar_prefetch = 0 : i64, scratch_operands = 11 : i64, tpu.core_type = #tpu.core_type<sc_vector_subcore>, window_params = [{transform_indices = #map}, {transform_indices = #map}, {transform_indices = #map1}, {transform_indices = #map}, {transform_indices = #map}, {transform_indices = #map}, {transform_indices = #map1}]} {
    %mul3A = arith.constant 2 : i32
    %mul3A_0 = arith.muli %mul3A, %arg1 : i32
    %scan3A = arith.constant 0 : i32
    %scan3A_1 = arith.constant 0 : i32
    %scan3A_2 = arith.constant 128 : i32
    %scan3A_3 = arith.addi %scan3A_1, %scan3A_2 : i32
    %scan3A_4 = arith.constant 1 : i32
    %scan3A_5 = scf.for %scan3A_67 = %scan3A_1 to %scan3A_3 step %scan3A_4 iter_args(%scan3A_68 = %scan3A) -> (i32)  : i32 {
      %broadcast_in_dim3A_69 = arith.constant 0 : i32
      %broadcast_in_dim3A_70 = vector.broadcast %broadcast_in_dim3A_69 : i32 to vector<16xi32>
      %mul3A_71 = arith.constant 16 : i32
      %mul3A_72 = arith.muli %scan3A_67, %mul3A_71 : i32
      %multiple_of3A_73 = tpu.assume_multiple %mul3A_72, 16 : i32
      %swap3A = arith.index_cast %multiple_of3A_73 : i32 to index
      %swap3A_74 = tpu.vector_load %arg16[%swap3A] {strides = array<i32>} : memref<2048xi32, #tpu.memory_space<vmem>>, vector<16xi32>,
      tpu.vector_store %arg16[%swap3A], %broadcast_in_dim3A_70 {strides = array<i32>} : memref<2048xi32, #tpu.memory_space<vmem>>, vector<16xi32>,
      %scan3A_75 = arith.constant 0 : i32
      scf.yield %scan3A_75 : i32
    }
    %scan3A_6 = arith.constant 128 : i32
    %scan3A_7 = arith.constant 0 : i32
    %scan3A_8 = arith.constant 0 : i32
    %scan3A_9 = arith.constant 128 : i32
    %scan3A_10 = arith.addi %scan3A_8, %scan3A_9 : i32
    %scan3A_11 = arith.constant 1 : i32
    %scan3A_12 = scf.for %scan3A_67 = %scan3A_8 to %scan3A_10 step %scan3A_11 iter_args(%scan3A_68 = %scan3A_7) -> (i32)  : i32 {
      %broadcast_in_dim3A_69 = arith.constant 0 : i32
      %broadcast_in_dim3A_70 = vector.broadcast %broadcast_in_dim3A_69 : i32 to vector<16xi32>
      %mul3A_71 = arith.constant 16 : i32
      %mul3A_72 = arith.muli %scan3A_67, %mul3A_71 : i32
      %multiple_of3A_73 = tpu.assume_multiple %mul3A_72, 16 : i32
      %swap3A = arith.index_cast %multiple_of3A_73 : i32 to index
      %swap3A_74 = tpu.vector_load %arg17[%swap3A] {strides = array<i32>} : memref<2048xi32, #tpu.memory_space<vmem>>, vector<16xi32>,
      tpu.vector_store %arg17[%swap3A], %broadcast_in_dim3A_70 {strides = array<i32>} : memref<2048xi32, #tpu.memory_space<vmem>>, vector<16xi32>,
      %scan3A_75 = arith.constant 0 : i32
      scf.yield %scan3A_75 : i32
    }
    %scan3A_13 = arith.constant 128 : i32
    %scan3A_14 = arith.constant 0 : i32
    %scan3A_15 = arith.constant 0 : i32
    %scan3A_16 = arith.constant 32 : i32
    %scan3A_17 = arith.addi %scan3A_15, %scan3A_16 : i32
    %scan3A_18 = arith.constant 1 : i32
    %scan3A_19 = scf.for %scan3A_67 = %scan3A_15 to %scan3A_17 step %scan3A_18 iter_args(%scan3A_68 = %scan3A_14) -> (i32)  : i32 {
      "tpu.region"() ({
        %run_scoped3A = tpu.sem_alloc : memref<!tpu.dma_semaphore, #tpu.memory_space<semaphore_mem>>
        %dma_start3A = arith.constant 0 : i32
        %dma_start3A_78 = tpu.memref_slice %arg4[%scan3A_67, %dma_start3A] : memref<32x2048xi32, #tpu.memory_space<hbm>> -> memref<1x2048xi32, #tpu.memory_space<hbm>>
        %dma_start3A_79 = tpu.memref_squeeze %dma_start3A_78 : memref<1x2048xi32, #tpu.memory_space<hbm>> -> memref<2048xi32, #tpu.memory_space<hbm>>
        %dma_start3A_80 = arith.constant 0 : i32
        %dma_start3A_81 = tpu.memref_slice %arg4[%scan3A_67, %dma_start3A_80] : memref<32x2048xi32, #tpu.memory_space<hbm>> -> memref<1x2048xi32, #tpu.memory_space<hbm>>
        %dma_start3A_82 = tpu.memref_squeeze %dma_start3A_81 : memref<1x2048xi32, #tpu.memory_space<hbm>> -> memref<2048xi32, #tpu.memory_space<hbm>>
        tpu.enqueue_dma source(%dma_start3A_82 : memref<2048xi32, #tpu.memory_space<hbm>>) target(%arg15 : memref<2048xi32, #tpu.memory_space<vmem>>) target_semaphore(%run_scoped3A : memref<!tpu.dma_semaphore, #tpu.memory_space<semaphore_mem>>)
        %dma_wait3A = arith.constant 0 : i32
        %dma_wait3A_83 = tpu.memref_slice %arg4[%scan3A_67, %dma_wait3A] : memref<32x2048xi32, #tpu.memory_space<hbm>> -> memref<1x2048xi32, #tpu.memory_space<hbm>>
        %dma_wait3A_84 = tpu.memref_squeeze %dma_wait3A_83 : memref<1x2048xi32, #tpu.memory_space<hbm>> -> memref<2048xi32, #tpu.memory_space<hbm>>
        %dma_wait3A_85 = arith.constant 0 : i32
        %dma_wait3A_86 = tpu.memref_slice %arg4[%scan3A_67, %dma_wait3A_85] : memref<32x2048xi32, #tpu.memory_space<hbm>> -> memref<1x2048xi32, #tpu.memory_space<hbm>>
        %dma_wait3A_87 = tpu.memref_squeeze %dma_wait3A_86 : memref<1x2048xi32, #tpu.memory_space<hbm>> -> memref<2048xi32, #tpu.memory_space<hbm>>
        tpu.wait_dma2 semaphore(%run_scoped3A : memref<!tpu.dma_semaphore, #tpu.memory_space<semaphore_mem>>) src(%dma_wait3A_87 : memref<2048xi32, #tpu.memory_space<hbm>>) dst(%arg15 : memref<2048xi32, #tpu.memory_space<vmem>>)
        tpu.yield
      }) : () -> ()
      %lt3A = arith.cmpi slt, %scan3A_67, %mul3A_0 : i32
      %convert_element_type3A_69 = arith.extui %lt3A : i1 to i32
      %scan3A_70 = arith.constant 0 : i32
      %scan3A_71 = arith.constant 0 : i32
      %scan3A_72 = arith.constant 128 : i32
      %scan3A_73 = arith.addi %scan3A_71, %scan3A_72 : i32
      %scan3A_74 = arith.constant 1 : i32
      %scan3A_75 = scf.for %scan3A_78 = %scan3A_71 to %scan3A_73 step %scan3A_74 iter_args(%scan3A_79 = %scan3A_70) -> (i32)  : i32 {
        %mul3A_80 = arith.constant 16 : i32
        %mul3A_81 = arith.muli %scan3A_78, %mul3A_80 : i32
        %multiple_of3A_82 = tpu.assume_multiple %mul3A_81, 16 : i32
        %get3A = arith.index_cast %multiple_of3A_82 : i32 to index
        %get3A_83 = tpu.vector_load %arg15[%get3A] {strides = array<i32>} : memref<2048xi32, #tpu.memory_space<vmem>>, vector<16xi32>,
        %get3A_84 = arith.index_cast %multiple_of3A_82 : i32 to index
        %get3A_85 = tpu.vector_load %arg16[%get3A_84] {strides = array<i32>} : memref<2048xi32, #tpu.memory_space<vmem>>, vector<16xi32>,
        %add3A_86 = arith.addi %get3A_85, %get3A_83 : vector<16xi32>
        %swap3A = arith.index_cast %multiple_of3A_82 : i32 to index
        %swap3A_87 = tpu.vector_load %arg16[%swap3A] {strides = array<i32>} : memref<2048xi32, #tpu.memory_space<vmem>>, vector<16xi32>,
        tpu.vector_store %arg16[%swap3A], %add3A_86 {strides = array<i32>} : memref<2048xi32, #tpu.memory_space<vmem>>, vector<16xi32>,
        %get3A_88 = arith.index_cast %multiple_of3A_82 : i32 to index
        %get3A_89 = tpu.vector_load %arg17[%get3A_88] {strides = array<i32>} : memref<2048xi32, #tpu.memory_space<vmem>>, vector<16xi32>,
        %mul3A_90 = vector.broadcast %convert_element_type3A_69 : i32 to vector<16xi32>
        %mul3A_91 = arith.muli %get3A_83, %mul3A_90 : vector<16xi32>
        %add3A_92 = arith.addi %get3A_89, %mul3A_91 : vector<16xi32>
        %swap3A_93 = arith.index_cast %multiple_of3A_82 : i32 to index
        %swap3A_94 = tpu.vector_load %arg17[%swap3A_93] {strides = array<i32>} : memref<2048xi32, #tpu.memory_space<vmem>>, vector<16xi32>,
        tpu.vector_store %arg17[%swap3A_93], %add3A_92 {strides = array<i32>} : memref<2048xi32, #tpu.memory_space<vmem>>, vector<16xi32>,
        %scan3A_95 = arith.constant 0 : i32
        scf.yield %scan3A_95 : i32
      }
      %scan3A_76 = arith.constant 128 : i32
      %scan3A_77 = arith.constant 0 : i32
      scf.yield %scan3A_77 : i32
    }
    %scan3A_20 = arith.constant 32 : i32
    %broadcast_in_dim3A = arith.constant 15 : i32
    %broadcast_in_dim3A_21 = vector.broadcast %broadcast_in_dim3A : i32 to vector<16xi32>
    %broadcast_in_dim3A_22 = arith.constant 0 : i32
    %broadcast_in_dim3A_23 = vector.broadcast %broadcast_in_dim3A_22 : i32 to vector<16xi32>
    %scan3A_24 = arith.constant 0 : i32
    %scan3A_25 = arith.constant 128 : i32
    %scan3A_26 = arith.addi %scan3A_24, %scan3A_25 : i32
    %scan3A_27 = arith.constant 1 : i32
    %scan3A_28 = scf.for %scan3A_67 = %scan3A_24 to %scan3A_26 step %scan3A_27 iter_args(%scan3A_68 = %broadcast_in_dim3A_23) -> (vector<16xi32>)  : i32 {
      %mul3A_69 = arith.constant 16 : i32
      %mul3A_70 = arith.muli %scan3A_67, %mul3A_69 : i32
      %multiple_of3A_71 = tpu.assume_multiple %mul3A_70, 16 : i32
      %get3A = arith.index_cast %multiple_of3A_71 : i32 to index
      %get3A_72 = tpu.vector_load %arg16[%get3A] {strides = array<i32>} : memref<2048xi32, #tpu.memory_space<vmem>>, vector<16xi32>,
      %broadcast_in_dim3A_73 = arith.constant true
      %broadcast_in_dim3A_74 = vector.broadcast %broadcast_in_dim3A_73 : i1 to vector<16xi1>
      %masked_cumsum3A = tpu.scan <sum>, %get3A_72 masked %broadcast_in_dim3A_74 : vector<16xi32>, vector<16xi1> -> vector<16xi32>
      %sub3A = arith.subi %masked_cumsum3A, %get3A_72 : vector<16xi32>
      %add3A_75 = arith.addi %sub3A, %scan3A_68 : vector<16xi32>
      %swap3A = arith.index_cast %multiple_of3A_71 : i32 to index
      %swap3A_76 = tpu.vector_load %arg18[%swap3A] {strides = array<i32>} : memref<2048xi32, #tpu.memory_space<vmem>>, vector<16xi32>,
      tpu.vector_store %arg18[%swap3A], %add3A_75 {strides = array<i32>} : memref<2048xi32, #tpu.memory_space<vmem>>, vector<16xi32>,
      %get3A_77 = arith.index_cast %multiple_of3A_71 : i32 to index
      %get3A_78 = tpu.vector_load %arg17[%get3A_77] {strides = array<i32>} : memref<2048xi32, #tpu.memory_space<vmem>>, vector<16xi32>,
      %add3A_79 = arith.addi %get3A_78, %add3A_75 : vector<16xi32>
      %swap3A_80 = arith.index_cast %multiple_of3A_71 : i32 to index
      %swap3A_81 = tpu.vector_load %arg17[%swap3A_80] {strides = array<i32>} : memref<2048xi32, #tpu.memory_space<vmem>>, vector<16xi32>,
      tpu.vector_store %arg17[%swap3A_80], %add3A_79 {strides = array<i32>} : memref<2048xi32, #tpu.memory_space<vmem>>, vector<16xi32>,
      %lt3A = arith.constant 0 : i32
      %lt3A_82 = vector.broadcast %lt3A : i32 to vector<16xi32>
      %lt3A_83 = arith.cmpi slt, %broadcast_in_dim3A_21, %lt3A_82 : vector<16xi32>
      %add3A_84 = arith.constant 16 : i32
      %add3A_85 = vector.broadcast %add3A_84 : i32 to vector<16xi32>
      %add3A_86 = arith.addi %broadcast_in_dim3A_21, %add3A_85 : vector<16xi32>
      %select_n3A = arith.select %lt3A_83, %add3A_86, %broadcast_in_dim3A_21 : vector<16xi1>, vector<16xi32>
      %broadcast_in_dim3A_87 = vector.shape_cast %select_n3A : vector<16xi32> to vector<16x1xi32>
      %gather3A = vector.shape_cast %broadcast_in_dim3A_87 : vector<16x1xi32> to vector<16xi32>
      %gather3A_88 = tpu.dynamic_gather %masked_cumsum3A[%gather3A] in [0] : vector<16xi32>, vector<16xi32> -> vector<16xi32>
      %add3A_89 = arith.addi %scan3A_68, %gather3A_88 : vector<16xi32>
      scf.yield %add3A_89 : vector<16xi32>
    }
    %scan3A_29 = arith.constant 128 : i32
    %mul3A_30 = arith.constant 1048576 : i32
    %mul3A_31 = arith.muli %arg0, %mul3A_30 : i32
    %iota3A = tpu.iota {dimensions = array<i32: 0>} : vector<16xi32>
    %mul3A_32 = arith.constant 2 : i32
    %mul3A_33 = arith.muli %arg1, %mul3A_32 : i32
    %add3A = arith.addi %mul3A_33, %arg0 : i32
    %eq3A = arith.constant 0 : i32
    %eq3A_34 = arith.cmpi eq, %add3A, %eq3A : i32
    %convert_element_type3A = arith.extui %eq3A_34 : i1 to i32
    %cond3A = arith.constant 0 : i32
    %cond3A_35 = arith.cmpi ne, %convert_element_type3A, %cond3A : i32
    scf.if %cond3A_35 {
      "tpu.region"() ({
        %run_scoped3A = tpu.sem_alloc : memref<!tpu.dma_semaphore, #tpu.memory_space<semaphore_mem>>
        tpu.enqueue_dma source(%arg18 : memref<2048xi32, #tpu.memory_space<vmem>>) target(%arg6 : memref<2048xi32, #tpu.memory_space<hbm>>) target_semaphore(%run_scoped3A : memref<!tpu.dma_semaphore, #tpu.memory_space<semaphore_mem>>)
        tpu.wait_dma2 semaphore(%run_scoped3A : memref<!tpu.dma_semaphore, #tpu.memory_space<semaphore_mem>>) src(%arg18 : memref<2048xi32, #tpu.memory_space<vmem>>) dst(%arg6 : memref<2048xi32, #tpu.memory_space<hbm>>)
        tpu.yield
      }) : () -> ()
    } else {
    }
    %scan3A_36 = arith.constant 0 : i32
    %scan3A_37 = arith.constant 0 : i32
    %scan3A_38 = arith.constant 16 : i32
    %scan3A_39 = arith.addi %scan3A_37, %scan3A_38 : i32
    %scan3A_40 = arith.constant 1 : i32
    %scan3A_41 = scf.for %scan3A_67 = %scan3A_37 to %scan3A_39 step %scan3A_40 iter_args(%scan3A_68 = %scan3A_36) -> (i32)  : i32 {
      %mul3A_69 = arith.constant 131072 : i32
      %mul3A_70 = arith.muli %arg1, %mul3A_69 : i32
      %mul3A_71 = arith.constant 8192 : i32
      %mul3A_72 = arith.muli %scan3A_67, %mul3A_71 : i32
      %add3A_73 = arith.addi %mul3A_70, %mul3A_72 : i32
      %multiple_of3A_74 = tpu.assume_multiple %add3A_73, 8 : i32
      "tpu.region"() ({
        %run_scoped3A = tpu.sem_alloc : memref<!tpu.dma_semaphore, #tpu.memory_space<semaphore_mem>>
        %dma_start3A_91 = tpu.memref_slice %arg2[%multiple_of3A_74] : memref<2097152xi32, #tpu.memory_space<hbm>> -> memref<8192xi32, #tpu.memory_space<hbm>>
        %dma_start3A_92 = tpu.memref_slice %arg2[%multiple_of3A_74] : memref<2097152xi32, #tpu.memory_space<hbm>> -> memref<8192xi32, #tpu.memory_space<hbm>>
        tpu.enqueue_dma source(%dma_start3A_92 : memref<8192xi32, #tpu.memory_space<hbm>>) target(%arg9 : memref<8192xi32, #tpu.memory_space<vmem>>) target_semaphore(%run_scoped3A : memref<!tpu.dma_semaphore, #tpu.memory_space<semaphore_mem>>)
        %dma_wait3A_93 = tpu.memref_slice %arg2[%multiple_of3A_74] : memref<2097152xi32, #tpu.memory_space<hbm>> -> memref<8192xi32, #tpu.memory_space<hbm>>
        %dma_wait3A_94 = tpu.memref_slice %arg2[%multiple_of3A_74] : memref<2097152xi32, #tpu.memory_space<hbm>> -> memref<8192xi32, #tpu.memory_space<hbm>>
        tpu.wait_dma2 semaphore(%run_scoped3A : memref<!tpu.dma_semaphore, #tpu.memory_space<semaphore_mem>>) src(%dma_wait3A_94 : memref<8192xi32, #tpu.memory_space<hbm>>) dst(%arg9 : memref<8192xi32, #tpu.memory_space<vmem>>)
        tpu.yield
      }) : () -> ()
      %multiple_of3A_75 = tpu.assume_multiple %add3A_73, 8 : i32
      "tpu.region"() ({
        %run_scoped3A = tpu.sem_alloc : memref<!tpu.dma_semaphore, #tpu.memory_space<semaphore_mem>>
        %dma_start3A_91 = tpu.memref_slice %arg3[%multiple_of3A_75] : memref<2097152xi32, #tpu.memory_space<hbm>> -> memref<8192xi32, #tpu.memory_space<hbm>>
        %dma_start3A_92 = tpu.memref_slice %arg3[%multiple_of3A_75] : memref<2097152xi32, #tpu.memory_space<hbm>> -> memref<8192xi32, #tpu.memory_space<hbm>>
        tpu.enqueue_dma source(%dma_start3A_92 : memref<8192xi32, #tpu.memory_space<hbm>>) target(%arg10 : memref<8192xi32, #tpu.memory_space<vmem>>) target_semaphore(%run_scoped3A : memref<!tpu.dma_semaphore, #tpu.memory_space<semaphore_mem>>)
        %dma_wait3A_93 = tpu.memref_slice %arg3[%multiple_of3A_75] : memref<2097152xi32, #tpu.memory_space<hbm>> -> memref<8192xi32, #tpu.memory_space<hbm>>
        %dma_wait3A_94 = tpu.memref_slice %arg3[%multiple_of3A_75] : memref<2097152xi32, #tpu.memory_space<hbm>> -> memref<8192xi32, #tpu.memory_space<hbm>>
        tpu.wait_dma2 semaphore(%run_scoped3A : memref<!tpu.dma_semaphore, #tpu.memory_space<semaphore_mem>>) src(%dma_wait3A_94 : memref<8192xi32, #tpu.memory_space<hbm>>) dst(%arg10 : memref<8192xi32, #tpu.memory_space<vmem>>)
        tpu.yield
      }) : () -> ()
      %scan3A_76 = arith.constant 0 : i32
      %scan3A_77 = arith.constant 0 : i32
      %scan3A_78 = arith.constant 512 : i32
      %scan3A_79 = arith.addi %scan3A_77, %scan3A_78 : i32
      %scan3A_80 = arith.constant 1 : i32
      %scan3A_81 = scf.for %scan3A_91 = %scan3A_77 to %scan3A_79 step %scan3A_80 iter_args(%scan3A_92 = %scan3A_76) -> (i32)  : i32 {
        %mul3A_93 = arith.constant 16 : i32
        %mul3A_94 = arith.muli %scan3A_91, %mul3A_93 : i32
        %multiple_of3A_95 = tpu.assume_multiple %mul3A_94, 16 : i32
        %get3A = arith.index_cast %multiple_of3A_95 : i32 to index
        %get3A_96 = tpu.vector_load %arg9[%get3A] {strides = array<i32>} : memref<8192xi32, #tpu.memory_space<vmem>>, vector<16xi32>,
        %get3A_97 = arith.index_cast %multiple_of3A_95 : i32 to index
        %get3A_98 = tpu.vector_load %arg10[%get3A_97] {strides = array<i32>} : memref<8192xi32, #tpu.memory_space<vmem>>, vector<16xi32>,
        %gather3A = tpu.vector_load_idx %arg18[%get3A_96] : memref<2048xi32, #tpu.memory_space<vmem>>[vector<16xi32>], vector<16xi32>,
        %add3A_99 = arith.addi %get3A_98, %gather3A : vector<16xi32>
        %shift_right_arithmetic3A = arith.constant 11 : i32
        %shift_right_arithmetic3A_100 = vector.broadcast %shift_right_arithmetic3A : i32 to vector<16xi32>
        %shift_right_arithmetic3A_101 = arith.shrsi %add3A_99, %shift_right_arithmetic3A_100 : vector<16xi32>
        %swap3A = arith.index_cast %multiple_of3A_95 : i32 to index
        %swap3A_102 = tpu.vector_load %arg13[%swap3A] {strides = array<i32>} : memref<8192xi32, #tpu.memory_space<vmem>>, vector<16xi32>,
        tpu.vector_store %arg13[%swap3A], %shift_right_arithmetic3A_101 {strides = array<i32>} : memref<8192xi32, #tpu.memory_space<vmem>>, vector<16xi32>,
        %broadcast_in_dim3A_103 = arith.constant true
        %broadcast_in_dim3A_104 = vector.broadcast %broadcast_in_dim3A_103 : i1 to vector<16xi1>
        %unique3A, %unique3A_105 = tpu.scan_count mask(%broadcast_in_dim3A_104 : vector<16xi1>) value(%get3A_96 : vector<16xi32>) : vector<16xi1>, vector<16xi32>
        %gather3A_106 = tpu.vector_load_idx %arg17[%get3A_96] : memref<2048xi32, #tpu.memory_space<vmem>>[vector<16xi32>], vector<16xi32>,
        %add3A_107 = arith.addi %gather3A_106, %unique3A_105 : vector<16xi32>
        tpu.vector_store_idx %arg17[%get3A_96], %add3A_107 masked %unique3A : memref<2048xi32, #tpu.memory_space<vmem>>[vector<16xi32>], vector<16xi32>, vector<16xi1>
        %add3A_108 = arith.addi %gather3A_106, %unique3A_105 : vector<16xi32>
        %sub3A = arith.constant 1 : i32
        %sub3A_109 = vector.broadcast %sub3A : i32 to vector<16xi32>
        %sub3A_110 = arith.subi %add3A_108, %sub3A_109 : vector<16xi32>
        %sub3A_111 = vector.broadcast %mul3A_31 : i32 to vector<16xi32>
        %sub3A_112 = arith.subi %sub3A_110, %sub3A_111 : vector<16xi32>
        %ge3A = arith.constant 0 : i32
        %ge3A_113 = vector.broadcast %ge3A : i32 to vector<16xi32>
        %ge3A_114 = arith.cmpi sge, %sub3A_112, %ge3A_113 : vector<16xi32>
        %lt3A = arith.constant 1048576 : i32
        %lt3A_115 = vector.broadcast %lt3A : i32 to vector<16xi32>
        %lt3A_116 = arith.cmpi slt, %sub3A_112, %lt3A_115 : vector<16xi32>
        %and3A = arith.andi %ge3A_114, %lt3A_116 : vector<16xi1>
        %add3A_117 = arith.constant 1048576 : i32
        %add3A_118 = vector.broadcast %add3A_117 : i32 to vector<16xi32>
        %add3A_119 = arith.addi %add3A_118, %iota3A : vector<16xi32>
        %select_n3A = arith.select %and3A, %sub3A_112, %add3A_119 : vector<16xi1>, vector<16xi32>
        %swap3A_120 = arith.index_cast %multiple_of3A_95 : i32 to index
        %swap3A_121 = tpu.vector_load %arg12[%swap3A_120] {strides = array<i32>} : memref<8192xi32, #tpu.memory_space<vmem>>, vector<16xi32>,
        tpu.vector_store %arg12[%swap3A_120], %select_n3A {strides = array<i32>} : memref<8192xi32, #tpu.memory_space<vmem>>, vector<16xi32>,
        %and3A_122 = arith.constant 2047 : i32
        %and3A_123 = vector.broadcast %and3A_122 : i32 to vector<16xi32>
        %and3A_124 = arith.andi %add3A_99, %and3A_123 : vector<16xi32>
        %shift_left3A = arith.constant 21 : i32
        %shift_left3A_125 = vector.broadcast %shift_left3A : i32 to vector<16xi32>
        %shift_left3A_126 = arith.shli %and3A_124, %shift_left3A_125 : vector<16xi32>
        %mul3A_127 = arith.constant 16 : i32
        %mul3A_128 = arith.muli %scan3A_91, %mul3A_127 : i32
        %add3A_129 = arith.addi %add3A_73, %mul3A_128 : i32
        %add3A_130 = vector.broadcast %add3A_129 : i32 to vector<16xi32>
        %add3A_131 = arith.addi %add3A_130, %iota3A : vector<16xi32>
        %or3A = arith.ori %shift_left3A_126, %add3A_131 : vector<16xi32>
        %swap3A_132 = arith.index_cast %multiple_of3A_95 : i32 to index
        %swap3A_133 = tpu.vector_load %arg11[%swap3A_132] {strides = array<i32>} : memref<8192xi32, #tpu.memory_space<vmem>>, vector<16xi32>,
        tpu.vector_store %arg11[%swap3A_132], %or3A {strides = array<i32>} : memref<8192xi32, #tpu.memory_space<vmem>>, vector<16xi32>,
        %scan3A_134 = arith.constant 0 : i32
        scf.yield %scan3A_134 : i32
      }
      %scan3A_82 = arith.constant 512 : i32
      %eq3A_83 = arith.constant 0 : i32
      %eq3A_84 = arith.cmpi eq, %arg0, %eq3A_83 : i32
      %convert_element_type3A_85 = arith.extui %eq3A_84 : i1 to i32
      %cond3A_86 = arith.constant 0 : i32
      %cond3A_87 = arith.cmpi ne, %convert_element_type3A_85, %cond3A_86 : i32
      scf.if %cond3A_87 {
        %multiple_of3A_91 = tpu.assume_multiple %add3A_73, 8 : i32
        "tpu.region"() ({
          %run_scoped3A = tpu.sem_alloc : memref<!tpu.dma_semaphore, #tpu.memory_space<semaphore_mem>>
          %dma_start3A_92 = tpu.memref_slice %arg7[%multiple_of3A_91] : memref<2097152xi32, #tpu.memory_space<hbm>> -> memref<8192xi32, #tpu.memory_space<hbm>>
          %dma_start3A_93 = tpu.memref_slice %arg7[%multiple_of3A_91] : memref<2097152xi32, #tpu.memory_space<hbm>> -> memref<8192xi32, #tpu.memory_space<hbm>>
          tpu.enqueue_dma source(%arg13 : memref<8192xi32, #tpu.memory_space<vmem>>) target(%dma_start3A_93 : memref<8192xi32, #tpu.memory_space<hbm>>) target_semaphore(%run_scoped3A : memref<!tpu.dma_semaphore, #tpu.memory_space<semaphore_mem>>)
          %dma_wait3A_94 = tpu.memref_slice %arg7[%multiple_of3A_91] : memref<2097152xi32, #tpu.memory_space<hbm>> -> memref<8192xi32, #tpu.memory_space<hbm>>
          %dma_wait3A_95 = tpu.memref_slice %arg7[%multiple_of3A_91] : memref<2097152xi32, #tpu.memory_space<hbm>> -> memref<8192xi32, #tpu.memory_space<hbm>>
          tpu.wait_dma2 semaphore(%run_scoped3A : memref<!tpu.dma_semaphore, #tpu.memory_space<semaphore_mem>>) src(%arg13 : memref<8192xi32, #tpu.memory_space<vmem>>) dst(%dma_wait3A_95 : memref<8192xi32, #tpu.memory_space<hbm>>)
          tpu.yield
        }) : () -> ()
      } else {
      }
      %dma_start3A = arith.constant 0 : i32
      %dma_start3A_88 = tpu.memref_slice %arg14[%dma_start3A] : memref<1048592xi32, #tpu.memory_space<vmem_shared>> -> memref<1048592xi32, #tpu.memory_space<vmem_shared>>
      tpu.enqueue_indirect_dma source(%arg11 : memref<8192xi32, #tpu.memory_space<vmem>>) target(%dma_start3A_88 : memref<1048592xi32, #tpu.memory_space<vmem_shared>>) offsets(%arg12 : memref<8192xi32, #tpu.memory_space<vmem>>) semaphore(%arg19 : memref<!tpu.dma_semaphore, #tpu.memory_space<semaphore_mem>>)
      %dma_wait3A = arith.constant 0 : i32
      %dma_wait3A_89 = tpu.memref_slice %arg14[%dma_wait3A] : memref<1048592xi32, #tpu.memory_space<vmem_shared>> -> memref<1048592xi32, #tpu.memory_space<vmem_shared>>
      tpu.wait_indirect_dma semaphore(%arg19 : memref<!tpu.dma_semaphore, #tpu.memory_space<semaphore_mem>>) src(%arg11 : memref<8192xi32, #tpu.memory_space<vmem>>) dst(%dma_wait3A_89 : memref<1048592xi32, #tpu.memory_space<vmem_shared>>)
      %scan3A_90 = arith.constant 0 : i32
      scf.yield %scan3A_90 : i32
    }
    %scan3A_42 = arith.constant 16 : i32
    %barrier3A = arith.constant 0 : index
    tpu.barrier barrier_id(%barrier3A)
    %mul3A_43 = arith.constant 65536 : i32
    %mul3A_44 = arith.muli %arg1, %mul3A_43 : i32
    %mul3A_45 = arith.constant 65536 : i32
    %mul3A_46 = arith.muli %arg1, %mul3A_45 : i32
    %add3A_47 = arith.addi %mul3A_31, %mul3A_46 : i32
    %multiple_of3A = tpu.assume_multiple %add3A_47, 8 : i32
    "tpu.region"() ({
      %run_scoped3A = tpu.sem_alloc : memref<!tpu.dma_semaphore, #tpu.memory_space<semaphore_mem>>
      %dma_start3A = tpu.memref_slice %arg5[%multiple_of3A] : memref<2097152xi32, #tpu.memory_space<hbm>> -> memref<65536xi32, #tpu.memory_space<hbm>>
      %dma_start3A_67 = tpu.memref_slice %arg14[%mul3A_44] : memref<1048592xi32, #tpu.memory_space<vmem_shared>> -> memref<65536xi32, #tpu.memory_space<vmem_shared>>
      tpu.enqueue_dma source(%dma_start3A_67 : memref<65536xi32, #tpu.memory_space<vmem_shared>>) target(%dma_start3A : memref<65536xi32, #tpu.memory_space<hbm>>) target_semaphore(%run_scoped3A : memref<!tpu.dma_semaphore, #tpu.memory_space<semaphore_mem>>)
      %dma_wait3A = tpu.memref_slice %arg5[%multiple_of3A] : memref<2097152xi32, #tpu.memory_space<hbm>> -> memref<65536xi32, #tpu.memory_space<hbm>>
      %dma_wait3A_68 = tpu.memref_slice %arg14[%mul3A_44] : memref<1048592xi32, #tpu.memory_space<vmem_shared>> -> memref<65536xi32, #tpu.memory_space<vmem_shared>>
      tpu.wait_dma2 semaphore(%run_scoped3A : memref<!tpu.dma_semaphore, #tpu.memory_space<semaphore_mem>>) src(%dma_wait3A_68 : memref<65536xi32, #tpu.memory_space<vmem_shared>>) dst(%dma_wait3A : memref<65536xi32, #tpu.memory_space<hbm>>)
      tpu.yield
    }) : () -> ()
    %scan3A_48 = arith.constant 0 : i32
    %scan3A_49 = arith.constant 0 : i32
    %scan3A_50 = arith.constant 128 : i32
    %scan3A_51 = arith.addi %scan3A_49, %scan3A_50 : i32
    %scan3A_52 = arith.constant 1 : i32
    %scan3A_53 = scf.for %scan3A_67 = %scan3A_49 to %scan3A_51 step %scan3A_52 iter_args(%scan3A_68 = %scan3A_48) -> (i32)  : i32 {
      %broadcast_in_dim3A_69 = arith.constant 0 : i32
      %broadcast_in_dim3A_70 = vector.broadcast %broadcast_in_dim3A_69 : i32 to vector<16xi32>
      %mul3A_71 = arith.constant 16 : i32
      %mul3A_72 = arith.muli %scan3A_67, %mul3A_71 : i32
      %multiple_of3A_73 = tpu.assume_multiple %mul3A_72, 16 : i32
      %swap3A = arith.index_cast %multiple_of3A_73 : i32 to index
      %swap3A_74 = tpu.vector_load %arg16[%swap3A] {strides = array<i32>} : memref<2048xi32, #tpu.memory_space<vmem>>, vector<16xi32>,
      tpu.vector_store %arg16[%swap3A], %broadcast_in_dim3A_70 {strides = array<i32>} : memref<2048xi32, #tpu.memory_space<vmem>>, vector<16xi32>,
      %scan3A_75 = arith.constant 0 : i32
      scf.yield %scan3A_75 : i32
    }
    %scan3A_54 = arith.constant 128 : i32
    %broadcast_in_dim3A_55 = arith.constant 1 : i32
    %broadcast_in_dim3A_56 = vector.broadcast %broadcast_in_dim3A_55 : i32 to vector<16xi32>
    %scan3A_57 = arith.constant 0 : i32
    %scan3A_58 = arith.constant 0 : i32
    %scan3A_59 = arith.constant 8 : i32
    %scan3A_60 = arith.addi %scan3A_58, %scan3A_59 : i32
    %scan3A_61 = arith.constant 1 : i32
    %scan3A_62 = scf.for %scan3A_67 = %scan3A_58 to %scan3A_60 step %scan3A_61 iter_args(%scan3A_68 = %scan3A_57) -> (i32)  : i32 {
      %mul3A_69 = arith.constant 65536 : i32
      %mul3A_70 = arith.muli %arg1, %mul3A_69 : i32
      %mul3A_71 = arith.constant 8192 : i32
      %mul3A_72 = arith.muli %scan3A_67, %mul3A_71 : i32
      %add3A_73 = arith.addi %mul3A_70, %mul3A_72 : i32
      "tpu.region"() ({
        %run_scoped3A = tpu.sem_alloc : memref<!tpu.dma_semaphore, #tpu.memory_space<semaphore_mem>>
        %dma_start3A = tpu.memref_slice %arg14[%add3A_73] : memref<1048592xi32, #tpu.memory_space<vmem_shared>> -> memref<8192xi32, #tpu.memory_space<vmem_shared>>
        %dma_start3A_82 = tpu.memref_slice %arg14[%add3A_73] : memref<1048592xi32, #tpu.memory_space<vmem_shared>> -> memref<8192xi32, #tpu.memory_space<vmem_shared>>
        tpu.enqueue_dma source(%dma_start3A_82 : memref<8192xi32, #tpu.memory_space<vmem_shared>>) target(%arg9 : memref<8192xi32, #tpu.memory_space<vmem>>) target_semaphore(%run_scoped3A : memref<!tpu.dma_semaphore, #tpu.memory_space<semaphore_mem>>)
        %dma_wait3A = tpu.memref_slice %arg14[%add3A_73] : memref<1048592xi32, #tpu.memory_space<vmem_shared>> -> memref<8192xi32, #tpu.memory_space<vmem_shared>>
        %dma_wait3A_83 = tpu.memref_slice %arg14[%add3A_73] : memref<1048592xi32, #tpu.memory_space<vmem_shared>> -> memref<8192xi32, #tpu.memory_space<vmem_shared>>
        tpu.wait_dma2 semaphore(%run_scoped3A : memref<!tpu.dma_semaphore, #tpu.memory_space<semaphore_mem>>) src(%dma_wait3A_83 : memref<8192xi32, #tpu.memory_space<vmem_shared>>) dst(%arg9 : memref<8192xi32, #tpu.memory_space<vmem>>)
        tpu.yield
      }) : () -> ()
      %scan3A_74 = arith.constant 0 : i32
      %scan3A_75 = arith.constant 0 : i32
      %scan3A_76 = arith.constant 512 : i32
      %scan3A_77 = arith.addi %scan3A_75, %scan3A_76 : i32
      %scan3A_78 = arith.constant 1 : i32
      %scan3A_79 = scf.for %scan3A_82 = %scan3A_75 to %scan3A_77 step %scan3A_78 iter_args(%scan3A_83 = %scan3A_74) -> (i32)  : i32 {
        %mul3A_84 = arith.constant 16 : i32
        %mul3A_85 = arith.muli %scan3A_82, %mul3A_84 : i32
        %multiple_of3A_86 = tpu.assume_multiple %mul3A_85, 16 : i32
        %get3A = arith.index_cast %multiple_of3A_86 : i32 to index
        %get3A_87 = tpu.vector_load %arg9[%get3A] {strides = array<i32>} : memref<8192xi32, #tpu.memory_space<vmem>>, vector<16xi32>,
        %shift_right_arithmetic3A = arith.constant 21 : i32
        %shift_right_arithmetic3A_88 = vector.broadcast %shift_right_arithmetic3A : i32 to vector<16xi32>
        %shift_right_arithmetic3A_89 = arith.shrsi %get3A_87, %shift_right_arithmetic3A_88 : vector<16xi32>
        %and3A = arith.constant 2047 : i32
        %and3A_90 = vector.broadcast %and3A : i32 to vector<16xi32>
        %and3A_91 = arith.andi %shift_right_arithmetic3A_89, %and3A_90 : vector<16xi32>
        tpu.vector_store_idx %arg16[%and3A_91], %broadcast_in_dim3A_56 {add = true} : memref<2048xi32, #tpu.memory_space<vmem>>[vector<16xi32>], vector<16xi32>,
        %scan3A_92 = arith.constant 0 : i32
        scf.yield %scan3A_92 : i32
      }
      %scan3A_80 = arith.constant 512 : i32
      %scan3A_81 = arith.constant 0 : i32
      scf.yield %scan3A_81 : i32
    }
    %scan3A_63 = arith.constant 8 : i32
    %mul3A_64 = arith.constant 16 : i32
    %mul3A_65 = arith.muli %arg0, %mul3A_64 : i32
    %add3A_66 = arith.addi %mul3A_65, %arg1 : i32
    "tpu.region"() ({
      %run_scoped3A = tpu.sem_alloc : memref<!tpu.dma_semaphore, #tpu.memory_space<semaphore_mem>>
      %dma_start3A = arith.constant 0 : i32
      %dma_start3A_67 = tpu.memref_slice %arg8[%add3A_66, %dma_start3A] : memref<32x2048xi32, #tpu.memory_space<hbm>> -> memref<1x2048xi32, #tpu.memory_space<hbm>>
      %dma_start3A_68 = tpu.memref_squeeze %dma_start3A_67 : memref<1x2048xi32, #tpu.memory_space<hbm>> -> memref<2048xi32, #tpu.memory_space<hbm>>
      %dma_start3A_69 = arith.constant 0 : i32
      %dma_start3A_70 = tpu.memref_slice %arg8[%add3A_66, %dma_start3A_69] : memref<32x2048xi32, #tpu.memory_space<hbm>> -> memref<1x2048xi32, #tpu.memory_space<hbm>>
      %dma_start3A_71 = tpu.memref_squeeze %dma_start3A_70 : memref<1x2048xi32, #tpu.memory_space<hbm>> -> memref<2048xi32, #tpu.memory_space<hbm>>
      tpu.enqueue_dma source(%arg16 : memref<2048xi32, #tpu.memory_space<vmem>>) target(%dma_start3A_71 : memref<2048xi32, #tpu.memory_space<hbm>>) target_semaphore(%run_scoped3A : memref<!tpu.dma_semaphore, #tpu.memory_space<semaphore_mem>>)
      %dma_wait3A = arith.constant 0 : i32
      %dma_wait3A_72 = tpu.memref_slice %arg8[%add3A_66, %dma_wait3A] : memref<32x2048xi32, #tpu.memory_space<hbm>> -> memref<1x2048xi32, #tpu.memory_space<hbm>>
      %dma_wait3A_73 = tpu.memref_squeeze %dma_wait3A_72 : memref<1x2048xi32, #tpu.memory_space<hbm>> -> memref<2048xi32, #tpu.memory_space<hbm>>
      %dma_wait3A_74 = arith.constant 0 : i32
      %dma_wait3A_75 = tpu.memref_slice %arg8[%add3A_66, %dma_wait3A_74] : memref<32x2048xi32, #tpu.memory_space<hbm>> -> memref<1x2048xi32, #tpu.memory_space<hbm>>
      %dma_wait3A_76 = tpu.memref_squeeze %dma_wait3A_75 : memref<1x2048xi32, #tpu.memory_space<hbm>> -> memref<2048xi32, #tpu.memory_space<hbm>>
      tpu.wait_dma2 semaphore(%run_scoped3A : memref<!tpu.dma_semaphore, #tpu.memory_space<semaphore_mem>>) src(%arg16 : memref<2048xi32, #tpu.memory_space<vmem>>) dst(%dma_wait3A_76 : memref<2048xi32, #tpu.memory_space<hbm>>)
      tpu.yield
    }) : () -> ()
    return
  }
}

#map = affine_map<(d0, d1) -> (0)>
#map1 = affine_map<(d0, d1) -> (0, 0)>
module attributes {stable_mosaic.version = 14 : i64} {
  func.func @_hist_a(%arg0: i32, %arg1: i32, %arg2: memref<2097152xi32, #tpu.memory_space<hbm>>, %arg3: memref<32x2048xi32, #tpu.memory_space<hbm>>, %arg4: memref<8192xi32, #tpu.memory_space<vmem>>, %arg5: memref<2048xi32, #tpu.memory_space<vmem>>) attributes {dimension_semantics = [#tpu.dimension_semantics<core_parallel>, #tpu.dimension_semantics<subcore_parallel>], iteration_bounds = array<i64: 2, 16>, scalar_prefetch = 0 : i64, scratch_operands = 2 : i64, tpu.core_type = #tpu.core_type<sc_vector_subcore>, window_params = [{transform_indices = #map}, {transform_indices = #map1}]} {
    %mul3A = arith.constant 2 : i32
    %mul3A_0 = arith.muli %arg1, %mul3A : i32
    %add3A = arith.addi %mul3A_0, %arg0 : i32
    %scan3A = arith.constant 0 : i32
    %scan3A_1 = arith.constant 0 : i32
    %scan3A_2 = arith.constant 128 : i32
    %scan3A_3 = arith.addi %scan3A_1, %scan3A_2 : i32
    %scan3A_4 = arith.constant 1 : i32
    %scan3A_5 = scf.for %scan3A_15 = %scan3A_1 to %scan3A_3 step %scan3A_4 iter_args(%scan3A_16 = %scan3A) -> (i32)  : i32 {
      %broadcast_in_dim3A_17 = arith.constant 0 : i32
      %broadcast_in_dim3A_18 = vector.broadcast %broadcast_in_dim3A_17 : i32 to vector<16xi32>
      %mul3A_19 = arith.constant 16 : i32
      %mul3A_20 = arith.muli %scan3A_15, %mul3A_19 : i32
      %multiple_of3A = tpu.assume_multiple %mul3A_20, 16 : i32
      %swap3A = arith.index_cast %multiple_of3A : i32 to index
      %swap3A_21 = tpu.vector_load %arg5[%swap3A] {strides = array<i32>} : memref<2048xi32, #tpu.memory_space<vmem>>, vector<16xi32>,
      tpu.vector_store %arg5[%swap3A], %broadcast_in_dim3A_18 {strides = array<i32>} : memref<2048xi32, #tpu.memory_space<vmem>>, vector<16xi32>,
      %scan3A_22 = arith.constant 0 : i32
      scf.yield %scan3A_22 : i32
    }
    %scan3A_6 = arith.constant 128 : i32
    %broadcast_in_dim3A = arith.constant 1 : i32
    %broadcast_in_dim3A_7 = vector.broadcast %broadcast_in_dim3A : i32 to vector<16xi32>
    %scan3A_8 = arith.constant 0 : i32
    %scan3A_9 = arith.constant 0 : i32
    %scan3A_10 = arith.constant 8 : i32
    %scan3A_11 = arith.addi %scan3A_9, %scan3A_10 : i32
    %scan3A_12 = arith.constant 1 : i32
    %scan3A_13 = scf.for %scan3A_15 = %scan3A_9 to %scan3A_11 step %scan3A_12 iter_args(%scan3A_16 = %scan3A_8) -> (i32)  : i32 {
      %mul3A_17 = arith.constant 65536 : i32
      %mul3A_18 = arith.muli %add3A, %mul3A_17 : i32
      %mul3A_19 = arith.constant 8192 : i32
      %mul3A_20 = arith.muli %scan3A_15, %mul3A_19 : i32
      %add3A_21 = arith.addi %mul3A_18, %mul3A_20 : i32
      %multiple_of3A = tpu.assume_multiple %add3A_21, 8 : i32
      "tpu.region"() ({
        %run_scoped3A = tpu.sem_alloc : memref<!tpu.dma_semaphore, #tpu.memory_space<semaphore_mem>>
        %dma_start3A = tpu.memref_slice %arg2[%multiple_of3A] : memref<2097152xi32, #tpu.memory_space<hbm>> -> memref<8192xi32, #tpu.memory_space<hbm>>
        %dma_start3A_30 = tpu.memref_slice %arg2[%multiple_of3A] : memref<2097152xi32, #tpu.memory_space<hbm>> -> memref<8192xi32, #tpu.memory_space<hbm>>
        tpu.enqueue_dma source(%dma_start3A_30 : memref<8192xi32, #tpu.memory_space<hbm>>) target(%arg4 : memref<8192xi32, #tpu.memory_space<vmem>>) target_semaphore(%run_scoped3A : memref<!tpu.dma_semaphore, #tpu.memory_space<semaphore_mem>>)
        %dma_wait3A = tpu.memref_slice %arg2[%multiple_of3A] : memref<2097152xi32, #tpu.memory_space<hbm>> -> memref<8192xi32, #tpu.memory_space<hbm>>
        %dma_wait3A_31 = tpu.memref_slice %arg2[%multiple_of3A] : memref<2097152xi32, #tpu.memory_space<hbm>> -> memref<8192xi32, #tpu.memory_space<hbm>>
        tpu.wait_dma2 semaphore(%run_scoped3A : memref<!tpu.dma_semaphore, #tpu.memory_space<semaphore_mem>>) src(%dma_wait3A_31 : memref<8192xi32, #tpu.memory_space<hbm>>) dst(%arg4 : memref<8192xi32, #tpu.memory_space<vmem>>)
        tpu.yield
      }) : () -> ()
      %scan3A_22 = arith.constant 0 : i32
      %scan3A_23 = arith.constant 0 : i32
      %scan3A_24 = arith.constant 512 : i32
      %scan3A_25 = arith.addi %scan3A_23, %scan3A_24 : i32
      %scan3A_26 = arith.constant 1 : i32
      %scan3A_27 = scf.for %scan3A_30 = %scan3A_23 to %scan3A_25 step %scan3A_26 iter_args(%scan3A_31 = %scan3A_22) -> (i32)  : i32 {
        %mul3A_32 = arith.constant 16 : i32
        %mul3A_33 = arith.muli %scan3A_30, %mul3A_32 : i32
        %multiple_of3A_34 = tpu.assume_multiple %mul3A_33, 16 : i32
        %get3A = arith.index_cast %multiple_of3A_34 : i32 to index
        %get3A_35 = tpu.vector_load %arg4[%get3A] {strides = array<i32>} : memref<8192xi32, #tpu.memory_space<vmem>>, vector<16xi32>,
        %and3A = arith.constant 2047 : i32
        %and3A_36 = vector.broadcast %and3A : i32 to vector<16xi32>
        %and3A_37 = arith.andi %get3A_35, %and3A_36 : vector<16xi32>
        tpu.vector_store_idx %arg5[%and3A_37], %broadcast_in_dim3A_7 {add = true} : memref<2048xi32, #tpu.memory_space<vmem>>[vector<16xi32>], vector<16xi32>,
        %scan3A_38 = arith.constant 0 : i32
        scf.yield %scan3A_38 : i32
      }
      %scan3A_28 = arith.constant 512 : i32
      %scan3A_29 = arith.constant 0 : i32
      scf.yield %scan3A_29 : i32
    }
    %scan3A_14 = arith.constant 8 : i32
    "tpu.region"() ({
      %run_scoped3A = tpu.sem_alloc : memref<!tpu.dma_semaphore, #tpu.memory_space<semaphore_mem>>
      %dma_start3A = arith.constant 0 : i32
      %dma_start3A_15 = tpu.memref_slice %arg3[%add3A, %dma_start3A] : memref<32x2048xi32, #tpu.memory_space<hbm>> -> memref<1x2048xi32, #tpu.memory_space<hbm>>
      %dma_start3A_16 = tpu.memref_squeeze %dma_start3A_15 : memref<1x2048xi32, #tpu.memory_space<hbm>> -> memref<2048xi32, #tpu.memory_space<hbm>>
      %dma_start3A_17 = arith.constant 0 : i32
      %dma_start3A_18 = tpu.memref_slice %arg3[%add3A, %dma_start3A_17] : memref<32x2048xi32, #tpu.memory_space<hbm>> -> memref<1x2048xi32, #tpu.memory_space<hbm>>
      %dma_start3A_19 = tpu.memref_squeeze %dma_start3A_18 : memref<1x2048xi32, #tpu.memory_space<hbm>> -> memref<2048xi32, #tpu.memory_space<hbm>>
      tpu.enqueue_dma source(%arg5 : memref<2048xi32, #tpu.memory_space<vmem>>) target(%dma_start3A_19 : memref<2048xi32, #tpu.memory_space<hbm>>) target_semaphore(%run_scoped3A : memref<!tpu.dma_semaphore, #tpu.memory_space<semaphore_mem>>)
      %dma_wait3A = arith.constant 0 : i32
      %dma_wait3A_20 = tpu.memref_slice %arg3[%add3A, %dma_wait3A] : memref<32x2048xi32, #tpu.memory_space<hbm>> -> memref<1x2048xi32, #tpu.memory_space<hbm>>
      %dma_wait3A_21 = tpu.memref_squeeze %dma_wait3A_20 : memref<1x2048xi32, #tpu.memory_space<hbm>> -> memref<2048xi32, #tpu.memory_space<hbm>>
      %dma_wait3A_22 = arith.constant 0 : i32
      %dma_wait3A_23 = tpu.memref_slice %arg3[%add3A, %dma_wait3A_22] : memref<32x2048xi32, #tpu.memory_space<hbm>> -> memref<1x2048xi32, #tpu.memory_space<hbm>>
      %dma_wait3A_24 = tpu.memref_squeeze %dma_wait3A_23 : memref<1x2048xi32, #tpu.memory_space<hbm>> -> memref<2048xi32, #tpu.memory_space<hbm>>
      tpu.wait_dma2 semaphore(%run_scoped3A : memref<!tpu.dma_semaphore, #tpu.memory_space<semaphore_mem>>) src(%arg5 : memref<2048xi32, #tpu.memory_space<vmem>>) dst(%dma_wait3A_24 : memref<2048xi32, #tpu.memory_space<hbm>>)
      tpu.yield
    }) : () -> ()
    return
  }
}

#map = affine_map<(d0, d1) -> (0)>
#map1 = affine_map<(d0, d1) -> (0, 0)>
module attributes {stable_mosaic.version = 14 : i64} {
  func.func @_perm_b(%arg0: i32, %arg1: i32, %arg2: memref<2097152xi32, #tpu.memory_space<hbm>>, %arg3: memref<2097152xi32, #tpu.memory_space<hbm>>, %arg4: memref<32x2048xi32, #tpu.memory_space<hbm>>, %arg5: memref<2097152xi32, #tpu.memory_space<hbm>>, %arg6: memref<32x2048xi32, #tpu.memory_space<hbm>>, %arg7: memref<8192xi32, #tpu.memory_space<vmem>>, %arg8: memref<8192xi32, #tpu.memory_space<vmem>>, %arg9: memref<8192xi32, #tpu.memory_space<vmem>>, %arg10: memref<8192xi32, #tpu.memory_space<vmem>>, %arg11: memref<8192xi32, #tpu.memory_space<vmem>>, %arg12: memref<1048592xi32, #tpu.memory_space<vmem_shared>>, %arg13: memref<2048xi32, #tpu.memory_space<vmem>>, %arg14: memref<2048xi32, #tpu.memory_space<vmem>>, %arg15: memref<2048xi32, #tpu.memory_space<vmem>>, %arg16: memref<!tpu.dma_semaphore, #tpu.memory_space<semaphore_mem>>, %arg17: memref<!tpu.dma_semaphore, #tpu.memory_space<semaphore_mem>>) attributes {dimension_semantics = [#tpu.dimension_semantics<core_parallel>, #tpu.dimension_semantics<subcore_parallel>], iteration_bounds = array<i64: 2, 16>, scalar_prefetch = 0 : i64, scratch_operands = 11 : i64, tpu.core_type = #tpu.core_type<sc_vector_subcore>, window_params = [{transform_indices = #map}, {transform_indices = #map}, {transform_indices = #map1}, {transform_indices = #map}, {transform_indices = #map1}]} {
    %mul3A = arith.constant 2 : i32
    %mul3A_0 = arith.muli %mul3A, %arg1 : i32
    %scan3A = arith.constant 0 : i32
    %scan3A_1 = arith.constant 0 : i32
    %scan3A_2 = arith.constant 128 : i32
    %scan3A_3 = arith.addi %scan3A_1, %scan3A_2 : i32
    %scan3A_4 = arith.constant 1 : i32
    %scan3A_5 = scf.for %scan3A_62 = %scan3A_1 to %scan3A_3 step %scan3A_4 iter_args(%scan3A_63 = %scan3A) -> (i32)  : i32 {
      %broadcast_in_dim3A_64 = arith.constant 0 : i32
      %broadcast_in_dim3A_65 = vector.broadcast %broadcast_in_dim3A_64 : i32 to vector<16xi32>
      %mul3A_66 = arith.constant 16 : i32
      %mul3A_67 = arith.muli %scan3A_62, %mul3A_66 : i32
      %multiple_of3A_68 = tpu.assume_multiple %mul3A_67, 16 : i32
      %swap3A = arith.index_cast %multiple_of3A_68 : i32 to index
      %swap3A_69 = tpu.vector_load %arg14[%swap3A] {strides = array<i32>} : memref<2048xi32, #tpu.memory_space<vmem>>, vector<16xi32>,
      tpu.vector_store %arg14[%swap3A], %broadcast_in_dim3A_65 {strides = array<i32>} : memref<2048xi32, #tpu.memory_space<vmem>>, vector<16xi32>,
      %scan3A_70 = arith.constant 0 : i32
      scf.yield %scan3A_70 : i32
    }
    %scan3A_6 = arith.constant 128 : i32
    %scan3A_7 = arith.constant 0 : i32
    %scan3A_8 = arith.constant 0 : i32
    %scan3A_9 = arith.constant 128 : i32
    %scan3A_10 = arith.addi %scan3A_8, %scan3A_9 : i32
    %scan3A_11 = arith.constant 1 : i32
    %scan3A_12 = scf.for %scan3A_62 = %scan3A_8 to %scan3A_10 step %scan3A_11 iter_args(%scan3A_63 = %scan3A_7) -> (i32)  : i32 {
      %broadcast_in_dim3A_64 = arith.constant 0 : i32
      %broadcast_in_dim3A_65 = vector.broadcast %broadcast_in_dim3A_64 : i32 to vector<16xi32>
      %mul3A_66 = arith.constant 16 : i32
      %mul3A_67 = arith.muli %scan3A_62, %mul3A_66 : i32
      %multiple_of3A_68 = tpu.assume_multiple %mul3A_67, 16 : i32
      %swap3A = arith.index_cast %multiple_of3A_68 : i32 to index
      %swap3A_69 = tpu.vector_load %arg15[%swap3A] {strides = array<i32>} : memref<2048xi32, #tpu.memory_space<vmem>>, vector<16xi32>,
      tpu.vector_store %arg15[%swap3A], %broadcast_in_dim3A_65 {strides = array<i32>} : memref<2048xi32, #tpu.memory_space<vmem>>, vector<16xi32>,
      %scan3A_70 = arith.constant 0 : i32
      scf.yield %scan3A_70 : i32
    }
    %scan3A_13 = arith.constant 128 : i32
    %scan3A_14 = arith.constant 0 : i32
    %scan3A_15 = arith.constant 0 : i32
    %scan3A_16 = arith.constant 32 : i32
    %scan3A_17 = arith.addi %scan3A_15, %scan3A_16 : i32
    %scan3A_18 = arith.constant 1 : i32
    %scan3A_19 = scf.for %scan3A_62 = %scan3A_15 to %scan3A_17 step %scan3A_18 iter_args(%scan3A_63 = %scan3A_14) -> (i32)  : i32 {
      "tpu.region"() ({
        %run_scoped3A = tpu.sem_alloc : memref<!tpu.dma_semaphore, #tpu.memory_space<semaphore_mem>>
        %dma_start3A = arith.constant 0 : i32
        %dma_start3A_72 = tpu.memref_slice %arg4[%scan3A_62, %dma_start3A] : memref<32x2048xi32, #tpu.memory_space<hbm>> -> memref<1x2048xi32, #tpu.memory_space<hbm>>
        %dma_start3A_73 = tpu.memref_squeeze %dma_start3A_72 : memref<1x2048xi32, #tpu.memory_space<hbm>> -> memref<2048xi32, #tpu.memory_space<hbm>>
        %dma_start3A_74 = arith.constant 0 : i32
        %dma_start3A_75 = tpu.memref_slice %arg4[%scan3A_62, %dma_start3A_74] : memref<32x2048xi32, #tpu.memory_space<hbm>> -> memref<1x2048xi32, #tpu.memory_space<hbm>>
        %dma_start3A_76 = tpu.memref_squeeze %dma_start3A_75 : memref<1x2048xi32, #tpu.memory_space<hbm>> -> memref<2048xi32, #tpu.memory_space<hbm>>
        tpu.enqueue_dma source(%dma_start3A_76 : memref<2048xi32, #tpu.memory_space<hbm>>) target(%arg13 : memref<2048xi32, #tpu.memory_space<vmem>>) target_semaphore(%run_scoped3A : memref<!tpu.dma_semaphore, #tpu.memory_space<semaphore_mem>>)
        %dma_wait3A = arith.constant 0 : i32
        %dma_wait3A_77 = tpu.memref_slice %arg4[%scan3A_62, %dma_wait3A] : memref<32x2048xi32, #tpu.memory_space<hbm>> -> memref<1x2048xi32, #tpu.memory_space<hbm>>
        %dma_wait3A_78 = tpu.memref_squeeze %dma_wait3A_77 : memref<1x2048xi32, #tpu.memory_space<hbm>> -> memref<2048xi32, #tpu.memory_space<hbm>>
        %dma_wait3A_79 = arith.constant 0 : i32
        %dma_wait3A_80 = tpu.memref_slice %arg4[%scan3A_62, %dma_wait3A_79] : memref<32x2048xi32, #tpu.memory_space<hbm>> -> memref<1x2048xi32, #tpu.memory_space<hbm>>
        %dma_wait3A_81 = tpu.memref_squeeze %dma_wait3A_80 : memref<1x2048xi32, #tpu.memory_space<hbm>> -> memref<2048xi32, #tpu.memory_space<hbm>>
        tpu.wait_dma2 semaphore(%run_scoped3A : memref<!tpu.dma_semaphore, #tpu.memory_space<semaphore_mem>>) src(%dma_wait3A_81 : memref<2048xi32, #tpu.memory_space<hbm>>) dst(%arg13 : memref<2048xi32, #tpu.memory_space<vmem>>)
        tpu.yield
      }) : () -> ()
      %lt3A = arith.cmpi slt, %scan3A_62, %mul3A_0 : i32
      %convert_element_type3A = arith.extui %lt3A : i1 to i32
      %scan3A_64 = arith.constant 0 : i32
      %scan3A_65 = arith.constant 0 : i32
      %scan3A_66 = arith.constant 128 : i32
      %scan3A_67 = arith.addi %scan3A_65, %scan3A_66 : i32
      %scan3A_68 = arith.constant 1 : i32
      %scan3A_69 = scf.for %scan3A_72 = %scan3A_65 to %scan3A_67 step %scan3A_68 iter_args(%scan3A_73 = %scan3A_64) -> (i32)  : i32 {
        %mul3A_74 = arith.constant 16 : i32
        %mul3A_75 = arith.muli %scan3A_72, %mul3A_74 : i32
        %multiple_of3A_76 = tpu.assume_multiple %mul3A_75, 16 : i32
        %get3A = arith.index_cast %multiple_of3A_76 : i32 to index
        %get3A_77 = tpu.vector_load %arg13[%get3A] {strides = array<i32>} : memref<2048xi32, #tpu.memory_space<vmem>>, vector<16xi32>,
        %get3A_78 = arith.index_cast %multiple_of3A_76 : i32 to index
        %get3A_79 = tpu.vector_load %arg14[%get3A_78] {strides = array<i32>} : memref<2048xi32, #tpu.memory_space<vmem>>, vector<16xi32>,
        %add3A_80 = arith.addi %get3A_79, %get3A_77 : vector<16xi32>
        %swap3A = arith.index_cast %multiple_of3A_76 : i32 to index
        %swap3A_81 = tpu.vector_load %arg14[%swap3A] {strides = array<i32>} : memref<2048xi32, #tpu.memory_space<vmem>>, vector<16xi32>,
        tpu.vector_store %arg14[%swap3A], %add3A_80 {strides = array<i32>} : memref<2048xi32, #tpu.memory_space<vmem>>, vector<16xi32>,
        %get3A_82 = arith.index_cast %multiple_of3A_76 : i32 to index
        %get3A_83 = tpu.vector_load %arg15[%get3A_82] {strides = array<i32>} : memref<2048xi32, #tpu.memory_space<vmem>>, vector<16xi32>,
        %mul3A_84 = vector.broadcast %convert_element_type3A : i32 to vector<16xi32>
        %mul3A_85 = arith.muli %get3A_77, %mul3A_84 : vector<16xi32>
        %add3A_86 = arith.addi %get3A_83, %mul3A_85 : vector<16xi32>
        %swap3A_87 = arith.index_cast %multiple_of3A_76 : i32 to index
        %swap3A_88 = tpu.vector_load %arg15[%swap3A_87] {strides = array<i32>} : memref<2048xi32, #tpu.memory_space<vmem>>, vector<16xi32>,
        tpu.vector_store %arg15[%swap3A_87], %add3A_86 {strides = array<i32>} : memref<2048xi32, #tpu.memory_space<vmem>>, vector<16xi32>,
        %scan3A_89 = arith.constant 0 : i32
        scf.yield %scan3A_89 : i32
      }
      %scan3A_70 = arith.constant 128 : i32
      %scan3A_71 = arith.constant 0 : i32
      scf.yield %scan3A_71 : i32
    }
    %scan3A_20 = arith.constant 32 : i32
    %broadcast_in_dim3A = arith.constant 15 : i32
    %broadcast_in_dim3A_21 = vector.broadcast %broadcast_in_dim3A : i32 to vector<16xi32>
    %broadcast_in_dim3A_22 = arith.constant 0 : i32
    %broadcast_in_dim3A_23 = vector.broadcast %broadcast_in_dim3A_22 : i32 to vector<16xi32>
    %scan3A_24 = arith.constant 0 : i32
    %scan3A_25 = arith.constant 128 : i32
    %scan3A_26 = arith.addi %scan3A_24, %scan3A_25 : i32
    %scan3A_27 = arith.constant 1 : i32
    %scan3A_28 = scf.for %scan3A_62 = %scan3A_24 to %scan3A_26 step %scan3A_27 iter_args(%scan3A_63 = %broadcast_in_dim3A_23) -> (vector<16xi32>)  : i32 {
      %mul3A_64 = arith.constant 16 : i32
      %mul3A_65 = arith.muli %scan3A_62, %mul3A_64 : i32
      %multiple_of3A_66 = tpu.assume_multiple %mul3A_65, 16 : i32
      %get3A = arith.index_cast %multiple_of3A_66 : i32 to index
      %get3A_67 = tpu.vector_load %arg14[%get3A] {strides = array<i32>} : memref<2048xi32, #tpu.memory_space<vmem>>, vector<16xi32>,
      %broadcast_in_dim3A_68 = arith.constant true
      %broadcast_in_dim3A_69 = vector.broadcast %broadcast_in_dim3A_68 : i1 to vector<16xi1>
      %masked_cumsum3A = tpu.scan <sum>, %get3A_67 masked %broadcast_in_dim3A_69 : vector<16xi32>, vector<16xi1> -> vector<16xi32>
      %sub3A = arith.subi %masked_cumsum3A, %get3A_67 : vector<16xi32>
      %add3A_70 = arith.addi %sub3A, %scan3A_63 : vector<16xi32>
      %get3A_71 = arith.index_cast %multiple_of3A_66 : i32 to index
      %get3A_72 = tpu.vector_load %arg15[%get3A_71] {strides = array<i32>} : memref<2048xi32, #tpu.memory_space<vmem>>, vector<16xi32>,
      %add3A_73 = arith.addi %get3A_72, %add3A_70 : vector<16xi32>
      %swap3A = arith.index_cast %multiple_of3A_66 : i32 to index
      %swap3A_74 = tpu.vector_load %arg15[%swap3A] {strides = array<i32>} : memref<2048xi32, #tpu.memory_space<vmem>>, vector<16xi32>,
      tpu.vector_store %arg15[%swap3A], %add3A_73 {strides = array<i32>} : memref<2048xi32, #tpu.memory_space<vmem>>, vector<16xi32>,
      %lt3A = arith.constant 0 : i32
      %lt3A_75 = vector.broadcast %lt3A : i32 to vector<16xi32>
      %lt3A_76 = arith.cmpi slt, %broadcast_in_dim3A_21, %lt3A_75 : vector<16xi32>
      %add3A_77 = arith.constant 16 : i32
      %add3A_78 = vector.broadcast %add3A_77 : i32 to vector<16xi32>
      %add3A_79 = arith.addi %broadcast_in_dim3A_21, %add3A_78 : vector<16xi32>
      %select_n3A = arith.select %lt3A_76, %add3A_79, %broadcast_in_dim3A_21 : vector<16xi1>, vector<16xi32>
      %broadcast_in_dim3A_80 = vector.shape_cast %select_n3A : vector<16xi32> to vector<16x1xi32>
      %gather3A = vector.shape_cast %broadcast_in_dim3A_80 : vector<16x1xi32> to vector<16xi32>
      %gather3A_81 = tpu.dynamic_gather %masked_cumsum3A[%gather3A] in [0] : vector<16xi32>, vector<16xi32> -> vector<16xi32>
      %add3A_82 = arith.addi %scan3A_63, %gather3A_81 : vector<16xi32>
      scf.yield %add3A_82 : vector<16xi32>
    }
    %scan3A_29 = arith.constant 128 : i32
    %mul3A_30 = arith.constant 1048576 : i32
    %mul3A_31 = arith.muli %arg0, %mul3A_30 : i32
    %iota3A = tpu.iota {dimensions = array<i32: 0>} : vector<16xi32>
    %scan3A_32 = arith.constant 0 : i32
    %scan3A_33 = arith.constant 0 : i32
    %scan3A_34 = arith.constant 16 : i32
    %scan3A_35 = arith.addi %scan3A_33, %scan3A_34 : i32
    %scan3A_36 = arith.constant 1 : i32
    %scan3A_37 = scf.for %scan3A_62 = %scan3A_33 to %scan3A_35 step %scan3A_36 iter_args(%scan3A_63 = %scan3A_32) -> (i32)  : i32 {
      %mul3A_64 = arith.constant 131072 : i32
      %mul3A_65 = arith.muli %arg1, %mul3A_64 : i32
      %mul3A_66 = arith.constant 8192 : i32
      %mul3A_67 = arith.muli %scan3A_62, %mul3A_66 : i32
      %add3A_68 = arith.addi %mul3A_65, %mul3A_67 : i32
      %multiple_of3A_69 = tpu.assume_multiple %add3A_68, 8 : i32
      "tpu.region"() ({
        %run_scoped3A = tpu.sem_alloc : memref<!tpu.dma_semaphore, #tpu.memory_space<semaphore_mem>>
        %dma_start3A_91 = tpu.memref_slice %arg2[%multiple_of3A_69] : memref<2097152xi32, #tpu.memory_space<hbm>> -> memref<8192xi32, #tpu.memory_space<hbm>>
        %dma_start3A_92 = tpu.memref_slice %arg2[%multiple_of3A_69] : memref<2097152xi32, #tpu.memory_space<hbm>> -> memref<8192xi32, #tpu.memory_space<hbm>>
        tpu.enqueue_dma source(%dma_start3A_92 : memref<8192xi32, #tpu.memory_space<hbm>>) target(%arg7 : memref<8192xi32, #tpu.memory_space<vmem>>) target_semaphore(%run_scoped3A : memref<!tpu.dma_semaphore, #tpu.memory_space<semaphore_mem>>)
        %dma_wait3A_93 = tpu.memref_slice %arg2[%multiple_of3A_69] : memref<2097152xi32, #tpu.memory_space<hbm>> -> memref<8192xi32, #tpu.memory_space<hbm>>
        %dma_wait3A_94 = tpu.memref_slice %arg2[%multiple_of3A_69] : memref<2097152xi32, #tpu.memory_space<hbm>> -> memref<8192xi32, #tpu.memory_space<hbm>>
        tpu.wait_dma2 semaphore(%run_scoped3A : memref<!tpu.dma_semaphore, #tpu.memory_space<semaphore_mem>>) src(%dma_wait3A_94 : memref<8192xi32, #tpu.memory_space<hbm>>) dst(%arg7 : memref<8192xi32, #tpu.memory_space<vmem>>)
        tpu.yield
      }) : () -> ()
      %scan3A_70 = arith.constant 0 : i32
      %scan3A_71 = arith.constant 0 : i32
      %scan3A_72 = arith.constant 512 : i32
      %scan3A_73 = arith.addi %scan3A_71, %scan3A_72 : i32
      %scan3A_74 = arith.constant 1 : i32
      %scan3A_75 = scf.for %scan3A_91 = %scan3A_71 to %scan3A_73 step %scan3A_74 iter_args(%scan3A_92 = %scan3A_70) -> (i32)  : i32 {
        %mul3A_93 = arith.constant 16 : i32
        %mul3A_94 = arith.muli %scan3A_91, %mul3A_93 : i32
        %multiple_of3A_95 = tpu.assume_multiple %mul3A_94, 16 : i32
        %get3A = arith.index_cast %multiple_of3A_95 : i32 to index
        %get3A_96 = tpu.vector_load %arg7[%get3A] {strides = array<i32>} : memref<8192xi32, #tpu.memory_space<vmem>>, vector<16xi32>,
        %and3A = arith.constant 2097151 : i32
        %and3A_97 = vector.broadcast %and3A : i32 to vector<16xi32>
        %and3A_98 = arith.andi %get3A_96, %and3A_97 : vector<16xi32>
        %swap3A = arith.index_cast %multiple_of3A_95 : i32 to index
        %swap3A_99 = tpu.vector_load %arg8[%swap3A] {strides = array<i32>} : memref<8192xi32, #tpu.memory_space<vmem>>, vector<16xi32>,
        tpu.vector_store %arg8[%swap3A], %and3A_98 {strides = array<i32>} : memref<8192xi32, #tpu.memory_space<vmem>>, vector<16xi32>,
        %scan3A_100 = arith.constant 0 : i32
        scf.yield %scan3A_100 : i32
      }
      %scan3A_76 = arith.constant 512 : i32
      %dma_start3A = arith.constant 0 : i32
      %dma_start3A_77 = tpu.memref_slice %arg3[%dma_start3A] : memref<2097152xi32, #tpu.memory_space<hbm>> -> memref<2097152xi32, #tpu.memory_space<hbm>>
      tpu.enqueue_indirect_dma source(%dma_start3A_77 : memref<2097152xi32, #tpu.memory_space<hbm>>) target(%arg9 : memref<8192xi32, #tpu.memory_space<vmem>>) offsets(%arg8 : memref<8192xi32, #tpu.memory_space<vmem>>) semaphore(%arg16 : memref<!tpu.dma_semaphore, #tpu.memory_space<semaphore_mem>>)
      %dma_wait3A = arith.constant 0 : i32
      %dma_wait3A_78 = tpu.memref_slice %arg3[%dma_wait3A] : memref<2097152xi32, #tpu.memory_space<hbm>> -> memref<2097152xi32, #tpu.memory_space<hbm>>
      tpu.wait_indirect_dma semaphore(%arg16 : memref<!tpu.dma_semaphore, #tpu.memory_space<semaphore_mem>>) src(%dma_wait3A_78 : memref<2097152xi32, #tpu.memory_space<hbm>>) dst(%arg9 : memref<8192xi32, #tpu.memory_space<vmem>>)
      %scan3A_79 = arith.constant 0 : i32
      %scan3A_80 = arith.constant 0 : i32
      %scan3A_81 = arith.constant 512 : i32
      %scan3A_82 = arith.addi %scan3A_80, %scan3A_81 : i32
      %scan3A_83 = arith.constant 1 : i32
      %scan3A_84 = scf.for %scan3A_91 = %scan3A_80 to %scan3A_82 step %scan3A_83 iter_args(%scan3A_92 = %scan3A_79) -> (i32)  : i32 {
        %mul3A_93 = arith.constant 16 : i32
        %mul3A_94 = arith.muli %scan3A_91, %mul3A_93 : i32
        %multiple_of3A_95 = tpu.assume_multiple %mul3A_94, 16 : i32
        %get3A = arith.index_cast %multiple_of3A_95 : i32 to index
        %get3A_96 = tpu.vector_load %arg7[%get3A] {strides = array<i32>} : memref<8192xi32, #tpu.memory_space<vmem>>, vector<16xi32>,
        %shift_right_arithmetic3A = arith.constant 21 : i32
        %shift_right_arithmetic3A_97 = vector.broadcast %shift_right_arithmetic3A : i32 to vector<16xi32>
        %shift_right_arithmetic3A_98 = arith.shrsi %get3A_96, %shift_right_arithmetic3A_97 : vector<16xi32>
        %and3A = arith.constant 2047 : i32
        %and3A_99 = vector.broadcast %and3A : i32 to vector<16xi32>
        %and3A_100 = arith.andi %shift_right_arithmetic3A_98, %and3A_99 : vector<16xi32>
        %broadcast_in_dim3A_101 = arith.constant true
        %broadcast_in_dim3A_102 = vector.broadcast %broadcast_in_dim3A_101 : i1 to vector<16xi1>
        %unique3A, %unique3A_103 = tpu.scan_count mask(%broadcast_in_dim3A_102 : vector<16xi1>) value(%and3A_100 : vector<16xi32>) : vector<16xi1>, vector<16xi32>
        %gather3A = tpu.vector_load_idx %arg15[%and3A_100] : memref<2048xi32, #tpu.memory_space<vmem>>[vector<16xi32>], vector<16xi32>,
        %add3A_104 = arith.addi %gather3A, %unique3A_103 : vector<16xi32>
        tpu.vector_store_idx %arg15[%and3A_100], %add3A_104 masked %unique3A : memref<2048xi32, #tpu.memory_space<vmem>>[vector<16xi32>], vector<16xi32>, vector<16xi1>
        %add3A_105 = arith.addi %gather3A, %unique3A_103 : vector<16xi32>
        %sub3A = arith.constant 1 : i32
        %sub3A_106 = vector.broadcast %sub3A : i32 to vector<16xi32>
        %sub3A_107 = arith.subi %add3A_105, %sub3A_106 : vector<16xi32>
        %sub3A_108 = vector.broadcast %mul3A_31 : i32 to vector<16xi32>
        %sub3A_109 = arith.subi %sub3A_107, %sub3A_108 : vector<16xi32>
        %ge3A = arith.constant 0 : i32
        %ge3A_110 = vector.broadcast %ge3A : i32 to vector<16xi32>
        %ge3A_111 = arith.cmpi sge, %sub3A_109, %ge3A_110 : vector<16xi32>
        %lt3A = arith.constant 1048576 : i32
        %lt3A_112 = vector.broadcast %lt3A : i32 to vector<16xi32>
        %lt3A_113 = arith.cmpi slt, %sub3A_109, %lt3A_112 : vector<16xi32>
        %and3A_114 = arith.andi %ge3A_111, %lt3A_113 : vector<16xi1>
        %add3A_115 = arith.constant 1048576 : i32
        %add3A_116 = vector.broadcast %add3A_115 : i32 to vector<16xi32>
        %add3A_117 = arith.addi %add3A_116, %iota3A : vector<16xi32>
        %select_n3A = arith.select %and3A_114, %sub3A_109, %add3A_117 : vector<16xi1>, vector<16xi32>
        %swap3A = arith.index_cast %multiple_of3A_95 : i32 to index
        %swap3A_118 = tpu.vector_load %arg11[%swap3A] {strides = array<i32>} : memref<8192xi32, #tpu.memory_space<vmem>>, vector<16xi32>,
        tpu.vector_store %arg11[%swap3A], %select_n3A {strides = array<i32>} : memref<8192xi32, #tpu.memory_space<vmem>>, vector<16xi32>,
        %get3A_119 = arith.index_cast %multiple_of3A_95 : i32 to index
        %get3A_120 = tpu.vector_load %arg9[%get3A_119] {strides = array<i32>} : memref<8192xi32, #tpu.memory_space<vmem>>, vector<16xi32>,
        %shift_left3A = arith.constant 21 : i32
        %shift_left3A_121 = vector.broadcast %shift_left3A : i32 to vector<16xi32>
        %shift_left3A_122 = arith.shli %get3A_120, %shift_left3A_121 : vector<16xi32>
        %get3A_123 = arith.index_cast %multiple_of3A_95 : i32 to index
        %get3A_124 = tpu.vector_load %arg8[%get3A_123] {strides = array<i32>} : memref<8192xi32, #tpu.memory_space<vmem>>, vector<16xi32>,
        %or3A = arith.ori %shift_left3A_122, %get3A_124 : vector<16xi32>
        %swap3A_125 = arith.index_cast %multiple_of3A_95 : i32 to index
        %swap3A_126 = tpu.vector_load %arg10[%swap3A_125] {strides = array<i32>} : memref<8192xi32, #tpu.memory_space<vmem>>, vector<16xi32>,
        tpu.vector_store %arg10[%swap3A_125], %or3A {strides = array<i32>} : memref<8192xi32, #tpu.memory_space<vmem>>, vector<16xi32>,
        %scan3A_127 = arith.constant 0 : i32
        scf.yield %scan3A_127 : i32
      }
      %scan3A_85 = arith.constant 512 : i32
      %dma_start3A_86 = arith.constant 0 : i32
      %dma_start3A_87 = tpu.memref_slice %arg12[%dma_start3A_86] : memref<1048592xi32, #tpu.memory_space<vmem_shared>> -> memref<1048592xi32, #tpu.memory_space<vmem_shared>>
      tpu.enqueue_indirect_dma source(%arg10 : memref<8192xi32, #tpu.memory_space<vmem>>) target(%dma_start3A_87 : memref<1048592xi32, #tpu.memory_space<vmem_shared>>) offsets(%arg11 : memref<8192xi32, #tpu.memory_space<vmem>>) semaphore(%arg17 : memref<!tpu.dma_semaphore, #tpu.memory_space<semaphore_mem>>)
      %dma_wait3A_88 = arith.constant 0 : i32
      %dma_wait3A_89 = tpu.memref_slice %arg12[%dma_wait3A_88] : memref<1048592xi32, #tpu.memory_space<vmem_shared>> -> memref<1048592xi32, #tpu.memory_space<vmem_shared>>
      tpu.wait_indirect_dma semaphore(%arg17 : memref<!tpu.dma_semaphore, #tpu.memory_space<semaphore_mem>>) src(%arg10 : memref<8192xi32, #tpu.memory_space<vmem>>) dst(%dma_wait3A_89 : memref<1048592xi32, #tpu.memory_space<vmem_shared>>)
      %scan3A_90 = arith.constant 0 : i32
      scf.yield %scan3A_90 : i32
    }
    %scan3A_38 = arith.constant 16 : i32
    %barrier3A = arith.constant 0 : index
    tpu.barrier barrier_id(%barrier3A)
    %mul3A_39 = arith.constant 65536 : i32
    %mul3A_40 = arith.muli %arg1, %mul3A_39 : i32
    %mul3A_41 = arith.constant 65536 : i32
    %mul3A_42 = arith.muli %arg1, %mul3A_41 : i32
    %add3A = arith.addi %mul3A_31, %mul3A_42 : i32
    %multiple_of3A = tpu.assume_multiple %add3A, 8 : i32
    "tpu.region"() ({
      %run_scoped3A = tpu.sem_alloc : memref<!tpu.dma_semaphore, #tpu.memory_space<semaphore_mem>>
      %dma_start3A = tpu.memref_slice %arg5[%multiple_of3A] : memref<2097152xi32, #tpu.memory_space<hbm>> -> memref<65536xi32, #tpu.memory_space<hbm>>
      %dma_start3A_62 = tpu.memref_slice %arg12[%mul3A_40] : memref<1048592xi32, #tpu.memory_space<vmem_shared>> -> memref<65536xi32, #tpu.memory_space<vmem_shared>>
      tpu.enqueue_dma source(%dma_start3A_62 : memref<65536xi32, #tpu.memory_space<vmem_shared>>) target(%dma_start3A : memref<65536xi32, #tpu.memory_space<hbm>>) target_semaphore(%run_scoped3A : memref<!tpu.dma_semaphore, #tpu.memory_space<semaphore_mem>>)
      %dma_wait3A = tpu.memref_slice %arg5[%multiple_of3A] : memref<2097152xi32, #tpu.memory_space<hbm>> -> memref<65536xi32, #tpu.memory_space<hbm>>
      %dma_wait3A_63 = tpu.memref_slice %arg12[%mul3A_40] : memref<1048592xi32, #tpu.memory_space<vmem_shared>> -> memref<65536xi32, #tpu.memory_space<vmem_shared>>
      tpu.wait_dma2 semaphore(%run_scoped3A : memref<!tpu.dma_semaphore, #tpu.memory_space<semaphore_mem>>) src(%dma_wait3A_63 : memref<65536xi32, #tpu.memory_space<vmem_shared>>) dst(%dma_wait3A : memref<65536xi32, #tpu.memory_space<hbm>>)
      tpu.yield
    }) : () -> ()
    %scan3A_43 = arith.constant 0 : i32
    %scan3A_44 = arith.constant 0 : i32
    %scan3A_45 = arith.constant 128 : i32
    %scan3A_46 = arith.addi %scan3A_44, %scan3A_45 : i32
    %scan3A_47 = arith.constant 1 : i32
    %scan3A_48 = scf.for %scan3A_62 = %scan3A_44 to %scan3A_46 step %scan3A_47 iter_args(%scan3A_63 = %scan3A_43) -> (i32)  : i32 {
      %broadcast_in_dim3A_64 = arith.constant 0 : i32
      %broadcast_in_dim3A_65 = vector.broadcast %broadcast_in_dim3A_64 : i32 to vector<16xi32>
      %mul3A_66 = arith.constant 16 : i32
      %mul3A_67 = arith.muli %scan3A_62, %mul3A_66 : i32
      %multiple_of3A_68 = tpu.assume_multiple %mul3A_67, 16 : i32
      %swap3A = arith.index_cast %multiple_of3A_68 : i32 to index
      %swap3A_69 = tpu.vector_load %arg14[%swap3A] {strides = array<i32>} : memref<2048xi32, #tpu.memory_space<vmem>>, vector<16xi32>,
      tpu.vector_store %arg14[%swap3A], %broadcast_in_dim3A_65 {strides = array<i32>} : memref<2048xi32, #tpu.memory_space<vmem>>, vector<16xi32>,
      %scan3A_70 = arith.constant 0 : i32
      scf.yield %scan3A_70 : i32
    }
    %scan3A_49 = arith.constant 128 : i32
    %broadcast_in_dim3A_50 = arith.constant 1 : i32
    %broadcast_in_dim3A_51 = vector.broadcast %broadcast_in_dim3A_50 : i32 to vector<16xi32>
    %scan3A_52 = arith.constant 0 : i32
    %scan3A_53 = arith.constant 0 : i32
    %scan3A_54 = arith.constant 8 : i32
    %scan3A_55 = arith.addi %scan3A_53, %scan3A_54 : i32
    %scan3A_56 = arith.constant 1 : i32
    %scan3A_57 = scf.for %scan3A_62 = %scan3A_53 to %scan3A_55 step %scan3A_56 iter_args(%scan3A_63 = %scan3A_52) -> (i32)  : i32 {
      %mul3A_64 = arith.constant 65536 : i32
      %mul3A_65 = arith.muli %arg1, %mul3A_64 : i32
      %mul3A_66 = arith.constant 8192 : i32
      %mul3A_67 = arith.muli %scan3A_62, %mul3A_66 : i32
      %add3A_68 = arith.addi %mul3A_65, %mul3A_67 : i32
      "tpu.region"() ({
        %run_scoped3A = tpu.sem_alloc : memref<!tpu.dma_semaphore, #tpu.memory_space<semaphore_mem>>
        %dma_start3A = tpu.memref_slice %arg12[%add3A_68] : memref<1048592xi32, #tpu.memory_space<vmem_shared>> -> memref<8192xi32, #tpu.memory_space<vmem_shared>>
        %dma_start3A_77 = tpu.memref_slice %arg12[%add3A_68] : memref<1048592xi32, #tpu.memory_space<vmem_shared>> -> memref<8192xi32, #tpu.memory_space<vmem_shared>>
        tpu.enqueue_dma source(%dma_start3A_77 : memref<8192xi32, #tpu.memory_space<vmem_shared>>) target(%arg7 : memref<8192xi32, #tpu.memory_space<vmem>>) target_semaphore(%run_scoped3A : memref<!tpu.dma_semaphore, #tpu.memory_space<semaphore_mem>>)
        %dma_wait3A = tpu.memref_slice %arg12[%add3A_68] : memref<1048592xi32, #tpu.memory_space<vmem_shared>> -> memref<8192xi32, #tpu.memory_space<vmem_shared>>
        %dma_wait3A_78 = tpu.memref_slice %arg12[%add3A_68] : memref<1048592xi32, #tpu.memory_space<vmem_shared>> -> memref<8192xi32, #tpu.memory_space<vmem_shared>>
        tpu.wait_dma2 semaphore(%run_scoped3A : memref<!tpu.dma_semaphore, #tpu.memory_space<semaphore_mem>>) src(%dma_wait3A_78 : memref<8192xi32, #tpu.memory_space<vmem_shared>>) dst(%arg7 : memref<8192xi32, #tpu.memory_space<vmem>>)
        tpu.yield
      }) : () -> ()
      %scan3A_69 = arith.constant 0 : i32
      %scan3A_70 = arith.constant 0 : i32
      %scan3A_71 = arith.constant 512 : i32
      %scan3A_72 = arith.addi %scan3A_70, %scan3A_71 : i32
      %scan3A_73 = arith.constant 1 : i32
      %scan3A_74 = scf.for %scan3A_77 = %scan3A_70 to %scan3A_72 step %scan3A_73 iter_args(%scan3A_78 = %scan3A_69) -> (i32)  : i32 {
        %mul3A_79 = arith.constant 16 : i32
        %mul3A_80 = arith.muli %scan3A_77, %mul3A_79 : i32
        %multiple_of3A_81 = tpu.assume_multiple %mul3A_80, 16 : i32
        %get3A = arith.index_cast %multiple_of3A_81 : i32 to index
        %get3A_82 = tpu.vector_load %arg7[%get3A] {strides = array<i32>} : memref<8192xi32, #tpu.memory_space<vmem>>, vector<16xi32>,
        %shift_right_arithmetic3A = arith.constant 21 : i32
        %shift_right_arithmetic3A_83 = vector.broadcast %shift_right_arithmetic3A : i32 to vector<16xi32>
        %shift_right_arithmetic3A_84 = arith.shrsi %get3A_82, %shift_right_arithmetic3A_83 : vector<16xi32>
        %and3A = arith.constant 2047 : i32
        %and3A_85 = vector.broadcast %and3A : i32 to vector<16xi32>
        %and3A_86 = arith.andi %shift_right_arithmetic3A_84, %and3A_85 : vector<16xi32>
        tpu.vector_store_idx %arg14[%and3A_86], %broadcast_in_dim3A_51 {add = true} : memref<2048xi32, #tpu.memory_space<vmem>>[vector<16xi32>], vector<16xi32>,
        %scan3A_87 = arith.constant 0 : i32
        scf.yield %scan3A_87 : i32
      }
      %scan3A_75 = arith.constant 512 : i32
      %scan3A_76 = arith.constant 0 : i32
      scf.yield %scan3A_76 : i32
    }
    %scan3A_58 = arith.constant 8 : i32
    %mul3A_59 = arith.constant 16 : i32
    %mul3A_60 = arith.muli %arg0, %mul3A_59 : i32
    %add3A_61 = arith.addi %mul3A_60, %arg1 : i32
    "tpu.region"() ({
      %run_scoped3A = tpu.sem_alloc : memref<!tpu.dma_semaphore, #tpu.memory_space<semaphore_mem>>
      %dma_start3A = arith.constant 0 : i32
      %dma_start3A_62 = tpu.memref_slice %arg6[%add3A_61, %dma_start3A] : memref<32x2048xi32, #tpu.memory_space<hbm>> -> memref<1x2048xi32, #tpu.memory_space<hbm>>
      %dma_start3A_63 = tpu.memref_squeeze %dma_start3A_62 : memref<1x2048xi32, #tpu.memory_space<hbm>> -> memref<2048xi32, #tpu.memory_space<hbm>>
      %dma_start3A_64 = arith.constant 0 : i32
      %dma_start3A_65 = tpu.memref_slice %arg6[%add3A_61, %dma_start3A_64] : memref<32x2048xi32, #tpu.memory_space<hbm>> -> memref<1x2048xi32, #tpu.memory_space<hbm>>
      %dma_start3A_66 = tpu.memref_squeeze %dma_start3A_65 : memref<1x2048xi32, #tpu.memory_space<hbm>> -> memref<2048xi32, #tpu.memory_space<hbm>>
      tpu.enqueue_dma source(%arg14 : memref<2048xi32, #tpu.memory_space<vmem>>) target(%dma_start3A_66 : memref<2048xi32, #tpu.memory_space<hbm>>) target_semaphore(%run_scoped3A : memref<!tpu.dma_semaphore, #tpu.memory_space<semaphore_mem>>)
      %dma_wait3A = arith.constant 0 : i32
      %dma_wait3A_67 = tpu.memref_slice %arg6[%add3A_61, %dma_wait3A] : memref<32x2048xi32, #tpu.memory_space<hbm>> -> memref<1x2048xi32, #tpu.memory_space<hbm>>
      %dma_wait3A_68 = tpu.memref_squeeze %dma_wait3A_67 : memref<1x2048xi32, #tpu.memory_space<hbm>> -> memref<2048xi32, #tpu.memory_space<hbm>>
      %dma_wait3A_69 = arith.constant 0 : i32
      %dma_wait3A_70 = tpu.memref_slice %arg6[%add3A_61, %dma_wait3A_69] : memref<32x2048xi32, #tpu.memory_space<hbm>> -> memref<1x2048xi32, #tpu.memory_space<hbm>>
      %dma_wait3A_71 = tpu.memref_squeeze %dma_wait3A_70 : memref<1x2048xi32, #tpu.memory_space<hbm>> -> memref<2048xi32, #tpu.memory_space<hbm>>
      tpu.wait_dma2 semaphore(%run_scoped3A : memref<!tpu.dma_semaphore, #tpu.memory_space<semaphore_mem>>) src(%arg14 : memref<2048xi32, #tpu.memory_space<vmem>>) dst(%dma_wait3A_71 : memref<2048xi32, #tpu.memory_space<hbm>>)
      tpu.yield
    }) : () -> ()
    return
  }
}

#map = affine_map<(d0, d1) -> (0)>
#map1 = affine_map<(d0, d1) -> (0, 0)>
module attributes {stable_mosaic.version = 14 : i64} {
  func.func @_perm_c(%arg0: i32, %arg1: i32, %arg2: memref<2097152xi32, #tpu.memory_space<hbm>>, %arg3: memref<32x2048xi32, #tpu.memory_space<hbm>>, %arg4: memref<2097152xi32, #tpu.memory_space<hbm>>, %arg5: memref<2097152xi32, #tpu.memory_space<hbm>>, %arg6: memref<2097152xi32, #tpu.memory_space<hbm>>, %arg7: memref<2097152xf32, #tpu.memory_space<hbm>>, %arg8: memref<4194304xi32, #tpu.memory_space<hbm>>, %arg9: memref<2097152xi32, #tpu.memory_space<hbm>>, %arg10: memref<2097152xf32, #tpu.memory_space<hbm>>, %arg11: memref<8192xi32, #tpu.memory_space<vmem>>, %arg12: memref<8192xi32, #tpu.memory_space<vmem>>, %arg13: memref<8192xi32, #tpu.memory_space<vmem>>, %arg14: memref<1048592xi32, #tpu.memory_space<vmem_shared>>, %arg15: memref<2048xi32, #tpu.memory_space<vmem>>, %arg16: memref<2048xi32, #tpu.memory_space<vmem>>, %arg17: memref<2048xi32, #tpu.memory_space<vmem>>, %arg18: memref<8192xi32, #tpu.memory_space<vmem>>, %arg19: memref<8192xf32, #tpu.memory_space<vmem>>, %arg20: memref<16384xi32, #tpu.memory_space<vmem>>, %arg21: memref<!tpu.dma_semaphore, #tpu.memory_space<semaphore_mem>>, %arg22: memref<!tpu.dma_semaphore, #tpu.memory_space<semaphore_mem>>) attributes {dimension_semantics = [#tpu.dimension_semantics<core_parallel>, #tpu.dimension_semantics<subcore_parallel>], iteration_bounds = array<i64: 2, 16>, scalar_prefetch = 0 : i64, scratch_operands = 12 : i64, tpu.core_type = #tpu.core_type<sc_vector_subcore>, window_params = [{transform_indices = #map}, {transform_indices = #map1}, {transform_indices = #map}, {transform_indices = #map}, {transform_indices = #map}, {transform_indices = #map}, {transform_indices = #map}, {transform_indices = #map}, {transform_indices = #map}]} {
    %mul3A = arith.constant 2 : i32
    %mul3A_0 = arith.muli %mul3A, %arg1 : i32
    %scan3A = arith.constant 0 : i32
    %scan3A_1 = arith.constant 0 : i32
    %scan3A_2 = arith.constant 128 : i32
    %scan3A_3 = arith.addi %scan3A_1, %scan3A_2 : i32
    %scan3A_4 = arith.constant 1 : i32
    %scan3A_5 = scf.for %scan3A_46 = %scan3A_1 to %scan3A_3 step %scan3A_4 iter_args(%scan3A_47 = %scan3A) -> (i32)  : i32 {
      %broadcast_in_dim3A_48 = arith.constant 0 : i32
      %broadcast_in_dim3A_49 = vector.broadcast %broadcast_in_dim3A_48 : i32 to vector<16xi32>
      %mul3A_50 = arith.constant 16 : i32
      %mul3A_51 = arith.muli %scan3A_46, %mul3A_50 : i32
      %multiple_of3A = tpu.assume_multiple %mul3A_51, 16 : i32
      %swap3A = arith.index_cast %multiple_of3A : i32 to index
      %swap3A_52 = tpu.vector_load %arg16[%swap3A] {strides = array<i32>} : memref<2048xi32, #tpu.memory_space<vmem>>, vector<16xi32>,
      tpu.vector_store %arg16[%swap3A], %broadcast_in_dim3A_49 {strides = array<i32>} : memref<2048xi32, #tpu.memory_space<vmem>>, vector<16xi32>,
      %scan3A_53 = arith.constant 0 : i32
      scf.yield %scan3A_53 : i32
    }
    %scan3A_6 = arith.constant 128 : i32
    %scan3A_7 = arith.constant 0 : i32
    %scan3A_8 = arith.constant 0 : i32
    %scan3A_9 = arith.constant 128 : i32
    %scan3A_10 = arith.addi %scan3A_8, %scan3A_9 : i32
    %scan3A_11 = arith.constant 1 : i32
    %scan3A_12 = scf.for %scan3A_46 = %scan3A_8 to %scan3A_10 step %scan3A_11 iter_args(%scan3A_47 = %scan3A_7) -> (i32)  : i32 {
      %broadcast_in_dim3A_48 = arith.constant 0 : i32
      %broadcast_in_dim3A_49 = vector.broadcast %broadcast_in_dim3A_48 : i32 to vector<16xi32>
      %mul3A_50 = arith.constant 16 : i32
      %mul3A_51 = arith.muli %scan3A_46, %mul3A_50 : i32
      %multiple_of3A = tpu.assume_multiple %mul3A_51, 16 : i32
      %swap3A = arith.index_cast %multiple_of3A : i32 to index
      %swap3A_52 = tpu.vector_load %arg17[%swap3A] {strides = array<i32>} : memref<2048xi32, #tpu.memory_space<vmem>>, vector<16xi32>,
      tpu.vector_store %arg17[%swap3A], %broadcast_in_dim3A_49 {strides = array<i32>} : memref<2048xi32, #tpu.memory_space<vmem>>, vector<16xi32>,
      %scan3A_53 = arith.constant 0 : i32
      scf.yield %scan3A_53 : i32
    }
    %scan3A_13 = arith.constant 128 : i32
    %scan3A_14 = arith.constant 0 : i32
    %scan3A_15 = arith.constant 0 : i32
    %scan3A_16 = arith.constant 32 : i32
    %scan3A_17 = arith.addi %scan3A_15, %scan3A_16 : i32
    %scan3A_18 = arith.constant 1 : i32
    %scan3A_19 = scf.for %scan3A_46 = %scan3A_15 to %scan3A_17 step %scan3A_18 iter_args(%scan3A_47 = %scan3A_14) -> (i32)  : i32 {
      "tpu.region"() ({
        %run_scoped3A = tpu.sem_alloc : memref<!tpu.dma_semaphore, #tpu.memory_space<semaphore_mem>>
        %dma_start3A = arith.constant 0 : i32
        %dma_start3A_56 = tpu.memref_slice %arg3[%scan3A_46, %dma_start3A] : memref<32x2048xi32, #tpu.memory_space<hbm>> -> memref<1x2048xi32, #tpu.memory_space<hbm>>
        %dma_start3A_57 = tpu.memref_squeeze %dma_start3A_56 : memref<1x2048xi32, #tpu.memory_space<hbm>> -> memref<2048xi32, #tpu.memory_space<hbm>>
        %dma_start3A_58 = arith.constant 0 : i32
        %dma_start3A_59 = tpu.memref_slice %arg3[%scan3A_46, %dma_start3A_58] : memref<32x2048xi32, #tpu.memory_space<hbm>> -> memref<1x2048xi32, #tpu.memory_space<hbm>>
        %dma_start3A_60 = tpu.memref_squeeze %dma_start3A_59 : memref<1x2048xi32, #tpu.memory_space<hbm>> -> memref<2048xi32, #tpu.memory_space<hbm>>
        tpu.enqueue_dma source(%dma_start3A_60 : memref<2048xi32, #tpu.memory_space<hbm>>) target(%arg15 : memref<2048xi32, #tpu.memory_space<vmem>>) target_semaphore(%run_scoped3A : memref<!tpu.dma_semaphore, #tpu.memory_space<semaphore_mem>>)
        %dma_wait3A = arith.constant 0 : i32
        %dma_wait3A_61 = tpu.memref_slice %arg3[%scan3A_46, %dma_wait3A] : memref<32x2048xi32, #tpu.memory_space<hbm>> -> memref<1x2048xi32, #tpu.memory_space<hbm>>
        %dma_wait3A_62 = tpu.memref_squeeze %dma_wait3A_61 : memref<1x2048xi32, #tpu.memory_space<hbm>> -> memref<2048xi32, #tpu.memory_space<hbm>>
        %dma_wait3A_63 = arith.constant 0 : i32
        %dma_wait3A_64 = tpu.memref_slice %arg3[%scan3A_46, %dma_wait3A_63] : memref<32x2048xi32, #tpu.memory_space<hbm>> -> memref<1x2048xi32, #tpu.memory_space<hbm>>
        %dma_wait3A_65 = tpu.memref_squeeze %dma_wait3A_64 : memref<1x2048xi32, #tpu.memory_space<hbm>> -> memref<2048xi32, #tpu.memory_space<hbm>>
        tpu.wait_dma2 semaphore(%run_scoped3A : memref<!tpu.dma_semaphore, #tpu.memory_space<semaphore_mem>>) src(%dma_wait3A_65 : memref<2048xi32, #tpu.memory_space<hbm>>) dst(%arg15 : memref<2048xi32, #tpu.memory_space<vmem>>)
        tpu.yield
      }) : () -> ()
      %lt3A = arith.cmpi slt, %scan3A_46, %mul3A_0 : i32
      %convert_element_type3A = arith.extui %lt3A : i1 to i32
      %scan3A_48 = arith.constant 0 : i32
      %scan3A_49 = arith.constant 0 : i32
      %scan3A_50 = arith.constant 128 : i32
      %scan3A_51 = arith.addi %scan3A_49, %scan3A_50 : i32
      %scan3A_52 = arith.constant 1 : i32
      %scan3A_53 = scf.for %scan3A_56 = %scan3A_49 to %scan3A_51 step %scan3A_52 iter_args(%scan3A_57 = %scan3A_48) -> (i32)  : i32 {
        %mul3A_58 = arith.constant 16 : i32
        %mul3A_59 = arith.muli %scan3A_56, %mul3A_58 : i32
        %multiple_of3A = tpu.assume_multiple %mul3A_59, 16 : i32
        %get3A = arith.index_cast %multiple_of3A : i32 to index
        %get3A_60 = tpu.vector_load %arg15[%get3A] {strides = array<i32>} : memref<2048xi32, #tpu.memory_space<vmem>>, vector<16xi32>,
        %get3A_61 = arith.index_cast %multiple_of3A : i32 to index
        %get3A_62 = tpu.vector_load %arg16[%get3A_61] {strides = array<i32>} : memref<2048xi32, #tpu.memory_space<vmem>>, vector<16xi32>,
        %add3A = arith.addi %get3A_62, %get3A_60 : vector<16xi32>
        %swap3A = arith.index_cast %multiple_of3A : i32 to index
        %swap3A_63 = tpu.vector_load %arg16[%swap3A] {strides = array<i32>} : memref<2048xi32, #tpu.memory_space<vmem>>, vector<16xi32>,
        tpu.vector_store %arg16[%swap3A], %add3A {strides = array<i32>} : memref<2048xi32, #tpu.memory_space<vmem>>, vector<16xi32>,
        %get3A_64 = arith.index_cast %multiple_of3A : i32 to index
        %get3A_65 = tpu.vector_load %arg17[%get3A_64] {strides = array<i32>} : memref<2048xi32, #tpu.memory_space<vmem>>, vector<16xi32>,
        %mul3A_66 = vector.broadcast %convert_element_type3A : i32 to vector<16xi32>
        %mul3A_67 = arith.muli %get3A_60, %mul3A_66 : vector<16xi32>
        %add3A_68 = arith.addi %get3A_65, %mul3A_67 : vector<16xi32>
        %swap3A_69 = arith.index_cast %multiple_of3A : i32 to index
        %swap3A_70 = tpu.vector_load %arg17[%swap3A_69] {strides = array<i32>} : memref<2048xi32, #tpu.memory_space<vmem>>, vector<16xi32>,
        tpu.vector_store %arg17[%swap3A_69], %add3A_68 {strides = array<i32>} : memref<2048xi32, #tpu.memory_space<vmem>>, vector<16xi32>,
        %scan3A_71 = arith.constant 0 : i32
        scf.yield %scan3A_71 : i32
      }
      %scan3A_54 = arith.constant 128 : i32
      %scan3A_55 = arith.constant 0 : i32
      scf.yield %scan3A_55 : i32
    }
    %scan3A_20 = arith.constant 32 : i32
    %broadcast_in_dim3A = arith.constant 15 : i32
    %broadcast_in_dim3A_21 = vector.broadcast %broadcast_in_dim3A : i32 to vector<16xi32>
    %broadcast_in_dim3A_22 = arith.constant 0 : i32
    %broadcast_in_dim3A_23 = vector.broadcast %broadcast_in_dim3A_22 : i32 to vector<16xi32>
    %scan3A_24 = arith.constant 0 : i32
    %scan3A_25 = arith.constant 128 : i32
    %scan3A_26 = arith.addi %scan3A_24, %scan3A_25 : i32
    %scan3A_27 = arith.constant 1 : i32
    %scan3A_28 = scf.for %scan3A_46 = %scan3A_24 to %scan3A_26 step %scan3A_27 iter_args(%scan3A_47 = %broadcast_in_dim3A_23) -> (vector<16xi32>)  : i32 {
      %mul3A_48 = arith.constant 16 : i32
      %mul3A_49 = arith.muli %scan3A_46, %mul3A_48 : i32
      %multiple_of3A = tpu.assume_multiple %mul3A_49, 16 : i32
      %get3A = arith.index_cast %multiple_of3A : i32 to index
      %get3A_50 = tpu.vector_load %arg16[%get3A] {strides = array<i32>} : memref<2048xi32, #tpu.memory_space<vmem>>, vector<16xi32>,
      %broadcast_in_dim3A_51 = arith.constant true
      %broadcast_in_dim3A_52 = vector.broadcast %broadcast_in_dim3A_51 : i1 to vector<16xi1>
      %masked_cumsum3A = tpu.scan <sum>, %get3A_50 masked %broadcast_in_dim3A_52 : vector<16xi32>, vector<16xi1> -> vector<16xi32>
      %sub3A = arith.subi %masked_cumsum3A, %get3A_50 : vector<16xi32>
      %add3A = arith.addi %sub3A, %scan3A_47 : vector<16xi32>
      %get3A_53 = arith.index_cast %multiple_of3A : i32 to index
      %get3A_54 = tpu.vector_load %arg17[%get3A_53] {strides = array<i32>} : memref<2048xi32, #tpu.memory_space<vmem>>, vector<16xi32>,
      %add3A_55 = arith.addi %get3A_54, %add3A : vector<16xi32>
      %swap3A = arith.index_cast %multiple_of3A : i32 to index
      %swap3A_56 = tpu.vector_load %arg17[%swap3A] {strides = array<i32>} : memref<2048xi32, #tpu.memory_space<vmem>>, vector<16xi32>,
      tpu.vector_store %arg17[%swap3A], %add3A_55 {strides = array<i32>} : memref<2048xi32, #tpu.memory_space<vmem>>, vector<16xi32>,
      %lt3A = arith.constant 0 : i32
      %lt3A_57 = vector.broadcast %lt3A : i32 to vector<16xi32>
      %lt3A_58 = arith.cmpi slt, %broadcast_in_dim3A_21, %lt3A_57 : vector<16xi32>
      %add3A_59 = arith.constant 16 : i32
      %add3A_60 = vector.broadcast %add3A_59 : i32 to vector<16xi32>
      %add3A_61 = arith.addi %broadcast_in_dim3A_21, %add3A_60 : vector<16xi32>
      %select_n3A = arith.select %lt3A_58, %add3A_61, %broadcast_in_dim3A_21 : vector<16xi1>, vector<16xi32>
      %broadcast_in_dim3A_62 = vector.shape_cast %select_n3A : vector<16xi32> to vector<16x1xi32>
      %gather3A = vector.shape_cast %broadcast_in_dim3A_62 : vector<16x1xi32> to vector<16xi32>
      %gather3A_63 = tpu.dynamic_gather %masked_cumsum3A[%gather3A] in [0] : vector<16xi32>, vector<16xi32> -> vector<16xi32>
      %add3A_64 = arith.addi %scan3A_47, %gather3A_63 : vector<16xi32>
      scf.yield %add3A_64 : vector<16xi32>
    }
    %scan3A_29 = arith.constant 128 : i32
    %mul3A_30 = arith.constant 1048576 : i32
    %mul3A_31 = arith.muli %arg0, %mul3A_30 : i32
    %iota3A = tpu.iota {dimensions = array<i32: 0>} : vector<16xi32>
    %scan3A_32 = arith.constant 0 : i32
    %scan3A_33 = arith.constant 0 : i32
    %scan3A_34 = arith.constant 16 : i32
    %scan3A_35 = arith.addi %scan3A_33, %scan3A_34 : i32
    %scan3A_36 = arith.constant 1 : i32
    %scan3A_37 = scf.for %scan3A_46 = %scan3A_33 to %scan3A_35 step %scan3A_36 iter_args(%scan3A_47 = %scan3A_32) -> (i32)  : i32 {
      %mul3A_48 = arith.constant 131072 : i32
      %mul3A_49 = arith.muli %arg1, %mul3A_48 : i32
      %mul3A_50 = arith.constant 8192 : i32
      %mul3A_51 = arith.muli %scan3A_46, %mul3A_50 : i32
      %add3A = arith.addi %mul3A_49, %mul3A_51 : i32
      %multiple_of3A = tpu.assume_multiple %add3A, 8 : i32
      "tpu.region"() ({
        %run_scoped3A = tpu.sem_alloc : memref<!tpu.dma_semaphore, #tpu.memory_space<semaphore_mem>>
        %dma_start3A_62 = tpu.memref_slice %arg2[%multiple_of3A] : memref<2097152xi32, #tpu.memory_space<hbm>> -> memref<8192xi32, #tpu.memory_space<hbm>>
        %dma_start3A_63 = tpu.memref_slice %arg2[%multiple_of3A] : memref<2097152xi32, #tpu.memory_space<hbm>> -> memref<8192xi32, #tpu.memory_space<hbm>>
        tpu.enqueue_dma source(%dma_start3A_63 : memref<8192xi32, #tpu.memory_space<hbm>>) target(%arg11 : memref<8192xi32, #tpu.memory_space<vmem>>) target_semaphore(%run_scoped3A : memref<!tpu.dma_semaphore, #tpu.memory_space<semaphore_mem>>)
        %dma_wait3A_64 = tpu.memref_slice %arg2[%multiple_of3A] : memref<2097152xi32, #tpu.memory_space<hbm>> -> memref<8192xi32, #tpu.memory_space<hbm>>
        %dma_wait3A_65 = tpu.memref_slice %arg2[%multiple_of3A] : memref<2097152xi32, #tpu.memory_space<hbm>> -> memref<8192xi32, #tpu.memory_space<hbm>>
        tpu.wait_dma2 semaphore(%run_scoped3A : memref<!tpu.dma_semaphore, #tpu.memory_space<semaphore_mem>>) src(%dma_wait3A_65 : memref<8192xi32, #tpu.memory_space<hbm>>) dst(%arg11 : memref<8192xi32, #tpu.memory_space<vmem>>)
        tpu.yield
      }) : () -> ()
      %scan3A_52 = arith.constant 0 : i32
      %scan3A_53 = arith.constant 0 : i32
      %scan3A_54 = arith.constant 512 : i32
      %scan3A_55 = arith.addi %scan3A_53, %scan3A_54 : i32
      %scan3A_56 = arith.constant 1 : i32
      %scan3A_57 = scf.for %scan3A_62 = %scan3A_53 to %scan3A_55 step %scan3A_56 iter_args(%scan3A_63 = %scan3A_52) -> (i32)  : i32 {
        %mul3A_64 = arith.constant 16 : i32
        %mul3A_65 = arith.muli %scan3A_62, %mul3A_64 : i32
        %multiple_of3A_66 = tpu.assume_multiple %mul3A_65, 16 : i32
        %get3A = arith.index_cast %multiple_of3A_66 : i32 to index
        %get3A_67 = tpu.vector_load %arg11[%get3A] {strides = array<i32>} : memref<8192xi32, #tpu.memory_space<vmem>>, vector<16xi32>,
        %shift_right_arithmetic3A = arith.constant 21 : i32
        %shift_right_arithmetic3A_68 = vector.broadcast %shift_right_arithmetic3A : i32 to vector<16xi32>
        %shift_right_arithmetic3A_69 = arith.shrsi %get3A_67, %shift_right_arithmetic3A_68 : vector<16xi32>
        %and3A = arith.constant 2047 : i32
        %and3A_70 = vector.broadcast %and3A : i32 to vector<16xi32>
        %and3A_71 = arith.andi %shift_right_arithmetic3A_69, %and3A_70 : vector<16xi32>
        %broadcast_in_dim3A_72 = arith.constant true
        %broadcast_in_dim3A_73 = vector.broadcast %broadcast_in_dim3A_72 : i1 to vector<16xi1>
        %unique3A, %unique3A_74 = tpu.scan_count mask(%broadcast_in_dim3A_73 : vector<16xi1>) value(%and3A_71 : vector<16xi32>) : vector<16xi1>, vector<16xi32>
        %gather3A = tpu.vector_load_idx %arg17[%and3A_71] : memref<2048xi32, #tpu.memory_space<vmem>>[vector<16xi32>], vector<16xi32>,
        %add3A_75 = arith.addi %gather3A, %unique3A_74 : vector<16xi32>
        tpu.vector_store_idx %arg17[%and3A_71], %add3A_75 masked %unique3A : memref<2048xi32, #tpu.memory_space<vmem>>[vector<16xi32>], vector<16xi32>, vector<16xi1>
        %add3A_76 = arith.addi %gather3A, %unique3A_74 : vector<16xi32>
        %sub3A = arith.constant 1 : i32
        %sub3A_77 = vector.broadcast %sub3A : i32 to vector<16xi32>
        %sub3A_78 = arith.subi %add3A_76, %sub3A_77 : vector<16xi32>
        %sub3A_79 = vector.broadcast %mul3A_31 : i32 to vector<16xi32>
        %sub3A_80 = arith.subi %sub3A_78, %sub3A_79 : vector<16xi32>
        %ge3A = arith.constant 0 : i32
        %ge3A_81 = vector.broadcast %ge3A : i32 to vector<16xi32>
        %ge3A_82 = arith.cmpi sge, %sub3A_80, %ge3A_81 : vector<16xi32>
        %lt3A = arith.constant 1048576 : i32
        %lt3A_83 = vector.broadcast %lt3A : i32 to vector<16xi32>
        %lt3A_84 = arith.cmpi slt, %sub3A_80, %lt3A_83 : vector<16xi32>
        %and3A_85 = arith.andi %ge3A_82, %lt3A_84 : vector<16xi1>
        %add3A_86 = arith.constant 1048576 : i32
        %add3A_87 = vector.broadcast %add3A_86 : i32 to vector<16xi32>
        %add3A_88 = arith.addi %add3A_87, %iota3A : vector<16xi32>
        %select_n3A = arith.select %and3A_85, %sub3A_80, %add3A_88 : vector<16xi1>, vector<16xi32>
        %swap3A = arith.index_cast %multiple_of3A_66 : i32 to index
        %swap3A_89 = tpu.vector_load %arg13[%swap3A] {strides = array<i32>} : memref<8192xi32, #tpu.memory_space<vmem>>, vector<16xi32>,
        tpu.vector_store %arg13[%swap3A], %select_n3A {strides = array<i32>} : memref<8192xi32, #tpu.memory_space<vmem>>, vector<16xi32>,
        %and3A_90 = arith.constant 2097151 : i32
        %and3A_91 = vector.broadcast %and3A_90 : i32 to vector<16xi32>
        %and3A_92 = arith.andi %get3A_67, %and3A_91 : vector<16xi32>
        %swap3A_93 = arith.index_cast %multiple_of3A_66 : i32 to index
        %swap3A_94 = tpu.vector_load %arg12[%swap3A_93] {strides = array<i32>} : memref<8192xi32, #tpu.memory_space<vmem>>, vector<16xi32>,
        tpu.vector_store %arg12[%swap3A_93], %and3A_92 {strides = array<i32>} : memref<8192xi32, #tpu.memory_space<vmem>>, vector<16xi32>,
        %scan3A_95 = arith.constant 0 : i32
        scf.yield %scan3A_95 : i32
      }
      %scan3A_58 = arith.constant 512 : i32
      %dma_start3A = arith.constant 0 : i32
      %dma_start3A_59 = tpu.memref_slice %arg14[%dma_start3A] : memref<1048592xi32, #tpu.memory_space<vmem_shared>> -> memref<1048592xi32, #tpu.memory_space<vmem_shared>>
      tpu.enqueue_indirect_dma source(%arg12 : memref<8192xi32, #tpu.memory_space<vmem>>) target(%dma_start3A_59 : memref<1048592xi32, #tpu.memory_space<vmem_shared>>) offsets(%arg13 : memref<8192xi32, #tpu.memory_space<vmem>>) semaphore(%arg21 : memref<!tpu.dma_semaphore, #tpu.memory_space<semaphore_mem>>)
      %dma_wait3A = arith.constant 0 : i32
      %dma_wait3A_60 = tpu.memref_slice %arg14[%dma_wait3A] : memref<1048592xi32, #tpu.memory_space<vmem_shared>> -> memref<1048592xi32, #tpu.memory_space<vmem_shared>>
      tpu.wait_indirect_dma semaphore(%arg21 : memref<!tpu.dma_semaphore, #tpu.memory_space<semaphore_mem>>) src(%arg12 : memref<8192xi32, #tpu.memory_space<vmem>>) dst(%dma_wait3A_60 : memref<1048592xi32, #tpu.memory_space<vmem_shared>>)
      %scan3A_61 = arith.constant 0 : i32
      scf.yield %scan3A_61 : i32
    }
    %scan3A_38 = arith.constant 16 : i32
    %barrier3A = arith.constant 0 : index
    tpu.barrier barrier_id(%barrier3A)
    %scan3A_39 = arith.constant 0 : i32
    %scan3A_40 = arith.constant 0 : i32
    %scan3A_41 = arith.constant 8 : i32
    %scan3A_42 = arith.addi %scan3A_40, %scan3A_41 : i32
    %scan3A_43 = arith.constant 1 : i32
    %scan3A_44 = scf.for %scan3A_46 = %scan3A_40 to %scan3A_42 step %scan3A_43 iter_args(%scan3A_47 = %scan3A_39) -> (i32)  : i32 {
      %mul3A_48 = arith.constant 65536 : i32
      %mul3A_49 = arith.muli %arg1, %mul3A_48 : i32
      %add3A = arith.addi %mul3A_31, %mul3A_49 : i32
      %mul3A_50 = arith.constant 8192 : i32
      %mul3A_51 = arith.muli %scan3A_46, %mul3A_50 : i32
      %add3A_52 = arith.addi %add3A, %mul3A_51 : i32
      %mul3A_53 = arith.constant 65536 : i32
      %mul3A_54 = arith.muli %arg1, %mul3A_53 : i32
      %mul3A_55 = arith.constant 8192 : i32
      %mul3A_56 = arith.muli %scan3A_46, %mul3A_55 : i32
      %add3A_57 = arith.addi %mul3A_54, %mul3A_56 : i32
      "tpu.region"() ({
        %run_scoped3A = tpu.sem_alloc : memref<!tpu.dma_semaphore, #tpu.memory_space<semaphore_mem>>
        %dma_start3A_84 = tpu.memref_slice %arg14[%add3A_57] : memref<1048592xi32, #tpu.memory_space<vmem_shared>> -> memref<8192xi32, #tpu.memory_space<vmem_shared>>
        %dma_start3A_85 = tpu.memref_slice %arg14[%add3A_57] : memref<1048592xi32, #tpu.memory_space<vmem_shared>> -> memref<8192xi32, #tpu.memory_space<vmem_shared>>
        tpu.enqueue_dma source(%dma_start3A_85 : memref<8192xi32, #tpu.memory_space<vmem_shared>>) target(%arg11 : memref<8192xi32, #tpu.memory_space<vmem>>) target_semaphore(%run_scoped3A : memref<!tpu.dma_semaphore, #tpu.memory_space<semaphore_mem>>)
        %dma_wait3A_86 = tpu.memref_slice %arg14[%add3A_57] : memref<1048592xi32, #tpu.memory_space<vmem_shared>> -> memref<8192xi32, #tpu.memory_space<vmem_shared>>
        %dma_wait3A_87 = tpu.memref_slice %arg14[%add3A_57] : memref<1048592xi32, #tpu.memory_space<vmem_shared>> -> memref<8192xi32, #tpu.memory_space<vmem_shared>>
        tpu.wait_dma2 semaphore(%run_scoped3A : memref<!tpu.dma_semaphore, #tpu.memory_space<semaphore_mem>>) src(%dma_wait3A_87 : memref<8192xi32, #tpu.memory_space<vmem_shared>>) dst(%arg11 : memref<8192xi32, #tpu.memory_space<vmem>>)
        tpu.yield
      }) : () -> ()
      %dma_start3A = arith.constant 0 : i32
      %dma_start3A_58 = tpu.memref_slice %arg4[%dma_start3A] : memref<2097152xi32, #tpu.memory_space<hbm>> -> memref<2097152xi32, #tpu.memory_space<hbm>>
      tpu.enqueue_indirect_dma source(%dma_start3A_58 : memref<2097152xi32, #tpu.memory_space<hbm>>) target(%arg12 : memref<8192xi32, #tpu.memory_space<vmem>>) offsets(%arg11 : memref<8192xi32, #tpu.memory_space<vmem>>) semaphore(%arg22 : memref<!tpu.dma_semaphore, #tpu.memory_space<semaphore_mem>>)
      %dma_start3A_59 = arith.constant 0 : i32
      %dma_start3A_60 = tpu.memref_slice %arg5[%dma_start3A_59] : memref<2097152xi32, #tpu.memory_space<hbm>> -> memref<2097152xi32, #tpu.memory_space<hbm>>
      tpu.enqueue_indirect_dma source(%dma_start3A_60 : memref<2097152xi32, #tpu.memory_space<hbm>>) target(%arg13 : memref<8192xi32, #tpu.memory_space<vmem>>) offsets(%arg11 : memref<8192xi32, #tpu.memory_space<vmem>>) semaphore(%arg22 : memref<!tpu.dma_semaphore, #tpu.memory_space<semaphore_mem>>)
      %dma_start3A_61 = arith.constant 0 : i32
      %dma_start3A_62 = tpu.memref_slice %arg6[%dma_start3A_61] : memref<2097152xi32, #tpu.memory_space<hbm>> -> memref<2097152xi32, #tpu.memory_space<hbm>>
      tpu.enqueue_indirect_dma source(%dma_start3A_62 : memref<2097152xi32, #tpu.memory_space<hbm>>) target(%arg18 : memref<8192xi32, #tpu.memory_space<vmem>>) offsets(%arg11 : memref<8192xi32, #tpu.memory_space<vmem>>) semaphore(%arg22 : memref<!tpu.dma_semaphore, #tpu.memory_space<semaphore_mem>>)
      %dma_start3A_63 = arith.constant 0 : i32
      %dma_start3A_64 = tpu.memref_slice %arg7[%dma_start3A_63] : memref<2097152xf32, #tpu.memory_space<hbm>> -> memref<2097152xf32, #tpu.memory_space<hbm>>
      tpu.enqueue_indirect_dma source(%dma_start3A_64 : memref<2097152xf32, #tpu.memory_space<hbm>>) target(%arg19 : memref<8192xf32, #tpu.memory_space<vmem>>) offsets(%arg11 : memref<8192xi32, #tpu.memory_space<vmem>>) semaphore(%arg22 : memref<!tpu.dma_semaphore, #tpu.memory_space<semaphore_mem>>)
      %dma_wait3A = arith.constant 0 : i32
      %dma_wait3A_65 = tpu.memref_slice %arg4[%dma_wait3A] : memref<2097152xi32, #tpu.memory_space<hbm>> -> memref<2097152xi32, #tpu.memory_space<hbm>>
      tpu.wait_indirect_dma semaphore(%arg22 : memref<!tpu.dma_semaphore, #tpu.memory_space<semaphore_mem>>) src(%dma_wait3A_65 : memref<2097152xi32, #tpu.memory_space<hbm>>) dst(%arg12 : memref<8192xi32, #tpu.memory_space<vmem>>)
      %dma_wait3A_66 = arith.constant 0 : i32
      %dma_wait3A_67 = tpu.memref_slice %arg5[%dma_wait3A_66] : memref<2097152xi32, #tpu.memory_space<hbm>> -> memref<2097152xi32, #tpu.memory_space<hbm>>
      tpu.wait_indirect_dma semaphore(%arg22 : memref<!tpu.dma_semaphore, #tpu.memory_space<semaphore_mem>>) src(%dma_wait3A_67 : memref<2097152xi32, #tpu.memory_space<hbm>>) dst(%arg13 : memref<8192xi32, #tpu.memory_space<vmem>>)
      %dma_wait3A_68 = arith.constant 0 : i32
      %dma_wait3A_69 = tpu.memref_slice %arg6[%dma_wait3A_68] : memref<2097152xi32, #tpu.memory_space<hbm>> -> memref<2097152xi32, #tpu.memory_space<hbm>>
      tpu.wait_indirect_dma semaphore(%arg22 : memref<!tpu.dma_semaphore, #tpu.memory_space<semaphore_mem>>) src(%dma_wait3A_69 : memref<2097152xi32, #tpu.memory_space<hbm>>) dst(%arg18 : memref<8192xi32, #tpu.memory_space<vmem>>)
      %dma_wait3A_70 = arith.constant 0 : i32
      %dma_wait3A_71 = tpu.memref_slice %arg7[%dma_wait3A_70] : memref<2097152xf32, #tpu.memory_space<hbm>> -> memref<2097152xf32, #tpu.memory_space<hbm>>
      tpu.wait_indirect_dma semaphore(%arg22 : memref<!tpu.dma_semaphore, #tpu.memory_space<semaphore_mem>>) src(%dma_wait3A_71 : memref<2097152xf32, #tpu.memory_space<hbm>>) dst(%arg19 : memref<8192xf32, #tpu.memory_space<vmem>>)
      %scan3A_72 = arith.constant 0 : i32
      %scan3A_73 = arith.constant 0 : i32
      %scan3A_74 = arith.constant 512 : i32
      %scan3A_75 = arith.addi %scan3A_73, %scan3A_74 : i32
      %scan3A_76 = arith.constant 1 : i32
      %scan3A_77 = scf.for %scan3A_84 = %scan3A_73 to %scan3A_75 step %scan3A_76 iter_args(%scan3A_85 = %scan3A_72) -> (i32)  : i32 {
        %mul3A_86 = arith.constant 16 : i32
        %mul3A_87 = arith.muli %scan3A_84, %mul3A_86 : i32
        %multiple_of3A_88 = tpu.assume_multiple %mul3A_87, 16 : i32
        %mul3A_89 = arith.constant 16 : i32
        %mul3A_90 = arith.muli %scan3A_84, %mul3A_89 : i32
        %add3A_91 = vector.broadcast %mul3A_90 : i32 to vector<16xi32>
        %add3A_92 = arith.addi %add3A_91, %iota3A : vector<16xi32>
        %mul3A_93 = arith.constant 2 : i32
        %mul3A_94 = vector.broadcast %mul3A_93 : i32 to vector<16xi32>
        %mul3A_95 = arith.muli %add3A_92, %mul3A_94 : vector<16xi32>
        %get3A = arith.index_cast %multiple_of3A_88 : i32 to index
        %get3A_96 = tpu.vector_load %arg13[%get3A] {strides = array<i32>} : memref<8192xi32, #tpu.memory_space<vmem>>, vector<16xi32>,
        tpu.vector_store_idx %arg20[%mul3A_95], %get3A_96 : memref<16384xi32, #tpu.memory_space<vmem>>[vector<16xi32>], vector<16xi32>,
        %mul3A_97 = arith.constant 2 : i32
        %mul3A_98 = vector.broadcast %mul3A_97 : i32 to vector<16xi32>
        %mul3A_99 = arith.muli %add3A_92, %mul3A_98 : vector<16xi32>
        %add3A_100 = arith.constant 1 : i32
        %add3A_101 = vector.broadcast %add3A_100 : i32 to vector<16xi32>
        %add3A_102 = arith.addi %mul3A_99, %add3A_101 : vector<16xi32>
        %get3A_103 = arith.index_cast %multiple_of3A_88 : i32 to index
        %get3A_104 = tpu.vector_load %arg18[%get3A_103] {strides = array<i32>} : memref<8192xi32, #tpu.memory_space<vmem>>, vector<16xi32>,
        tpu.vector_store_idx %arg20[%add3A_102], %get3A_104 : memref<16384xi32, #tpu.memory_space<vmem>>[vector<16xi32>], vector<16xi32>,
        %scan3A_105 = arith.constant 0 : i32
        scf.yield %scan3A_105 : i32
      }
      %scan3A_78 = arith.constant 512 : i32
      %mul3A_79 = arith.constant 2 : i32
      %mul3A_80 = arith.muli %add3A_52, %mul3A_79 : i32
      %multiple_of3A = tpu.assume_multiple %mul3A_80, 8 : i32
      "tpu.region"() ({
        %run_scoped3A = tpu.sem_alloc : memref<!tpu.dma_semaphore, #tpu.memory_space<semaphore_mem>>
        %dma_start3A_84 = tpu.memref_slice %arg8[%multiple_of3A] : memref<4194304xi32, #tpu.memory_space<hbm>> -> memref<16384xi32, #tpu.memory_space<hbm>>
        %dma_start3A_85 = tpu.memref_slice %arg8[%multiple_of3A] : memref<4194304xi32, #tpu.memory_space<hbm>> -> memref<16384xi32, #tpu.memory_space<hbm>>
        tpu.enqueue_dma source(%arg20 : memref<16384xi32, #tpu.memory_space<vmem>>) target(%dma_start3A_85 : memref<16384xi32, #tpu.memory_space<hbm>>) target_semaphore(%run_scoped3A : memref<!tpu.dma_semaphore, #tpu.memory_space<semaphore_mem>>)
        %dma_wait3A_86 = tpu.memref_slice %arg8[%multiple_of3A] : memref<4194304xi32, #tpu.memory_space<hbm>> -> memref<16384xi32, #tpu.memory_space<hbm>>
        %dma_wait3A_87 = tpu.memref_slice %arg8[%multiple_of3A] : memref<4194304xi32, #tpu.memory_space<hbm>> -> memref<16384xi32, #tpu.memory_space<hbm>>
        tpu.wait_dma2 semaphore(%run_scoped3A : memref<!tpu.dma_semaphore, #tpu.memory_space<semaphore_mem>>) src(%arg20 : memref<16384xi32, #tpu.memory_space<vmem>>) dst(%dma_wait3A_87 : memref<16384xi32, #tpu.memory_space<hbm>>)
        tpu.yield
      }) : () -> ()
      %multiple_of3A_81 = tpu.assume_multiple %add3A_52, 8 : i32
      "tpu.region"() ({
        %run_scoped3A = tpu.sem_alloc : memref<!tpu.dma_semaphore, #tpu.memory_space<semaphore_mem>>
        %dma_start3A_84 = tpu.memref_slice %arg9[%multiple_of3A_81] : memref<2097152xi32, #tpu.memory_space<hbm>> -> memref<8192xi32, #tpu.memory_space<hbm>>
        %dma_start3A_85 = tpu.memref_slice %arg9[%multiple_of3A_81] : memref<2097152xi32, #tpu.memory_space<hbm>> -> memref<8192xi32, #tpu.memory_space<hbm>>
        tpu.enqueue_dma source(%arg12 : memref<8192xi32, #tpu.memory_space<vmem>>) target(%dma_start3A_85 : memref<8192xi32, #tpu.memory_space<hbm>>) target_semaphore(%run_scoped3A : memref<!tpu.dma_semaphore, #tpu.memory_space<semaphore_mem>>)
        %dma_wait3A_86 = tpu.memref_slice %arg9[%multiple_of3A_81] : memref<2097152xi32, #tpu.memory_space<hbm>> -> memref<8192xi32, #tpu.memory_space<hbm>>
        %dma_wait3A_87 = tpu.memref_slice %arg9[%multiple_of3A_81] : memref<2097152xi32, #tpu.memory_space<hbm>> -> memref<8192xi32, #tpu.memory_space<hbm>>
        tpu.wait_dma2 semaphore(%run_scoped3A : memref<!tpu.dma_semaphore, #tpu.memory_space<semaphore_mem>>) src(%arg12 : memref<8192xi32, #tpu.memory_space<vmem>>) dst(%dma_wait3A_87 : memref<8192xi32, #tpu.memory_space<hbm>>)
        tpu.yield
      }) : () -> ()
      %multiple_of3A_82 = tpu.assume_multiple %add3A_52, 8 : i32
      "tpu.region"() ({
        %run_scoped3A = tpu.sem_alloc : memref<!tpu.dma_semaphore, #tpu.memory_space<semaphore_mem>>
        %dma_start3A_84 = tpu.memref_slice %arg10[%multiple_of3A_82] : memref<2097152xf32, #tpu.memory_space<hbm>> -> memref<8192xf32, #tpu.memory_space<hbm>>
        %dma_start3A_85 = tpu.memref_slice %arg10[%multiple_of3A_82] : memref<2097152xf32, #tpu.memory_space<hbm>> -> memref<8192xf32, #tpu.memory_space<hbm>>
        tpu.enqueue_dma source(%arg19 : memref<8192xf32, #tpu.memory_space<vmem>>) target(%dma_start3A_85 : memref<8192xf32, #tpu.memory_space<hbm>>) target_semaphore(%run_scoped3A : memref<!tpu.dma_semaphore, #tpu.memory_space<semaphore_mem>>)
        %dma_wait3A_86 = tpu.memref_slice %arg10[%multiple_of3A_82] : memref<2097152xf32, #tpu.memory_space<hbm>> -> memref<8192xf32, #tpu.memory_space<hbm>>
        %dma_wait3A_87 = tpu.memref_slice %arg10[%multiple_of3A_82] : memref<2097152xf32, #tpu.memory_space<hbm>> -> memref<8192xf32, #tpu.memory_space<hbm>>
        tpu.wait_dma2 semaphore(%run_scoped3A : memref<!tpu.dma_semaphore, #tpu.memory_space<semaphore_mem>>) src(%arg19 : memref<8192xf32, #tpu.memory_space<vmem>>) dst(%dma_wait3A_87 : memref<8192xf32, #tpu.memory_space<hbm>>)
        tpu.yield
      }) : () -> ()
      %scan3A_83 = arith.constant 0 : i32
      scf.yield %scan3A_83 : i32
    }
    %scan3A_45 = arith.constant 8 : i32
    return
  }
}

</mosaic_0001>

<sc_bundles>
// kernel: kernel.12.cloned.1.call-start
scs
__scs_entry_jumppad:
0x0: {  	(pc) =	sbr.rel $0x88, $3  }
0x1: {  	(tag) =	ssettag $0x0;
	lr =	simm.s32 $0x1  }
0x2: {  	[smem:$0x3F9F] =	sst lr;
	_ =	strace $0xD0000000  }
0x3: {  	_ = 	snop  }
0x4: {  	_ = 	snop  }
0x5: {  	_ = 	snop  }
0x6: {  	_ = 	snop  }
0x7: {  	_ = 	snop  }
__scs_overlays_trampoline_lowered:
0x8: {  	[smem:$0x3FAE] =	sst s0  }
0x9: {  	[smem:$0x3FAF] =	sst s1  }
0xa: {  	[smem:$0x3FB0] =	sst s2  }
0xb: {  	[smem:$0x3FB1] =	sst s3  }
0xc: {  	[smem:$0x3FB2] =	sst s4  }
0xd: {  	[smem:$0x3FB3] =	sst s5  }
0xe: {  	[smem:$0x3FB4] =	sst s6  }
0xf: {  	[smem:$0x3FB5] =	sst s7  }
0x10: {  	[smem:$0x3FB6] =	sst s8  }
0x11: {  	[smem:$0x3FB7] =	sst s9;
	s0 =	simm.s32 @!p0 $0x0  }
0x12: {  	s1 =	sld [smem:$0x3F9D];
	s0 =	simm.s32 @p0 $0x1  }
0x13: {  	[smem:$0x3FB8] =	sst s0;
	s0 =	simm.s32 @!p1 $0x0  }
0x14: {  	s2 =	sld [smem:$0x3F9C];
	s0 =	simm.s32 @p1 $0x1  }
0x15: {  	[smem:$0x3FB9] =	sst s0;
	s0 =	simm.s32 @!p2 $0x0  }
0x16: {  	s3 =	sld [smem:$0x3FDB];
	s0 =	simm.s32 @p2 $0x1  }
0x17: {  	s4 =	simm.s32 $0x1BF5;
	[smem:$0x3FBB] =	sst s0  }
0x18: {  	s0 =	sld [smem:$0x3F9E];
	_ =	swait.ge [sflag:s4], $0x0  }
0x19: {  	s7 =	sld [smem:$0x3F9F]  }
0x1a: {  	s8 =	sadd.s32 $0xFFFFE003, lr  }
0x1b: {  	s9 =	sadd.s32 $0xFFFFFEF7, lr;
	s5 =	simm.s32 $0xFFFFFFFF;
	p2 =	slt.u32 s8, $0xFFFFF086  }
0x1c: {  	p1 =	slt.u32 s9, $0xF7A;
	s5 =	simm.s32 @!p2 $0x0  }
0x1d: {  	s5 =	simm.s32 @p1 $0x1;
	p0 =	seq.s32 s7, s2  }
0x1e: {  	s7 =	smul.u32 @!p0 $0xF7A, s2;
	p2 =	seq.s32 @!p0 s5, $0x0  }
0x1f: {  	s9 =	smul.u32 $0xF7A, s1;
	s8 =	simm.s32 @!p0 $0x1BF5;
	p2 =	por !p2, p0  }
0x20: {  	[sflag:s8] =	ssyncset.s32 @!p0 $0xFFFFF086;
	s6 =	sadd.s32 @!p0 s3, s7;
	s7 =	simm.s32 @!p0 $0x108  }
0x21: {  	s3 =	sadd.s32 s3, s9;
	s6 =	sadd.s32 @!p0 $0x88, s6;
	s7 =	simm.s32 @p2 $0x1082  }
0x22: {  	[simem:s7], [sflag:s8] =	dma.local @!p0 [hbm:s6], $0xF7A  }
0x23: {  	s9 =	sor.u32 $0xD0000000, s2;
	s6 =	simm.s32 $0x108;
	_ =	swait.ge @!p0 [sflag:s8], $0x0  }
0x24: {  	s3 =	sadd.s32 $0x88, s3;
	s6 =	simm.s32 @!p1 $0x1082;
	[sflag:s4] =	ssyncset.s32 $0xFFFFF086  }
0x25: {  	[simem:s6], [sflag:s4] =	dma.local [hbm:s3], $0xF7A  }
0x26: {  	[smem:$0x3F9F] =	sst s1;
	(tag) =	ssettag s2;
	_ =	strace s9  }
0x27: {  	s1 =	sld [smem:$0x3FAF]  }
0x28: {  	s2 =	sld [smem:$0x3FB0]  }
0x29: {  	s4 =	sld [smem:$0x3FB2]  }
0x2a: {  	p0 =	seq.s32 s5, $0x0;
	s5 =	sld [smem:$0x3FB3]  }
0x2b: {  	s6 =	sld [smem:$0x3FB4]  }
0x2c: {  	s7 =	sld [smem:$0x3FB5]  }
0x2d: {  	s3 =	simm.s32 $0x108;
	s8 =	sld [smem:$0x3FB6]  }
0x2e: {  	s3 =	simm.s32 @!p0 $0x1082;
	s9 =	sld [smem:$0x3FB7]  }
0x2f: {  	lr =	sadd.s32 s0, s3;
	s0 =	sld [smem:$0x3FAE]  }
0x30: {  	s3 =	sld [smem:$0x3FB1]  }
0x31: {  	[smem:$0x3FBA] =	sst s10  }
0x32: {  	s10 =	sld [smem:$0x3FB8];
	_ =	sdelay $0x3  }
0x33: {  	p0 =	seq.s32 s10, $0x1;
	s10 =	sld [smem:$0x3FBA];
	_ =	sdelay $0x3  }
0x34: {  	[smem:$0x3FBA] =	sst s10  }
0x35: {  	s10 =	sld [smem:$0x3FB9];
	_ =	sdelay $0x3  }
0x36: {  	p1 =	seq.s32 s10, $0x1;
	s10 =	sld [smem:$0x3FBA];
	_ =	sdelay $0x3  }
0x37: {  	[smem:$0x3FBA] =	sst s10  }
0x38: {  	s10 =	sld [smem:$0x3FBB]  }
0x39: {  	_ = 	snop;
	(pc) =	sbr.ind lr, $3  }
0x3a: {  	_ = 	snop  }
0x3b: {  	_ = 	snop  }
0x3c: {  	p2 =	seq.s32 s10, $0x1;
	s10 =	sld [smem:$0x3FBA]  }
0x3d: {  	_ =	shalt  }
0x3e: {  	_ =	shalt  }
0x3f: {  	_ =	shalt  }
0x40: {  	_ =	shalt  }
0x41: {  	_ =	shalt  }
0x42: {  	_ =	shalt  }
0x43: {  	_ =	shalt  }
0x44: {  	_ =	shalt  }
0x45: {  	_ =	shalt  }
0x46: {  	_ =	shalt  }
0x47: {  	_ =	shalt  }
0x48: {  	_ =	shalt  }
0x49: {  	_ =	shalt  }
0x4a: {  	_ =	shalt  }
0x4b: {  	_ =	shalt  }
0x4c: {  	_ =	shalt  }
0x4d: {  	_ =	shalt  }
0x4e: {  	_ =	shalt  }
0x4f: {  	_ =	shalt  }
0x50: {  	_ =	shalt  }
0x51: {  	_ =	shalt  }
0x52: {  	_ =	shalt  }
0x53: {  	_ =	shalt  }
0x54: {  	_ =	shalt  }
0x55: {  	_ =	shalt  }
0x56: {  	_ =	shalt  }
0x57: {  	_ =	shalt  }
0x58: {  	_ =	shalt  }
0x59: {  	_ =	shalt  }
0x5a: {  	_ =	shalt  }
0x5b: {  	_ =	shalt  }
0x5c: {  	_ =	shalt  }
0x5d: {  	_ =	shalt  }
0x5e: {  	_ =	shalt  }
0x5f: {  	_ =	shalt  }
0x60: {  	_ =	shalt  }
0x61: {  	_ =	shalt  }
0x62: {  	_ =	shalt  }
0x63: {  	_ =	shalt  }
0x64: {  	_ =	shalt  }
0x65: {  	_ =	shalt  }
0x66: {  	_ =	shalt  }
0x67: {  	_ =	shalt  }
0x68: {  	_ =	shalt  }
0x69: {  	_ =	shalt  }
0x6a: {  	_ =	shalt  }
0x6b: {  	_ =	shalt  }
0x6c: {  	_ =	shalt  }
0x6d: {  	_ =	shalt  }
0x6e: {  	_ =	shalt  }
0x6f: {  	_ =	shalt  }
0x70: {  	_ =	shalt  }
0x71: {  	_ =	shalt  }
0x72: {  	_ =	shalt  }
0x73: {  	_ =	shalt  }
0x74: {  	_ =	shalt  }
0x75: {  	_ =	shalt  }
0x76: {  	_ =	shalt  }
0x77: {  	_ =	shalt  }
0x78: {  	_ =	shalt  }
0x79: {  	_ =	shalt  }
0x7a: {  	_ =	shalt  }
0x7b: {  	_ =	shalt  }
0x7c: {  	_ =	shalt  }
0x7d: {  	_ =	shalt  }
0x7e: {  	_ =	shalt  }
0x7f: {  	_ =	shalt  }
0x80: {  	_ =	shalt  }
0x81: {  	_ =	shalt  }
0x82: {  	_ =	shalt  }
0x83: {  	_ =	shalt  }
0x84: {  	_ =	shalt  }
0x85: {  	_ =	shalt  }
0x86: {  	_ =	shalt  }
0x87: {  	_ =	shalt  }
.Lfunc_end0:
.L_simem_size_0:
called_computation.2_lowered:
.L_overlay_start_0:
0x88: {  	s2 =	sld [smem:$0x3FD9]  }
0x89: {  	s3 =	sld [smem:$0x3FFE];
	_ =	sdelay $0x1  }
0x8a: {  	s1 =	srdreg.scid  }
0x8b: {  	s0 =	sand.u32 $0x1, s1  }
0x8c: {  	s14 =	sshll.u32 s0, $0xA;
	s2 =	sadd.s32 s3, s2  }
0x8d: {  	s2 =	sadd.s32 s2, s14  }
0x8e: {  	[smem:$0x3FC6] =	sst s2  }
0x8f: {  	_ = 	snop  }
0x90: {  	s2 =	sld [smem:$0x3FD0];
	_ =	sdelay $0x2  }
0x91: {  	s15 =	simm.s32 $0xA;
	s4 =	simm.s32 $0x10  }
0x92: {  	[smem:s4], [sflag:s15] =	dma.local [hbm:s2], $0x1  }
0x93: {  	_ =	swait.eq [sflag:s15], $0x1  }
0x94: {  	s16 =	sld [smem:$0x10];
	[sflag:s15] =	ssyncset.done $0x0  }
0x95: {  	s17 =	sld [smem:$0x11];
	[sflag:s15] =	ssyncadd.s32 $0xFFFFFFFF  }
0x96: {  	s18 =	sld [smem:$0x12];
	(tm) =	ssettm $0x1  }
0x97: {  	s5 =	sld [smem:$0x3FFB];
	_ =	sdelay $0x3  }
0x98: {  	_ =	strace s5  }
0x99: {  	s5 =	sld [smem:$0x3FFC];
	_ =	sdelay $0x3  }
0x9a: {  	_ =	strace s5  }
0x9b: {  	s5 =	sld [smem:$0x3FFD];
	_ =	sdelay $0x3  }
0x9c: {  	_ =	strace s5  }
0x9d: {  	_ =	strace $0x8FFFFFFF  }
0x9e: {  	s19 =	sld [smem:$0x3FDB];
	_ =	sdelay $0x1  }
0x9f: {  	s6 =	simm.s32 $_scs_section_size  }
0xa0: {  	s7 =	simm.s32 $_size__tile_overlayer_lowered;
	s8 =	simm.s32 $_tile_overlayer_lowered  }
0xa1: {  	s22 =	simm.s32 $0x1BFF;
	s21 =	sshll.u32 s8, $0x1;
	s5 =	sadd.s32 s6, s19  }
0xa2: {  	s9 =	simm.s32 $0x0;
	s20 =	sshll.u32 s7, $0x1;
	s7 =	sadd.s32 s21, s5  }
0xa3: {  	[timem:s9], [sflag:s22] =	dma.local [hbm:s7], s20  }
0xa4: {  	_ =	swait.ge [sflag:s22], s20  }
0xa5: {  	s6 =	ssub.s32 $0x0, s20;
	[sflag:s22] =	ssyncset.done $0x0  }
0xa6: {  	[sflag:s22] =	ssyncadd.s32 s6;
	_ =	sdelay $0x1  }
0xa7: {  	s23 =	simm.s32 $0x1B8B  }
0xa8: {  	_ =	swait.ge [sflag:s23], $0x1  }
0xa9: {  	[sflag:s23] =	ssyncset.done $0x0  }
0xaa: {  	s25 =	simm.s32 $0x1B8E;
	s24 =	sld [smem:$0x3FFE];
	[sflag:s23] =	ssyncadd.s32 $0xFFFFFFFF  }
0xab: {  	s26 =	simm.s32 $execute0_lowered;
	[smem:$0x3FD2] =	sst s25  }
0xac: {  	s7 =	sshll.u32 s26, $0x1;
	_ =	strace $0x8000004C;
	[dreg:$0x1] =	wrdreg $0xFFFFFFFF  }
0xad: {  	s28 =	simm.s32 $_size_execute0_lowered;
	s5 =	sadd.s32 s5, s7;
	[dreg:$0x0] =	wrdreg $0x0  }
0xae: {  	s7 =	sshll.u32 s28, $0x1;
	[dreg:$0x2] =	wrdreg s5  }
0xaf: {  	[dreg:$0x3] =	wrdreg s7  }
0xb0: {  	[dreg:$0x4] =	wrdreg $0xC0  }
0xb1: {  	_ =	task [dreg:s9], $0x5FFFF  }
0xb2: {  	[dreg:$0x1] =	wrdreg $0xFFFFFFFF  }
0xb3: {  	[dreg:$0x0] =	wrdreg $0x60  }
0xb4: {  	[dreg:$0x2] =	wrdreg s18  }
0xb5: {  	[dreg:$0x3] =	wrdreg s17  }
0xb6: {  	[dreg:$0x4] =	wrdreg s16  }
0xb7: {  	[dreg:$0x5] =	wrdreg s24  }
0xb8: {  	[dreg:$0x6] =	wrdreg $0xA0000  }
0xb9: {  	[dreg:$0x7] =	wrdreg $0x9  }
0xba: {  	_ =	task.clear_ibuf [dreg:s9], $0x8FFFF;
	_ =	strace $0x9000004C  }
0xbb: {  	s29 =	simm.s32 $0x9;
	_ =	strace $0x8000004E  }
0xbc: {  	_ =	swait.ge [sflag:s29], $0x1  }
0xbd: {  	[sflag:s29] =	ssyncadd.s32 $0xFFFFFFFF  }
0xbe: {  	_ =	strace $0x9000004E  }
0xbf: {  	_ =	sfence  }
0xc0: {  	s30 =	sld [smem:$0x0];
	_ =	sdelay $0x2  }
0xc1: {  	s31 =	sshll.u32 s1, $0xD;
	s1 =	sshrl.u32 s1, $0x2  }
0xc2: {  	s3 =	sand.u32 $0x4000, s31;
	s1 =	sadd.s32 s1, s30  }
0xc3: {  	s0 =	sor.u32 s3, s0;
	s1 =	sshll.u32 s1, $0x11  }
0xc4: {  	s0 =	sor.u32 s1, s0  }
0xc5: {  	s0 =	sadd.s32 $0x8F2B, s0  }
0xc6: {  	[sflag:s0] =	ssyncadd.remote.s32 $0x1  }
0xc7: {  	_ =	sfence.sel $0xFFFF  }
0xc8: {  	[dreg:$0x0] =	wrdreg $0xFFFFFFFF;
	(pc) =	sbr.abs _section_cstart, $3  }
0xc9: {  	[dreg:$0x1] =	wrdreg $0xFFFFFFFF  }
0xca: {  	_ =	task.clear_ibuf [dreg:s9], $0x2FFFF;
	_ =	strace $0x9FFFFFFF  }
0xcb: {  	(tm) =	ssettm $0x7FFFFFFF  }
tec
execute0_lowered:
.L_overlay_start_1:
0x0: {  	(tag) =	ssettag $0x1  }
0x1: {  	s0 =	rddreg [dreg:$0x0]  }
0x2: {  	s1 =	rddreg [dreg:$0x1]  }
0x3: {  	s2 =	rddreg [dreg:$0x2]  }
0x4: {  	s3 =	rddreg [dreg:$0x3]  }
0x5: {  	s4 =	rddreg [dreg:$0x4]  }
0x6: {  	s6 =	srdreg.scid;
	s5 =	simm.s32 $0x0;
	s14 =	stileid.u32  }
0x7: {  	s19 =	simm.s32 $0x80;
	s20 =	simm.s32 $0x400;
	s21 =	simm.s32 $0x1A008  }
0x8: {  	s28 =	simm.s32 $0x8000;
	s29 =	simm.s32 $0x6000;
	s30 =	simm.s32 $0x2  }
0x9: {  	s31 =	simm.s32 $0x1A808;
	s6 =	sand.u32 $0x1, s6;
	[smem:$0x7FF] =	sst s5  }
0xa: {  	s9 =	sshll.u32 s14, $0x10;
	s24 =	sshll.u32 s14, $0x8;
	s12 =	sshll.u32 s14, $0xE  }
0xb: {  	s8 =	sshll.u32 s6, $0x14;
	_ =	strace $0x8000004D;
	s10 =	sshll.u32 s6, $0xC  }
0xc: {  	s6 =	ssub.s32 $0x2, s6;
	s13 =	sand.u32 $0x800, s24;
	s24 =	simm.s32 $0x2000  }
0xd: {  	s7 =	sor.u32 s9, s8;
	s22 =	sshrl.u32 s6, $0x1;
	s9 =	sadd.s32 s9, s4  }
0xe: {  	s7 =	sshrl.u32 s7, $0x3;
	s23 =	ssub.s32 s6, s22;
	s6 =	sshll.u32 s14, $0x1  }
0xf: {  	s14 =	sshll.u32 s14, $0x4;
	s15 =	sadd.s32 $0x8000, s9;
	s16 =	sadd.s32 $0xA000, s9  }
0x10: {  	s17 =	sadd.s32 $0xC000, s9;
	s18 =	sadd.s32 $0xE000, s9;
	s22 =	simm.s32 $0x3  }
0x11: {  	s11 =	sadd.s32 s7, s3;
	s3 =	sadd.s32 s10, s3;
	s7 =	sadd.s32 s0, s12  }
0x12: {  	s25 =	sand.u32 $0x70, s14;
	s26 =	smax.u32 s23, $0x1;
	s12 =	sadd.s32 $0x2000, s9  }
0x13: {  	s14 =	sadd.s32 $0x6000, s9;
	s23 =	simm.s32 $0x1;
	s3 =	sadd.s32 s13, s3  }
0x14: {  	v1 =	vimm.s32 $0x0;
	v0 =	vmov s8;
	s11 =	sadd.s32 $0xC1E00, s11;
	[dreg:$0x8] =	wrdreg s26;
	s0 =	sadd.s32 s25, s3  }
0x15: {  	v3 =	vlaneseq.u32;
	v2 =	vimm.s32 $0xF;
	v0 =	vxor.u32 $0xFFFFFFFF, v0;
	s13 =	sadd.s32 $0x4000, s9;
	[dreg:$0x6] =	wrdreg s11;
	s0 =	sadd.s32 $0x101E00, s0  }
0x16: {  	v4 =	vimm.s32 $0x1;
	v3 =	vor.u32 $0x100000, v3;
	v0 =	vbroadcast v0, $0x0;
	s26 =	simm.s32 $0x1B008;
	s25 =	simm.s32 $0x4000;
	[dreg:$0x7] =	wrdreg s0  }
.LBB2_1:
0x17: {  	s0 =	simm.s32 $0x40;
	s3 =	simm.s32 $0x0  }
.LBB2_2:
0x18: {  	p0 =	sne.s32 s0, $0x1FC0;
	[tilespmem:s3+$0x1A808] =	vst v1;
	s3 =	smov.u32 s0;
	s0 =	sadd.s32 $0x40, s0  }
.Ltmp0:
0x19: {  	(pc) =	sbr.rel @p0 .LBB2_2-.Ltmp0, $2  }
0x1a: {  	_ =	sdelay $0x2  }
0x1b: {  	s3 =	sshra.s32 s3, $0x2  }
0x1c: {  	[tilespmem:s3+$0x1A808] =	vst v1;
	s0 =	simm.s32 $0x0;
	s3 =	simm.s32 $0x40;
	s8 =	simm.s32 $0x0  }
.LBB2_4:
0x1d: {  	p0 =	sne.s32 s3, $0x1FC0;
	[tilespmem:s8+$0x1B008] =	vst v1;
	s8 =	smov.u32 s3;
	s3 =	sadd.s32 $0x40, s3  }
.Ltmp1:
0x1e: {  	(pc) =	sbr.rel @p0 .LBB2_4-.Ltmp1, $2  }
0x1f: {  	_ =	sdelay $0x2  }
0x20: {  	s8 =	sshra.s32 s8, $0x2  }
0x21: {  	[tilespmem:s8+$0x1B008] =	vst v1  }
.LBB2_6:
0x22: {  	s3 =	sshll.u32 s0, $0x4  }
0x23: {  	s8 =	sshll.u32 s0, $0x8;
	s3 =	sand.u32 $0x70, s3  }
0x24: {  	s8 =	sand.u32 $0x1800, s8;
	s3 =	sadd.s32 s2, s3  }
0x25: {  	s3 =	sadd.s32 s8, s3  }
0x26: {  	[tilespmem:s21], [sflag:$0x3] =	stream.strided.gather [hbm4b:s3+s19], $0x800, s20, s19, $0x38;
	[tilespmem:$0x1B808] =	vst v63  }
0x27: {  	_ =	swait.ge [sflag:s22], $0x800  }
0x28: {  	[sflag:s22] =	ssyncset.done $0x0  }
0x29: {  	s3 =	simm.s32 $0x0;
	[sflag:s22] =	ssyncadd.s32 $0xFFFFF800  }
0x2a: {  	v8 =	vld [tilespmem:s3+$0x1A008]  }
0x2b: {  	v9 =	vld [tilespmem:s3+$0x1A808]  }
0x2c: {  	p0 =	slt.u32 s0, s6;
	s8 =	simm.s32 $0x1;
	v6 =	vld [tilespmem:s3+$0x1B008]  }
0x2d: {  	s8 =	simm.s32 @!p0 $0x0  }
0x2e: {  	v5 =	vmov s8  }
0x2f: {  	v7 =	vmul.u32 v5, v8  }
0x30: {  	s10 =	simm.s32 $0x80;
	s8 =	simm.s32 $0x10;
	v8 =	vadd.s32 v8, v9  }
.LBB2_7:
0x31: {  	p0 =	sne.s32 s10, $0x1FC0;
	v9 =	vld [tilespmem:s8+$0x1A008];
	[tilespmem:s3+$0x1A808] =	vst v8;
	v6 =	vadd.s32 v7, v6  }
0x32: {  	v8 =	vld [tilespmem:s8+$0x1A808];
	[tilespmem:s3+$0x1B008] =	vst v6;
	s3 =	smov.u32 s8  }
.Ltmp2:
0x33: {  	v6 =	vld [tilespmem:s3+$0x1B008];
	(pc) =	sbr.rel @p0 .LBB2_7-.Ltmp2, $3  }
0x34: {  	_ =	sdelay $0x1  }
0x35: {  	v7 =	vmul.u32 v5, v9  }
0x36: {  	s8 =	sshra.s32 s10, $0x2;
	s10 =	sadd.s32 $0x40, s10;
	v8 =	vadd.s32 v9, v8  }
0x37: {  	v9 =	vld [tilespmem:s8+$0x1A008];
	[tilespmem:s3+$0x1A808] =	vst v8;
	v6 =	vadd.s32 v7, v6  }
0x38: {  	v7 =	vld [tilespmem:s8+$0x1A808];
	[tilespmem:s3+$0x1B008] =	vst v6  }
0x39: {  	s0 =	sadd.s32 $0x1, s0;
	v6 =	vld [tilespmem:s8+$0x1B008]  }
0x3a: {  	p0 =	sne.s32 s0, $0x20  }
.Ltmp3:
0x3b: {  	_ = 	snop;
	(pc) =	sbr.rel @p0 .LBB2_6-.Ltmp3, $4  }
0x3c: {  	v5 =	vmul.u32 v5, v9  }
0x3d: {  	v7 =	vadd.s32 v9, v7  }
0x3e: {  	[tilespmem:s8+$0x1A808] =	vst v7;
	v5 =	vadd.s32 v5, v6  }
0x3f: {  	[tilespmem:s8+$0x1B008] =	vst v5  }
0x40: {  	s0 =	simm.s32 $0x0  }
0x41: {  	v7 =	vld [tilespmem:s0+$0x1A808];
	_ =	sdelay $0x4  }
0x42: {  	(xrf0) =	vadd.scan.msk.s32 $0xffff, v7  }
0x43: {  	v8 =	vld [tilespmem:s0+$0x1B008]  }
0x44: {  	s3 =	simm.s32 $0x10;
	v5 =	vimm.s32 $0x0  }
0x45: {  	v6 =	vld [tilespmem:s3+$0x1A808];
	v7 =	vsub.s32 v5, v7;
	_ =	sdelay $0x2  }
0x46: {  	v8 =	vadd.s32 v8, v7;
	v7, _, _ =	vpop (xrf0)  }
0x47: {  	v8 =	vadd.s32 v7, v8  }
0x48: {  	(xrf0) =	vadd.scan.msk.s32 $0xffff, v6;
	[tilespmem:s0+$0x1B008] =	vst v8  }
0x49: {  	s8 =	simm.s32 $0x80;
	s10 =	simm.s32 $0xC0;
	s0 =	simm.s32 $0x0;
	v8 =	vld [tilespmem:s3+$0x1B008]  }
.LBB2_10:
0x4a: {  	p0 =	sne.s32 s10, $0x1FC0;
	s11 =	sshra.s32 s8, $0x2;
	v7 =	vperm.xlane v7, v2;
	s8 =	smov.u32 s10  }
0x4b: {  	v9 =	vld [tilespmem:s11+$0x1A808]  }
0x4c: {  	v5 =	vadd.s32 v5, v7  }
.Ltmp4:
0x4d: {  	v6 =	vsub.s32 v5, v6;
	(pc) =	sbr.rel @p0 .LBB2_10-.Ltmp4, $4  }
0x4e: {  	v10 =	vadd.s32 v8, v6;
	v7, _, _ =	vpop (xrf0)  }
0x4f: {  	v8 =	vadd.s32 v7, v10  }
0x50: {  	(xrf0) =	vadd.scan.msk.s32 $0xffff, v9;
	[tilespmem:s3+$0x1B008] =	vst v8;
	v6 =	vmov v9;
	s3 =	smov.u32 s11  }
0x51: {  	s10 =	sadd.s32 $0x40, s10;
	v8 =	vld [tilespmem:s3+$0x1B008]  }
0x52: {  	s8 =	sshra.s32 s8, $0x2;
	v7 =	vperm.xlane v7, v2  }
0x53: {  	v9 =	vld [tilespmem:s8+$0x1A808]  }
0x54: {  	v5 =	vadd.s32 v5, v7  }
0x55: {  	v6 =	vsub.s32 v5, v6  }
0x56: {  	v6 =	vadd.s32 v8, v6;
	v7, _, _ =	vpop (xrf0)  }
0x57: {  	v6 =	vadd.s32 v7, v6  }
0x58: {  	(xrf0) =	vadd.scan.msk.s32 $0xffff, v9;
	[tilespmem:s3+$0x1B008] =	vst v6  }
0x59: {  	v6 =	vld [tilespmem:s8+$0x1B008]  }
0x5a: {  	v7 =	vperm.xlane v7, v2;
	_ =	sdelay $0x1  }
0x5b: {  	v5 =	vadd.s32 v5, v7  }
0x5c: {  	v5 =	vsub.s32 v5, v9  }
0x5d: {  	v5 =	vadd.s32 v6, v5;
	v6, _, _ =	vpop (xrf0)  }
0x5e: {  	v5 =	vadd.s32 v6, v5  }
0x5f: {  	[tilespmem:s8+$0x1B008] =	vst v5  }
.LBB2_12:
0x60: {  	s3 =	sshll.u32 s0, $0xA  }
0x61: {  	s8 =	simm.s32 $0x0;
	s3 =	sadd.s32 s3, s7  }
0x62: {  	[tilespmem:s8], [sflag:$0x3] =	stream.linear.gather [hbm4b:s3+s8], $0x2000, $0x38;
	[tilespmem:$0x1B808] =	vst v63  }
0x63: {  	_ =	swait.ge [sflag:s22], $0x2000  }
0x64: {  	[sflag:s22] =	ssyncset.done $0x0  }
0x65: {  	s3 =	simm.s32 $0x0;
	[sflag:s22] =	ssyncadd.s32 $0xFFFFE000  }
0x66: {  	s8 =	simm.s32 $0x40;
	v5 =	vld [tilespmem:s3+$0x0]  }
.LBB2_13:
0x67: {  	p0 =	sne.s32 s8, $0x7FC0  }
.Ltmp5:
0x68: {  	_ = 	snop;
	(pc) =	sbr.rel @p0 .LBB2_13-.Ltmp5, $3  }
0x69: {  	_ =	sdelay $0x1  }
0x6a: {  	s10 =	sshra.s32 s8, $0x2;
	s8 =	sadd.s32 $0x40, s8;
	v6 =	vand.u32 $0x1FFFFF, v5  }
0x6b: {  	v5 =	vld [tilespmem:s10+$0x0];
	[tilespmem:s3+$0x2000] =	vst v6;
	s3 =	smov.u32 s10  }
0x6c: {  	_ =	sdelay $0x3  }
0x6d: {  	v5 =	vand.u32 $0x1FFFFF, v5  }
0x6e: {  	[tilespmem:s3+$0x2000] =	vst v5  }
0x6f: {  	[tilespmem:s25], [sflag:$0x1] =	stream.indirect.gather [hbm4b:s1+s24], $0x1, s24, s24, $0xb8;
	[tilespmem:$0x1B808] =	vst v63  }
0x70: {  	_ =	swait.ge [sflag:s23], $0x2000  }
0x71: {  	[sflag:s23] =	ssyncset.done $0x0  }
0x72: {  	s3 =	simm.s32 $0x0;
	[sflag:s23] =	ssyncadd.s32 $0xFFFFE000  }
0x73: {  	v5 =	vld [tilespmem:s3+$0x0];
	_ =	sdelay $0x4  }
0x74: {  	v5 =	vshrl.u32 v5, $0x15  }
0x75: {  	(xrf1) =	vunique.msk.u32 $0xffff, v5;
	_ =	sdelay $0xd  }
0x76: {  	v6 =	vld.idx.msk [tilespmem:v5+s26+$0x0], $0xffff;
	_, v7, vm0 =	vpop (xrf1);
	_ =	sdelay $0x4  }
0x77: {  	v6 =	vadd.s32 v6, v7  }
0x78: {  	[tilespmem:v5+s26+$0x0] =	vst.idx.msk vm0, v6;
	v6 =	vadd.s32 v0, v6  }
0x79: {  	s10 =	simm.s32 $0x10;
	v5 =	vld [tilespmem:s3+$0x4000];
	vm15 =	vlt.u32 v6, $0x100000  }
0x7a: {  	v8 =	vld [tilespmem:s10+$0x0];
	v6 =	vsel vm15, v6, v3  }
0x7b: {  	[tilespmem:s3+$0x8000] =	vst v6;
	v6 =	vld [tilespmem:s3+$0x2000];
	_ =	sdelay $0x3  }
0x7c: {  	s8 =	simm.s32 $0x80;
	v7 =	vshll.u32 v5, $0x15;
	v5 =	vshrl.u32 v8, $0x15  }
.LBB2_15:
0x7d: {  	p0 =	sne.s32 s8, $0x7FC0;
	(xrf1) =	vunique.msk.u32 $0xffff, v5;
	v6 =	vor.u32 v6, v7;
	s11 =	smov.u32 s8;
	s8 =	sadd.s32 $0x40, s8  }
0x7e: {  	[tilespmem:s3+$0x6000] =	vst v6;
	s3 =	smov.u32 s10;
	_ =	sdelay $0xb  }
0x7f: {  	v6 =	vld.idx.msk [tilespmem:v5+s26+$0x0], $0xffff  }
0x80: {  	_, v7, vm0 =	vpop (xrf1);
	_ =	sdelay $0x4  }
0x81: {  	v6 =	vadd.s32 v6, v7  }
0x82: {  	[tilespmem:v5+s26+$0x0] =	vst.idx.msk vm0, v6;
	v5 =	vadd.s32 v0, v6  }
0x83: {  	s10 =	sshra.s32 s11, $0x2;
	vm0 =	vlt.u32 v5, $0x100000;
	v7 =	vld [tilespmem:s3+$0x4000]  }
0x84: {  	v8 =	vld [tilespmem:s10+$0x0];
	v5 =	vsel vm0, v5, v3  }
.Ltmp6:
0x85: {  	[tilespmem:s3+$0x8000] =	vst v5;
	v6 =	vld [tilespmem:s3+$0x2000];
	(pc) =	sbr.rel @p0 .LBB2_15-.Ltmp6, $3  }
0x86: {  	_ =	sdelay $0x1  }
0x87: {  	v7 =	vshll.u32 v7, $0x15  }
0x88: {  	v5 =	vshrl.u32 v8, $0x15  }
0x89: {  	(xrf1) =	vunique.msk.u32 $0xffff, v5;
	_ =	sdelay $0xa  }
0x8a: {  	v6 =	vor.u32 v6, v7  }
0x8b: {  	[tilespmem:s3+$0x6000] =	vst v6  }
0x8c: {  	v6 =	vld.idx.msk [tilespmem:v5+s26+$0x0], $0xffff  }
0x8d: {  	_, v7, vm0 =	vpop (xrf1);
	_ =	sdelay $0x3  }
0x8e: {  	v6 =	vadd.s32 v6, v7  }
0x8f: {  	v7 =	vadd.s32 v0, v6  }
0x90: {  	vm15 =	vlt.u32 v7, $0x100000;
	[tilespmem:v5+s26+$0x0] =	vst.idx.msk vm0, v6  }
0x91: {  	v6 =	vsel vm15, v7, v3;
	v5 =	vld [tilespmem:s10+$0x4000]  }
0x92: {  	[tilespmem:s10+$0x8000] =	vst v6;
	v6 =	vld [tilespmem:s10+$0x2000];
	_ =	sdelay $0x3  }
0x93: {  	s0 =	sadd.s32 $0x1, s0;
	v5 =	vshll.u32 v5, $0x15  }
0x94: {  	p0 =	sne.s32 s0, $0x10;
	v5 =	vor.u32 v6, v5  }
.Ltmp7:
0x95: {  	[tilespmem:s10+$0x6000] =	vst v5;
	(pc) =	sbr.rel @p0 .LBB2_12-.Ltmp7, $4  }
0x96: {  	[spmem:s4] =	stream.indirect.scatter [tilespmem:s29], [sflag:$0x2], $0x1, s28, s24, $0xb8;
	[tilespmem:$0x1B808] =	vst v63  }
0x97: {  	_ =	swait.ge [sflag:s30], $0x2000  }
0x98: {  	[sflag:s30] =	ssyncset.done $0x0  }
0x99: {  	[sflag:s30] =	ssyncadd.s32 $0xFFFFE000  }
0x9a: {  	s0 =	stileid.u32  }
0x9b: {  	[bflag:$0x0] =	sbarrier.arrive $0xFFFF;
	s0 =	sshll.u32 s0, $0x6  }
0x9c: {  	s3 =	sshrl.u32 s9, $0x3;
	s8 =	rddreg [dreg:$0x6];
	s0 =	sor.u32 $0x1C03, s0  }
0x9d: {  	[hbm:s8], [sflag:s0] =	dma.local [spmem:s3], $0x2000  }
0x9e: {  	_ =	swait.ge [sflag:s22], $0x2000  }
0x9f: {  	[sflag:s22] =	ssyncset.done $0x0  }
0xa0: {  	s0 =	simm.s32 $0x40;
	s3 =	simm.s32 $0x0;
	[sflag:s22] =	ssyncadd.s32 $0xFFFFE000  }
.LBB2_18:
0xa1: {  	p0 =	sne.s32 s0, $0x1FC0;
	[tilespmem:s3+$0x1A808] =	vst v1;
	s3 =	smov.u32 s0;
	s0 =	sadd.s32 $0x40, s0  }
.Ltmp8:
0xa2: {  	(pc) =	sbr.rel @p0 .LBB2_18-.Ltmp8, $2  }
0xa3: {  	_ =	sdelay $0x2  }
0xa4: {  	s3 =	sshra.s32 s3, $0x2  }
0xa5: {  	[tilespmem:s3+$0x1A808] =	vst v1;
	s0 =	simm.s32 $0x0  }
0xa6: {  	[tilespmem:s0], [sflag:$0x3] =	stream.linear.gather [spmem:s9], $0x2000, $0x38;
	[tilespmem:$0x1B808] =	vst v63  }
0xa7: {  	_ =	swait.ge [sflag:s22], $0x2000  }
0xa8: {  	[sflag:s22] =	ssyncset.done $0x0  }
0xa9: {  	s3 =	simm.s32 $0x0;
	s0 =	simm.s32 $0x40;
	[sflag:s22] =	ssyncadd.s32 $0xFFFFE000  }
.LBB2_20:
0xaa: {  	p0 =	sne.s32 s0, $0x7FC0;
	v5 =	vld [tilespmem:s3+$0x0];
	_ =	sdelay $0x4  }
0xab: {  	v5 =	vshrl.u32 v5, $0x15  }
.Ltmp9:
0xac: {  	(pc) =	sbr.rel @p0 .LBB2_20-.Ltmp9, $2  }
0xad: {  	_ =	sdelay $0x2  }
0xae: {  	s3 =	sshra.s32 s0, $0x2;
	s0 =	sadd.s32 $0x40, s0;
	[tilespmem:v5+s31+$0x0] =	vst.idx.add.s32.msk $0xffff, v4  }
0xaf: {  	v5 =	vld [tilespmem:s3+$0x0];
	_ =	sdelay $0x4  }
0xb0: {  	v5 =	vshrl.u32 v5, $0x15;
	_ =	sdelay $0x4  }
0xb1: {  	s0 =	simm.s32 $0x0;
	[tilespmem:v5+s31+$0x0] =	vst.idx.add.s32.msk $0xffff, v4  }
0xb2: {  	[tilespmem:s0], [sflag:$0x3] =	stream.linear.gather [spmem:s12], $0x2000, $0x38;
	[tilespmem:$0x1B808] =	vst v63  }
0xb3: {  	_ =	swait.ge [sflag:s22], $0x2000  }
0xb4: {  	[sflag:s22] =	ssyncset.done $0x0  }
0xb5: {  	s3 =	simm.s32 $0x0;
	s0 =	simm.s32 $0x40;
	[sflag:s22] =	ssyncadd.s32 $0xFFFFE000  }
.LBB2_22:
0xb6: {  	p0 =	sne.s32 s0, $0x7FC0;
	v5 =	vld [tilespmem:s3+$0x0];
	_ =	sdelay $0x4  }
0xb7: {  	v5 =	vshrl.u32 v5, $0x15  }
.Ltmp10:
0xb8: {  	(pc) =	sbr.rel @p0 .LBB2_22-.Ltmp10, $2  }
0xb9: {  	_ =	sdelay $0x2  }
0xba: {  	s3 =	sshra.s32 s0, $0x2;
	s0 =	sadd.s32 $0x40, s0;
	[tilespmem:v5+s31+$0x0] =	vst.idx.add.s32.msk $0xffff, v4  }
0xbb: {  	v5 =	vld [tilespmem:s3+$0x0];
	_ =	sdelay $0x4  }
0xbc: {  	v5 =	vshrl.u32 v5, $0x15;
	_ =	sdelay $0x4  }
0xbd: {  	s0 =	simm.s32 $0x0;
	[tilespmem:v5+s31+$0x0] =	vst.idx.add.s32.msk $0xffff, v4  }
0xbe: {  	[tilespmem:s0], [sflag:$0x3] =	stream.linear.gather [spmem:s13], $0x2000, $0x38;
	[tilespmem:$0x1B808] =	vst v63  }
0xbf: {  	_ =	swait.ge [sflag:s22], $0x2000  }
0xc0: {  	[sflag:s22] =	ssyncset.done $0x0  }
0xc1: {  	s3 =	simm.s32 $0x0;
	s0 =	simm.s32 $0x40;
	[sflag:s22] =	ssyncadd.s32 $0xFFFFE000  }
.LBB2_24:
0xc2: {  	p0 =	sne.s32 s0, $0x7FC0;
	v5 =	vld [tilespmem:s3+$0x0];
	_ =	sdelay $0x4  }
0xc3: {  	v5 =	vshrl.u32 v5, $0x15  }
.Ltmp11:
0xc4: {  	(pc) =	sbr.rel @p0 .LBB2_24-.Ltmp11, $2  }
0xc5: {  	_ =	sdelay $0x2  }
0xc6: {  	s3 =	sshra.s32 s0, $0x2;
	s0 =	sadd.s32 $0x40, s0;
	[tilespmem:v5+s31+$0x0] =	vst.idx.add.s32.msk $0xffff, v4  }
0xc7: {  	v5 =	vld [tilespmem:s3+$0x0];
	_ =	sdelay $0x4  }
0xc8: {  	v5 =	vshrl.u32 v5, $0x15;
	_ =	sdelay $0x4  }
0xc9: {  	s0 =	simm.s32 $0x0;
	[tilespmem:v5+s31+$0x0] =	vst.idx.add.s32.msk $0xffff, v4  }
0xca: {  	[tilespmem:s0], [sflag:$0x3] =	stream.linear.gather [spmem:s14], $0x2000, $0x38;
	[tilespmem:$0x1B808] =	vst v63  }
0xcb: {  	_ =	swait.ge [sflag:s22], $0x2000  }
0xcc: {  	[sflag:s22] =	ssyncset.done $0x0  }
0xcd: {  	s3 =	simm.s32 $0x0;
	s0 =	simm.s32 $0x40;
	[sflag:s22] =	ssyncadd.s32 $0xFFFFE000  }
.LBB2_26:
0xce: {  	p0 =	sne.s32 s0, $0x7FC0;
	v5 =	vld [tilespmem:s3+$0x0];
	_ =	sdelay $0x4  }
0xcf: {  	v5 =	vshrl.u32 v5, $0x15  }
.Ltmp12:
0xd0: {  	(pc) =	sbr.rel @p0 .LBB2_26-.Ltmp12, $2  }
0xd1: {  	_ =	sdelay $0x2  }
0xd2: {  	s3 =	sshra.s32 s0, $0x2;
	s0 =	sadd.s32 $0x40, s0;
	[tilespmem:v5+s31+$0x0] =	vst.idx.add.s32.msk $0xffff, v4  }
0xd3: {  	v5 =	vld [tilespmem:s3+$0x0];
	_ =	sdelay $0x4  }
0xd4: {  	v5 =	vshrl.u32 v5, $0x15;
	_ =	sdelay $0x4  }
0xd5: {  	s0 =	simm.s32 $0x0;
	[tilespmem:v5+s31+$0x0] =	vst.idx.add.s32.msk $0xffff, v4  }
0xd6: {  	[tilespmem:s0], [sflag:$0x3] =	stream.linear.gather [spmem:s15], $0x2000, $0x38;
	[tilespmem:$0x1B808] =	vst v63  }
0xd7: {  	_ =	swait.ge [sflag:s22], $0x2000  }
0xd8: {  	[sflag:s22] =	ssyncset.done $0x0  }
0xd9: {  	s3 =	simm.s32 $0x0;
	s0 =	simm.s32 $0x40;
	[sflag:s22] =	ssyncadd.s32 $0xFFFFE000  }
.LBB2_28:
0xda: {  	p0 =	sne.s32 s0, $0x7FC0;
	v5 =	vld [tilespmem:s3+$0x0];
	_ =	sdelay $0x4  }
0xdb: {  	v5 =	vshrl.u32 v5, $0x15  }
.Ltmp13:
0xdc: {  	(pc) =	sbr.rel @p0 .LBB2_28-.Ltmp13, $2  }
0xdd: {  	_ =	sdelay $0x2  }
0xde: {  	s3 =	sshra.s32 s0, $0x2;
	s0 =	sadd.s32 $0x40, s0;
	[tilespmem:v5+s31+$0x0] =	vst.idx.add.s32.msk $0xffff, v4  }
0xdf: {  	v5 =	vld [tilespmem:s3+$0x0];
	_ =	sdelay $0x4  }
0xe0: {  	v5 =	vshrl.u32 v5, $0x15;
	_ =	sdelay $0x4  }
0xe1: {  	s0 =	simm.s32 $0x0;
	[tilespmem:v5+s31+$0x0] =	vst.idx.add.s32.msk $0xffff, v4  }
0xe2: {  	[tilespmem:s0], [sflag:$0x3] =	stream.linear.gather [spmem:s16], $0x2000, $0x38;
	[tilespmem:$0x1B808] =	vst v63  }
0xe3: {  	_ =	swait.ge [sflag:s22], $0x2000  }
0xe4: {  	[sflag:s22] =	ssyncset.done $0x0  }
0xe5: {  	s3 =	simm.s32 $0x0;
	s0 =	simm.s32 $0x40;
	[sflag:s22] =	ssyncadd.s32 $0xFFFFE000  }
.LBB2_30:
0xe6: {  	p0 =	sne.s32 s0, $0x7FC0;
	v5 =	vld [tilespmem:s3+$0x0];
	_ =	sdelay $0x4  }
0xe7: {  	v5 =	vshrl.u32 v5, $0x15  }
.Ltmp14:
0xe8: {  	(pc) =	sbr.rel @p0 .LBB2_30-.Ltmp14, $2  }
0xe9: {  	_ =	sdelay $0x2  }
0xea: {  	s3 =	sshra.s32 s0, $0x2;
	s0 =	sadd.s32 $0x40, s0;
	[tilespmem:v5+s31+$0x0] =	vst.idx.add.s32.msk $0xffff, v4  }
0xeb: {  	v5 =	vld [tilespmem:s3+$0x0];
	_ =	sdelay $0x4  }
0xec: {  	v5 =	vshrl.u32 v5, $0x15;
	_ =	sdelay $0x4  }
0xed: {  	s0 =	simm.s32 $0x0;
	[tilespmem:v5+s31+$0x0] =	vst.idx.add.s32.msk $0xffff, v4  }
0xee: {  	[tilespmem:s0], [sflag:$0x3] =	stream.linear.gather [spmem:s17], $0x2000, $0x38;
	[tilespmem:$0x1B808] =	vst v63  }
0xef: {  	_ =	swait.ge [sflag:s22], $0x2000  }
0xf0: {  	[sflag:s22] =	ssyncset.done $0x0  }
0xf1: {  	s3 =	simm.s32 $0x0;
	s0 =	simm.s32 $0x40;
	[sflag:s22] =	ssyncadd.s32 $0xFFFFE000  }
.LBB2_32:
0xf2: {  	p0 =	sne.s32 s0, $0x7FC0;
	v5 =	vld [tilespmem:s3+$0x0];
	_ =	sdelay $0x4  }
0xf3: {  	v5 =	vshrl.u32 v5, $0x15  }
.Ltmp15:
0xf4: {  	(pc) =	sbr.rel @p0 .LBB2_32-.Ltmp15, $2  }
0xf5: {  	_ =	sdelay $0x2  }
0xf6: {  	s3 =	sshra.s32 s0, $0x2;
	s0 =	sadd.s32 $0x40, s0;
	[tilespmem:v5+s31+$0x0] =	vst.idx.add.s32.msk $0xffff, v4  }
0xf7: {  	v5 =	vld [tilespmem:s3+$0x0];
	_ =	sdelay $0x4  }
0xf8: {  	v5 =	vshrl.u32 v5, $0x15;
	_ =	sdelay $0x4  }
0xf9: {  	s0 =	simm.s32 $0x0;
	[tilespmem:v5+s31+$0x0] =	vst.idx.add.s32.msk $0xffff, v4  }
0xfa: {  	[tilespmem:s0], [sflag:$0x3] =	stream.linear.gather [spmem:s18], $0x2000, $0x38;
	[tilespmem:$0x1B808] =	vst v63  }
0xfb: {  	_ =	swait.ge [sflag:s22], $0x2000  }
0xfc: {  	[sflag:s22] =	ssyncset.done $0x0  }
0xfd: {  	s3 =	simm.s32 $0x0;
	s0 =	simm.s32 $0x40;
	[sflag:s22] =	ssyncadd.s32 $0xFFFFE000  }
.LBB2_34:
0xfe: {  	p0 =	sne.s32 s0, $0x7FC0;
	v5 =	vld [tilespmem:s3+$0x0];
	_ =	sdelay $0x4  }
0xff: {  	v5 =	vshrl.u32 v5, $0x15  }
.Ltmp16:
0x100: {  	(pc) =	sbr.rel @p0 .LBB2_34-.Ltmp16, $2  }
0x101: {  	_ =	sdelay $0x2  }
0x102: {  	s3 =	sshra.s32 s0, $0x2;
	s0 =	sadd.s32 $0x40, s0;
	[tilespmem:v5+s31+$0x0] =	vst.idx.add.s32.msk $0xffff, v4  }
0x103: {  	v5 =	vld [tilespmem:s3+$0x0];
	_ =	sdelay $0x4  }
0x104: {  	v5 =	vshrl.u32 v5, $0x15;
	_ =	sdelay $0x4  }
0x105: {  	s0 =	rddreg [dreg:$0x7];
	[tilespmem:v5+s31+$0x0] =	vst.idx.add.s32.msk $0xffff, v4  }
0x106: {  	[hbm4b:s0+s19] =	stream.strided.scatter [tilespmem:s31], [sflag:$0x3], $0x800, s20, s19, $0x38;
	[tilespmem:$0x1B808] =	vst v63  }
0x107: {  	_ =	swait.ge [sflag:s22], $0x800  }
0x108: {  	s5 =	sadd.s32 $0x1, s5;
	s11 =	rddreg [dreg:$0x8]  }
0x109: {  	p0 =	sne.s32 s5, s11  }
.Ltmp17:
0x10a: {  	_ = 	snop;
	(pc) =	sbr.rel @p0 .LBB2_1-.Ltmp17, $3  }
0x10b: {  	_ =	sdelay $0x1  }
0x10c: {  	[sflag:s22] =	ssyncset.done $0x0  }
0x10d: {  	[sflag:s22] =	ssyncadd.s32 $0xFFFFF800  }
0x10e: {  	_ =	sfence.sel $0x180000  }
0x10f: {  	[bflag:$0x0] =	sbarrier.arrive $0xFFFF  }
0x110: {  	_ =	strace $0x9000004D  }
0x111: {  	s0 =	stileid.u32;
	[bflag:$0x2] =	sbarrier.arrive $0xFFFF  }
0x112: {  	p0 =	sne.s32 s0, $0x0;
	s0 =	rddreg [dreg:$0x5]  }
0x113: {  	s0 =	sadd.s32 @!p0 $0x100000, s0  }
0x114: {  	[sflag:s0] =	ssyncadd.tile.s32 @!p0 $0x1;
	_ =	shalt  }
.Lfunc_end2:
_tile_overlayer_lowered:
.L_overlay_start_2:
0x115: {  	(tag) =	ssettag $0x2  }
0x116: {  	s0 =	rddreg [dreg:$0x0];
	s2 =	stileid.u32  }
0x117: {  	s1 =	rddreg [dreg:$0x1];
	p0 =	sne.s32 s2, $0x0  }
0x118: {  	s3 =	rddreg [dreg:$0x2];
	[bflag:$0x3] =	sbarrier.arrive $0xFFFF;
	s2 =	simm.s32 @!p0 $0x1C03  }
0x119: {  	[timem:s3], [sflag:s2] =	dma.local @!p0 [hbm:s0], s1  }
0x11a: {  	s0 =	simm.s32 @!p0 $0x3  }
0x11b: {  	_ =	swait.ge @!p0 [sflag:s0], s1  }
0x11c: {  	s1 =	ssub.s32 @!p0 $0x0, s1;
	[sflag:s0] =	ssyncset.done @!p0 $0x0  }
0x11d: {  	[sflag:s0] =	ssyncadd.s32 @!p0 s1  }
0x11e: {  	[bflag:$0x3] =	sbarrier.arrive $0xFFFF  }
0x11f: {  	_ =	shalt  }

// kernel: kernel.15.cloned.1.call-start
scs
__scs_entry_jumppad:
0x0: {  	(pc) =	sbr.rel $0x88, $3  }
0x1: {  	(tag) =	ssettag $0x0;
	lr =	simm.s32 $0x1  }
0x2: {  	[smem:$0x3F9F] =	sst lr;
	_ =	strace $0xD0000000  }
0x3: {  	_ = 	snop  }
0x4: {  	_ = 	snop  }
0x5: {  	_ = 	snop  }
0x6: {  	_ = 	snop  }
0x7: {  	_ = 	snop  }
__scs_overlays_trampoline_lowered:
0x8: {  	[smem:$0x3FAE] =	sst s0  }
0x9: {  	[smem:$0x3FAF] =	sst s1  }
0xa: {  	[smem:$0x3FB0] =	sst s2  }
0xb: {  	[smem:$0x3FB1] =	sst s3  }
0xc: {  	[smem:$0x3FB2] =	sst s4  }
0xd: {  	[smem:$0x3FB3] =	sst s5  }
0xe: {  	[smem:$0x3FB4] =	sst s6  }
0xf: {  	[smem:$0x3FB5] =	sst s7  }
0x10: {  	[smem:$0x3FB6] =	sst s8  }
0x11: {  	[smem:$0x3FB7] =	sst s9;
	s0 =	simm.s32 @!p0 $0x0  }
0x12: {  	s1 =	sld [smem:$0x3F9D];
	s0 =	simm.s32 @p0 $0x1  }
0x13: {  	[smem:$0x3FB8] =	sst s0;
	s0 =	simm.s32 @!p1 $0x0  }
0x14: {  	s2 =	sld [smem:$0x3F9C];
	s0 =	simm.s32 @p1 $0x1  }
0x15: {  	[smem:$0x3FB9] =	sst s0;
	s0 =	simm.s32 @!p2 $0x0  }
0x16: {  	s3 =	sld [smem:$0x3FDB];
	s0 =	simm.s32 @p2 $0x1  }
0x17: {  	s4 =	simm.s32 $0x1BF5;
	[smem:$0x3FBB] =	sst s0  }
0x18: {  	s0 =	sld [smem:$0x3F9E];
	_ =	swait.ge [sflag:s4], $0x0  }
0x19: {  	s7 =	sld [smem:$0x3F9F]  }
0x1a: {  	s8 =	sadd.s32 $0xFFFFE003, lr  }
0x1b: {  	s9 =	sadd.s32 $0xFFFFFEF7, lr;
	s5 =	simm.s32 $0xFFFFFFFF;
	p2 =	slt.u32 s8, $0xFFFFF086  }
0x1c: {  	p1 =	slt.u32 s9, $0xF7A;
	s5 =	simm.s32 @!p2 $0x0  }
0x1d: {  	s5 =	simm.s32 @p1 $0x1;
	p0 =	seq.s32 s7, s2  }
0x1e: {  	s7 =	smul.u32 @!p0 $0xF7A, s2;
	p2 =	seq.s32 @!p0 s5, $0x0  }
0x1f: {  	s9 =	smul.u32 $0xF7A, s1;
	s8 =	simm.s32 @!p0 $0x1BF5;
	p2 =	por !p2, p0  }
0x20: {  	[sflag:s8] =	ssyncset.s32 @!p0 $0xFFFFF086;
	s6 =	sadd.s32 @!p0 s3, s7;
	s7 =	simm.s32 @!p0 $0x108  }
0x21: {  	s3 =	sadd.s32 s3, s9;
	s6 =	sadd.s32 @!p0 $0x88, s6;
	s7 =	simm.s32 @p2 $0x1082  }
0x22: {  	[simem:s7], [sflag:s8] =	dma.local @!p0 [hbm:s6], $0xF7A  }
0x23: {  	s9 =	sor.u32 $0xD0000000, s2;
	s6 =	simm.s32 $0x108;
	_ =	swait.ge @!p0 [sflag:s8], $0x0  }
0x24: {  	s3 =	sadd.s32 $0x88, s3;
	s6 =	simm.s32 @!p1 $0x1082;
	[sflag:s4] =	ssyncset.s32 $0xFFFFF086  }
0x25: {  	[simem:s6], [sflag:s4] =	dma.local [hbm:s3], $0xF7A  }
0x26: {  	[smem:$0x3F9F] =	sst s1;
	(tag) =	ssettag s2;
	_ =	strace s9  }
0x27: {  	s1 =	sld [smem:$0x3FAF]  }
0x28: {  	s2 =	sld [smem:$0x3FB0]  }
0x29: {  	s4 =	sld [smem:$0x3FB2]  }
0x2a: {  	p0 =	seq.s32 s5, $0x0;
	s5 =	sld [smem:$0x3FB3]  }
0x2b: {  	s6 =	sld [smem:$0x3FB4]  }
0x2c: {  	s7 =	sld [smem:$0x3FB5]  }
0x2d: {  	s3 =	simm.s32 $0x108;
	s8 =	sld [smem:$0x3FB6]  }
0x2e: {  	s3 =	simm.s32 @!p0 $0x1082;
	s9 =	sld [smem:$0x3FB7]  }
0x2f: {  	lr =	sadd.s32 s0, s3;
	s0 =	sld [smem:$0x3FAE]  }
0x30: {  	s3 =	sld [smem:$0x3FB1]  }
0x31: {  	[smem:$0x3FBA] =	sst s10  }
0x32: {  	s10 =	sld [smem:$0x3FB8];
	_ =	sdelay $0x3  }
0x33: {  	p0 =	seq.s32 s10, $0x1;
	s10 =	sld [smem:$0x3FBA];
	_ =	sdelay $0x3  }
0x34: {  	[smem:$0x3FBA] =	sst s10  }
0x35: {  	s10 =	sld [smem:$0x3FB9];
	_ =	sdelay $0x3  }
0x36: {  	p1 =	seq.s32 s10, $0x1;
	s10 =	sld [smem:$0x3FBA];
	_ =	sdelay $0x3  }
0x37: {  	[smem:$0x3FBA] =	sst s10  }
0x38: {  	s10 =	sld [smem:$0x3FBB]  }
0x39: {  	_ = 	snop;
	(pc) =	sbr.ind lr, $3  }
0x3a: {  	_ = 	snop  }
0x3b: {  	_ = 	snop  }
0x3c: {  	p2 =	seq.s32 s10, $0x1;
	s10 =	sld [smem:$0x3FBA]  }
0x3d: {  	_ =	shalt  }
0x3e: {  	_ =	shalt  }
0x3f: {  	_ =	shalt  }
0x40: {  	_ =	shalt  }
0x41: {  	_ =	shalt  }
0x42: {  	_ =	shalt  }
0x43: {  	_ =	shalt  }
0x44: {  	_ =	shalt  }
0x45: {  	_ =	shalt  }
0x46: {  	_ =	shalt  }
0x47: {  	_ =	shalt  }
0x48: {  	_ =	shalt  }
0x49: {  	_ =	shalt  }
0x4a: {  	_ =	shalt  }
0x4b: {  	_ =	shalt  }
0x4c: {  	_ =	shalt  }
0x4d: {  	_ =	shalt  }
0x4e: {  	_ =	shalt  }
0x4f: {  	_ =	shalt  }
0x50: {  	_ =	shalt  }
0x51: {  	_ =	shalt  }
0x52: {  	_ =	shalt  }
0x53: {  	_ =	shalt  }
0x54: {  	_ =	shalt  }
0x55: {  	_ =	shalt  }
0x56: {  	_ =	shalt  }
0x57: {  	_ =	shalt  }
0x58: {  	_ =	shalt  }
0x59: {  	_ =	shalt  }
0x5a: {  	_ =	shalt  }
0x5b: {  	_ =	shalt  }
0x5c: {  	_ =	shalt  }
0x5d: {  	_ =	shalt  }
0x5e: {  	_ =	shalt  }
0x5f: {  	_ =	shalt  }
0x60: {  	_ =	shalt  }
0x61: {  	_ =	shalt  }
0x62: {  	_ =	shalt  }
0x63: {  	_ =	shalt  }
0x64: {  	_ =	shalt  }
0x65: {  	_ =	shalt  }
0x66: {  	_ =	shalt  }
0x67: {  	_ =	shalt  }
0x68: {  	_ =	shalt  }
0x69: {  	_ =	shalt  }
0x6a: {  	_ =	shalt  }
0x6b: {  	_ =	shalt  }
0x6c: {  	_ =	shalt  }
0x6d: {  	_ =	shalt  }
0x6e: {  	_ =	shalt  }
0x6f: {  	_ =	shalt  }
0x70: {  	_ =	shalt  }
0x71: {  	_ =	shalt  }
0x72: {  	_ =	shalt  }
0x73: {  	_ =	shalt  }
0x74: {  	_ =	shalt  }
0x75: {  	_ =	shalt  }
0x76: {  	_ =	shalt  }
0x77: {  	_ =	shalt  }
0x78: {  	_ =	shalt  }
0x79: {  	_ =	shalt  }
0x7a: {  	_ =	shalt  }
0x7b: {  	_ =	shalt  }
0x7c: {  	_ =	shalt  }
0x7d: {  	_ =	shalt  }
0x7e: {  	_ =	shalt  }
0x7f: {  	_ =	shalt  }
0x80: {  	_ =	shalt  }
0x81: {  	_ =	shalt  }
0x82: {  	_ =	shalt  }
0x83: {  	_ =	shalt  }
0x84: {  	_ =	shalt  }
0x85: {  	_ =	shalt  }
0x86: {  	_ =	shalt  }
0x87: {  	_ =	shalt  }
.Lfunc_end0:
.L_simem_size_0:
called_computation.3_lowered:
.L_overlay_start_0:
0x88: {  	s2 =	sld [smem:$0x3FD9]  }
0x89: {  	s3 =	sld [smem:$0x3FFE];
	_ =	sdelay $0x1  }
0x8a: {  	s1 =	srdreg.scid  }
0x8b: {  	s0 =	sand.u32 $0x1, s1  }
0x8c: {  	s14 =	sshll.u32 s0, $0xA;
	s2 =	sadd.s32 s3, s2  }
0x8d: {  	s2 =	sadd.s32 s2, s14  }
0x8e: {  	[smem:$0x3FC6] =	sst s2  }
0x8f: {  	_ = 	snop  }
0x90: {  	s2 =	sld [smem:$0x3FD0];
	_ =	sdelay $0x2  }
0x91: {  	s4 =	simm.s32 $0xA;
	s5 =	simm.s32 $0x10;
	s15 =	sld [smem:$0x3FC8]  }
0x92: {  	[smem:s5], [sflag:s4] =	dma.local [hbm:s2], $0x1  }
0x93: {  	_ =	swait.eq [sflag:s4], $0x1  }
0x94: {  	s16 =	sld [smem:$0x10];
	[sflag:s4] =	ssyncset.done $0x0  }
0x95: {  	s17 =	sld [smem:$0x11];
	[sflag:s4] =	ssyncadd.s32 $0xFFFFFFFF  }
0x96: {  	s18 =	sld [smem:$0x12];
	(tm) =	ssettm $0x1  }
0x97: {  	s6 =	sld [smem:$0x3FFB];
	_ =	sdelay $0x3  }
0x98: {  	_ =	strace s6  }
0x99: {  	s6 =	sld [smem:$0x3FFC];
	_ =	sdelay $0x3  }
0x9a: {  	_ =	strace s6  }
0x9b: {  	s6 =	sld [smem:$0x3FFD];
	_ =	sdelay $0x3  }
0x9c: {  	_ =	strace s6  }
0x9d: {  	_ =	strace $0x8FFFFFFF  }
0x9e: {  	s19 =	sld [smem:$0x3FDB];
	_ =	sdelay $0x1  }
0x9f: {  	s7 =	simm.s32 $_scs_section_size  }
0xa0: {  	s8 =	simm.s32 $_size__tile_overlayer_lowered;
	s9 =	simm.s32 $_tile_overlayer_lowered  }
0xa1: {  	s22 =	simm.s32 $0x1BFF;
	s21 =	sshll.u32 s9, $0x1;
	s6 =	sadd.s32 s7, s19  }
0xa2: {  	s10 =	simm.s32 $0x0;
	s20 =	sshll.u32 s8, $0x1;
	s8 =	sadd.s32 s21, s6  }
0xa3: {  	[timem:s10], [sflag:s22] =	dma.local [hbm:s8], s20  }
0xa4: {  	_ =	swait.ge [sflag:s22], s20  }
0xa5: {  	s7 =	ssub.s32 $0x0, s20;
	[sflag:s22] =	ssyncset.done $0x0  }
0xa6: {  	[sflag:s22] =	ssyncadd.s32 s7;
	_ =	sdelay $0x1  }
0xa7: {  	s23 =	simm.s32 $0x1B8B  }
0xa8: {  	_ =	swait.ge [sflag:s23], $0x1  }
0xa9: {  	[sflag:s23] =	ssyncset.done $0x0  }
0xaa: {  	s25 =	simm.s32 $0x1B8E;
	s24 =	sld [smem:$0x3FFE];
	[sflag:s23] =	ssyncadd.s32 $0xFFFFFFFF  }
0xab: {  	s26 =	simm.s32 $execute0_lowered;
	[smem:$0x3FD2] =	sst s25  }
0xac: {  	s8 =	sshll.u32 s26, $0x1;
	_ =	strace $0x8000004F;
	[dreg:$0x1] =	wrdreg $0xFFFFFFFF  }
0xad: {  	s28 =	simm.s32 $_size_execute0_lowered;
	s6 =	sadd.s32 s6, s8;
	[dreg:$0x0] =	wrdreg $0x0  }
0xae: {  	s8 =	sshll.u32 s28, $0x1;
	[dreg:$0x2] =	wrdreg s6  }
0xaf: {  	[dreg:$0x3] =	wrdreg s8  }
0xb0: {  	[dreg:$0x4] =	wrdreg $0xC0  }
0xb1: {  	_ =	task [dreg:s10], $0x5FFFF  }
0xb2: {  	[dreg:$0x1] =	wrdreg $0xFFFFFFFF  }
0xb3: {  	[dreg:$0x0] =	wrdreg $0x60  }
0xb4: {  	[dreg:$0x2] =	wrdreg s24  }
0xb5: {  	[dreg:$0x3] =	wrdreg s15  }
0xb6: {  	[dreg:$0x4] =	wrdreg s16  }
0xb7: {  	[dreg:$0x5] =	wrdreg s17  }
0xb8: {  	[dreg:$0x6] =	wrdreg s18  }
0xb9: {  	[dreg:$0x7] =	wrdreg $0x60000  }
0xba: {  	[dreg:$0x8] =	wrdreg $0x9  }
0xbb: {  	_ =	task.clear_ibuf [dreg:s10], $0x9FFFF;
	_ =	strace $0x9000004F  }
0xbc: {  	s29 =	simm.s32 $0x9;
	_ =	strace $0x80000051  }
0xbd: {  	_ =	swait.ge [sflag:s29], $0x1  }
0xbe: {  	[sflag:s29] =	ssyncadd.s32 $0xFFFFFFFF  }
0xbf: {  	_ =	strace $0x90000051  }
0xc0: {  	_ =	sfence  }
0xc1: {  	s30 =	sld [smem:$0x0];
	_ =	sdelay $0x2  }
0xc2: {  	s31 =	sshll.u32 s1, $0xD;
	s1 =	sshrl.u32 s1, $0x2  }
0xc3: {  	s3 =	sand.u32 $0x4000, s31;
	s1 =	sadd.s32 s1, s30  }
0xc4: {  	s0 =	sor.u32 s3, s0;
	s1 =	sshll.u32 s1, $0x11  }
0xc5: {  	s0 =	sor.u32 s1, s0  }
0xc6: {  	s0 =	sadd.s32 $0x8F2B, s0  }
0xc7: {  	[sflag:s0] =	ssyncadd.remote.s32 $0x1  }
0xc8: {  	_ =	sfence.sel $0xFFFF  }
0xc9: {  	[dreg:$0x0] =	wrdreg $0xFFFFFFFF;
	(pc) =	sbr.abs _section_cstart, $3  }
0xca: {  	[dreg:$0x1] =	wrdreg $0xFFFFFFFF  }
0xcb: {  	_ =	task.clear_ibuf [dreg:s10], $0x2FFFF;
	_ =	strace $0x9FFFFFFF  }
0xcc: {  	(tm) =	ssettm $0x7FFFFFFF  }
0xcd: {  	_ =	shalt  }
tec
execute0_lowered:
.L_overlay_start_1:
0x0: {  	(tag) =	ssettag $0x1  }
0x1: {  	s0 =	rddreg [dreg:$0x0]  }
0x2: {  	s1 =	rddreg [dreg:$0x1]  }
0x3: {  	s2 =	rddreg [dreg:$0x2]  }
0x4: {  	s3 =	rddreg [dreg:$0x3]  }
0x5: {  	s4 =	rddreg [dreg:$0x4]  }
0x6: {  	s6 =	rddreg [dreg:$0x5];
	s7 =	simm.s32 $0x0;
	s15 =	stileid.u32  }
0x7: {  	s5 =	srdreg.scid;
	s17 =	simm.s32 $0x80;
	s18 =	simm.s32 $0x400  }
0x8: {  	s19 =	simm.s32 $0x16008;
	s20 =	simm.s32 $0x3;
	s21 =	simm.s32 $0x1  }
0x9: {  	s22 =	simm.s32 $0x17008;
	s23 =	simm.s32 $0x4000;
	s24 =	simm.s32 $0x2000  }
0xa: {  	s25 =	simm.s32 $0x19808;
	s26 =	simm.s32 $0x2;
	s28 =	simm.s32 $0x1B808  }
0xb: {  	[smem:$0x7FF] =	sst s7;
	s8 =	sshll.u32 s15, $0xE;
	s5 =	sand.u32 $0x1, s5  }
0xc: {  	s9 =	sadd.s32 $0x81E00, s0;
	s10 =	sadd.s32 $0x41E00, s0;
	s11 =	sadd.s32 $0x1E00, s0  }
0xd: {  	_ =	strace $0x80000050;
	s13 =	sadd.s32 s8, s0;
	s12 =	ssub.s32 $0x2, s5  }
0xe: {  	s8 =	sadd.s32 $0x101E00, s0;
	s5 =	sshll.u32 s5, $0x14;
	s14 =	sshrl.u32 s12, $0x1  }
0xf: {  	v1 =	vimm.s32 $0x0;
	v0 =	vmov s5;
	s31 =	ssub.s32 s12, s14;
	s12 =	sshll.u32 s15, $0x1;
	s15 =	sshll.u32 s15, $0x10  }
0x10: {  	v4 =	vlaneseq.u32;
	v2 =	vimm.s32 $0xF;
	s13 =	sadd.s32 $0xC1E00, s13;
	v0 =	vxor.u32 $0xFFFFFFFF, v0;
	s14 =	sor.u32 s15, s5;
	s0 =	smax.u32 s31, $0x1  }
0x11: {  	v3 =	vor.u32 $0x100000, v4;
	v4 =	vmul.u32 $0x2, v4;
	s15 =	sadd.s32 s15, s6;
	v0 =	vbroadcast v0, $0x0;
	s5 =	simm.s32 $0x0;
	[dreg:$0x7] =	wrdreg s0  }
.LBB2_1:
0x12: {  	[dreg:$0x8] =	wrdreg s5;
	s0 =	simm.s32 $0x40;
	s5 =	simm.s32 $0x0  }
.LBB2_2:
0x13: {  	p0 =	sne.s32 s0, $0x1FC0;
	[tilespmem:s5+$0x16808] =	vst v1;
	s5 =	smov.u32 s0;
	s0 =	sadd.s32 $0x40, s0  }
.Ltmp0:
0x14: {  	(pc) =	sbr.rel @p0 .LBB2_2-.Ltmp0, $2  }
0x15: {  	_ =	sdelay $0x2  }
0x16: {  	s5 =	sshra.s32 s5, $0x2  }
0x17: {  	[tilespmem:s5+$0x16808] =	vst v1;
	s30 =	simm.s32 $0x0;
	s0 =	simm.s32 $0x40;
	s5 =	simm.s32 $0x0  }
.LBB2_4:
0x18: {  	p0 =	sne.s32 s0, $0x1FC0;
	[tilespmem:s5+$0x17008] =	vst v1;
	s5 =	smov.u32 s0;
	s0 =	sadd.s32 $0x40, s0  }
.Ltmp1:
0x19: {  	(pc) =	sbr.rel @p0 .LBB2_4-.Ltmp1, $2  }
0x1a: {  	_ =	sdelay $0x2  }
0x1b: {  	s5 =	sshra.s32 s5, $0x2  }
0x1c: {  	[tilespmem:s5+$0x17008] =	vst v1  }
.LBB2_6:
0x1d: {  	s0 =	sshll.u32 s30, $0x4  }
0x1e: {  	s5 =	sshll.u32 s30, $0x8;
	s0 =	sand.u32 $0x70, s0  }
0x1f: {  	s5 =	sand.u32 $0x1800, s5;
	s0 =	sadd.s32 s8, s0  }
0x20: {  	s0 =	sadd.s32 s5, s0  }
0x21: {  	[tilespmem:s19], [sflag:$0x3] =	stream.strided.gather [hbm4b:s0+s17], $0x800, s18, s17, $0x38;
	[tilespmem:$0x1F808] =	vst v63  }
0x22: {  	_ =	swait.ge [sflag:s20], $0x800  }
0x23: {  	[sflag:s20] =	ssyncset.done $0x0  }
0x24: {  	s0 =	simm.s32 $0x0;
	[sflag:s20] =	ssyncadd.s32 $0xFFFFF800  }
0x25: {  	v8 =	vld [tilespmem:s0+$0x16008]  }
0x26: {  	v9 =	vld [tilespmem:s0+$0x16808]  }
0x27: {  	p0 =	slt.u32 s30, s12;
	s5 =	simm.s32 $0x1;
	v6 =	vld [tilespmem:s0+$0x17008]  }
0x28: {  	s5 =	simm.s32 @!p0 $0x0  }
0x29: {  	v5 =	vmov s5  }
0x2a: {  	v7 =	vmul.u32 v5, v8  }
0x2b: {  	s16 =	simm.s32 $0x80;
	s5 =	simm.s32 $0x10;
	v8 =	vadd.s32 v8, v9  }
.LBB2_7:
0x2c: {  	p0 =	sne.s32 s16, $0x1FC0;
	v9 =	vld [tilespmem:s5+$0x16008];
	[tilespmem:s0+$0x16808] =	vst v8;
	v6 =	vadd.s32 v7, v6  }
0x2d: {  	v8 =	vld [tilespmem:s5+$0x16808];
	[tilespmem:s0+$0x17008] =	vst v6;
	s0 =	smov.u32 s5  }
.Ltmp2:
0x2e: {  	v6 =	vld [tilespmem:s0+$0x17008];
	(pc) =	sbr.rel @p0 .LBB2_7-.Ltmp2, $3  }
0x2f: {  	_ =	sdelay $0x1  }
0x30: {  	v7 =	vmul.u32 v5, v9  }
0x31: {  	s5 =	sshra.s32 s16, $0x2;
	s16 =	sadd.s32 $0x40, s16;
	v8 =	vadd.s32 v9, v8  }
0x32: {  	v9 =	vld [tilespmem:s5+$0x16008];
	[tilespmem:s0+$0x16808] =	vst v8;
	v6 =	vadd.s32 v7, v6  }
0x33: {  	v7 =	vld [tilespmem:s5+$0x16808];
	[tilespmem:s0+$0x17008] =	vst v6  }
0x34: {  	s30 =	sadd.s32 $0x1, s30;
	v6 =	vld [tilespmem:s5+$0x17008]  }
0x35: {  	p0 =	sne.s32 s30, $0x20  }
.Ltmp3:
0x36: {  	_ = 	snop;
	(pc) =	sbr.rel @p0 .LBB2_6-.Ltmp3, $4  }
0x37: {  	v5 =	vmul.u32 v5, v9  }
0x38: {  	v7 =	vadd.s32 v9, v7  }
0x39: {  	[tilespmem:s5+$0x16808] =	vst v7;
	v5 =	vadd.s32 v5, v6  }
0x3a: {  	[tilespmem:s5+$0x17008] =	vst v5  }
0x3b: {  	s5 =	simm.s32 $0x0  }
0x3c: {  	v7 =	vld [tilespmem:s5+$0x16808];
	_ =	sdelay $0x4  }
0x3d: {  	(xrf0) =	vadd.scan.msk.s32 $0xffff, v7  }
0x3e: {  	v8 =	vld [tilespmem:s5+$0x17008]  }
0x3f: {  	s0 =	simm.s32 $0x10;
	v5 =	vimm.s32 $0x0  }
0x40: {  	v6 =	vld [tilespmem:s0+$0x16808];
	v7 =	vsub.s32 v5, v7;
	_ =	sdelay $0x2  }
0x41: {  	v8 =	vadd.s32 v8, v7;
	v7, _, _ =	vpop (xrf0)  }
0x42: {  	v8 =	vadd.s32 v7, v8  }
0x43: {  	(xrf0) =	vadd.scan.msk.s32 $0xffff, v6;
	[tilespmem:s5+$0x17008] =	vst v8  }
0x44: {  	s30 =	simm.s32 $0x0;
	s16 =	simm.s32 $0xC0;
	s5 =	simm.s32 $0x80;
	v8 =	vld [tilespmem:s0+$0x17008]  }
.LBB2_10:
0x45: {  	p0 =	sne.s32 s16, $0x1FC0;
	s29 =	sshra.s32 s5, $0x2;
	v7 =	vperm.xlane v7, v2;
	s5 =	smov.u32 s16  }
0x46: {  	v9 =	vld [tilespmem:s29+$0x16808]  }
0x47: {  	v5 =	vadd.s32 v5, v7  }
.Ltmp4:
0x48: {  	v6 =	vsub.s32 v5, v6;
	(pc) =	sbr.rel @p0 .LBB2_10-.Ltmp4, $4  }
0x49: {  	v10 =	vadd.s32 v8, v6;
	v7, _, _ =	vpop (xrf0)  }
0x4a: {  	v8 =	vadd.s32 v7, v10  }
0x4b: {  	(xrf0) =	vadd.scan.msk.s32 $0xffff, v9;
	[tilespmem:s0+$0x17008] =	vst v8;
	v6 =	vmov v9;
	s0 =	smov.u32 s29  }
0x4c: {  	s16 =	sadd.s32 $0x40, s16;
	v8 =	vld [tilespmem:s0+$0x17008]  }
0x4d: {  	s5 =	sshra.s32 s5, $0x2;
	v7 =	vperm.xlane v7, v2  }
0x4e: {  	v9 =	vld [tilespmem:s5+$0x16808]  }
0x4f: {  	v5 =	vadd.s32 v5, v7  }
0x50: {  	v6 =	vsub.s32 v5, v6  }
0x51: {  	v6 =	vadd.s32 v8, v6;
	v7, _, _ =	vpop (xrf0)  }
0x52: {  	v6 =	vadd.s32 v7, v6  }
0x53: {  	(xrf0) =	vadd.scan.msk.s32 $0xffff, v9;
	[tilespmem:s0+$0x17008] =	vst v6  }
0x54: {  	v6 =	vld [tilespmem:s5+$0x17008]  }
0x55: {  	v7 =	vperm.xlane v7, v2;
	_ =	sdelay $0x1  }
0x56: {  	v5 =	vadd.s32 v5, v7  }
0x57: {  	v5 =	vsub.s32 v5, v9  }
0x58: {  	v5 =	vadd.s32 v6, v5;
	v6, _, _ =	vpop (xrf0)  }
0x59: {  	v5 =	vadd.s32 v6, v5  }
0x5a: {  	[tilespmem:s5+$0x17008] =	vst v5  }
.LBB2_12:
0x5b: {  	s0 =	sshll.u32 s30, $0xA  }
0x5c: {  	s5 =	simm.s32 $0x0;
	s0 =	sadd.s32 s0, s13  }
0x5d: {  	[tilespmem:s5], [sflag:$0x3] =	stream.linear.gather [hbm4b:s0+s5], $0x2000, $0x38;
	[tilespmem:$0x1F808] =	vst v63  }
0x5e: {  	_ =	swait.ge [sflag:s20], $0x2000  }
0x5f: {  	[sflag:s20] =	ssyncset.done $0x0  }
0x60: {  	s0 =	simm.s32 $0x0;
	[sflag:s20] =	ssyncadd.s32 $0xFFFFE000  }
0x61: {  	v5 =	vld [tilespmem:s0+$0x0];
	_ =	sdelay $0x4  }
0x62: {  	v6 =	vshrl.u32 v5, $0x15  }
0x63: {  	(xrf1) =	vunique.msk.u32 $0xffff, v6;
	_ =	sdelay $0xb  }
0x64: {  	v7 =	vld.idx.msk [tilespmem:v6+s22+$0x0], $0xffff;
	_ =	sdelay $0x1  }
0x65: {  	_, v8, vm0 =	vpop (xrf1);
	_ =	sdelay $0x2  }
0x66: {  	v7 =	vadd.s32 v7, v8  }
0x67: {  	v8 =	vadd.s32 v0, v7  }
0x68: {  	vm1 =	vlt.u32 v8, $0x100000  }
0x69: {  	s16 =	simm.s32 $0x10;
	s5 =	simm.s32 $0x80;
	v5 =	vand.u32 $0x1FFFFF, v5;
	[tilespmem:v6+s22+$0x0] =	vst.idx.msk vm0, v7;
	v6 =	vsel vm1, v8, v3  }
.LBB2_13:
0x6a: {  	p0 =	sne.s32 s5, $0x7FC0;
	v7 =	vld [tilespmem:s16+$0x0];
	[tilespmem:s0+$0x4000] =	vst v6;
	s29 =	smov.u32 s5;
	s5 =	sadd.s32 $0x40, s5  }
0x6b: {  	[tilespmem:s0+$0x2000] =	vst v5;
	s0 =	smov.u32 s16;
	_ =	sdelay $0x3  }
0x6c: {  	v5 =	vshrl.u32 v7, $0x15  }
0x6d: {  	(xrf1) =	vunique.msk.u32 $0xffff, v5;
	_ =	sdelay $0xa  }
0x6e: {  	v6 =	vld.idx.msk [tilespmem:v5+s22+$0x0], $0xffff;
	_ =	sdelay $0x2  }
0x6f: {  	_, v8, vm0 =	vpop (xrf1);
	_ =	sdelay $0x1  }
.Ltmp5:
0x70: {  	(pc) =	sbr.rel @p0 .LBB2_13-.Ltmp5, $4  }
0x71: {  	v6 =	vadd.s32 v6, v8  }
0x72: {  	v8 =	vadd.s32 v0, v6  }
0x73: {  	vm1 =	vlt.u32 v8, $0x100000  }
0x74: {  	s16 =	sshra.s32 s29, $0x2;
	[tilespmem:v5+s22+$0x0] =	vst.idx.msk vm0, v6;
	v6 =	vsel vm1, v8, v3;
	v5 =	vand.u32 $0x1FFFFF, v7  }
0x75: {  	v7 =	vld [tilespmem:s16+$0x0];
	_ =	sdelay $0x4  }
0x76: {  	v8 =	vshrl.u32 v7, $0x15  }
0x77: {  	(xrf1) =	vunique.msk.u32 $0xffff, v8;
	_ =	sdelay $0x9  }
0x78: {  	[tilespmem:s0+$0x4000] =	vst v6  }
0x79: {  	[tilespmem:s0+$0x2000] =	vst v5  }
0x7a: {  	v5 =	vld.idx.msk [tilespmem:v8+s22+$0x0], $0xffff;
	_ =	sdelay $0x1  }
0x7b: {  	_, v6, vm0 =	vpop (xrf1);
	_ =	sdelay $0x2  }
0x7c: {  	v5 =	vadd.s32 v5, v6  }
0x7d: {  	v6 =	vadd.s32 v0, v5  }
0x7e: {  	vm1 =	vlt.u32 v6, $0x100000  }
0x7f: {  	s30 =	sadd.s32 $0x1, s30;
	[tilespmem:v8+s22+$0x0] =	vst.idx.msk vm0, v5;
	v5 =	vsel vm1, v6, v3  }
0x80: {  	p0 =	sne.s32 s30, $0x10;
	v6 =	vand.u32 $0x1FFFFF, v7;
	[tilespmem:s16+$0x4000] =	vst v5  }
.Ltmp6:
0x81: {  	[tilespmem:s16+$0x2000] =	vst v6;
	(pc) =	sbr.rel @p0 .LBB2_12-.Ltmp6, $4  }
0x82: {  	[spmem:s6] =	stream.indirect.scatter [tilespmem:s24], [sflag:$0x1], $0x1, s23, s24, $0xb8;
	[tilespmem:$0x1F808] =	vst v63  }
0x83: {  	_ =	swait.ge [sflag:s21], $0x2000  }
0x84: {  	[sflag:s21] =	ssyncset.done $0x0  }
0x85: {  	[sflag:s21] =	ssyncadd.s32 $0xFFFFE000  }
0x86: {  	[bflag:$0x0] =	sbarrier.arrive $0xFFFF;
	s30 =	simm.s32 $0x0;
	s31 =	simm.s32 $0x0  }
.LBB2_16:
0x87: {  	s0 =	sshll.u32 s31, $0xD  }
0x88: {  	s5 =	sadd.s32 s0, s15  }
0x89: {  	[tilespmem:s30], [sflag:$0x3] =	stream.linear.gather [spmem:s5], $0x2000, $0x38;
	[tilespmem:$0x1F808] =	vst v63  }
0x8a: {  	_ =	swait.ge [sflag:s20], $0x2000  }
0x8b: {  	[sflag:s20] =	ssyncset.done $0x0  }
0x8c: {  	[sflag:s20] =	ssyncadd.s32 $0xFFFFE000  }
0x8d: {  	[tilespmem:s24], [sflag:$0x2] =	stream.indirect.gather [hbm4b:s9+s24], $0x1, s30, s24, $0xb8;
	[tilespmem:$0x1F808] =	vst v63  }
0x8e: {  	s16 =	simm.s32 $0x4000  }
0x8f: {  	[tilespmem:s16], [sflag:$0x2] =	stream.indirect.gather [hbm4b:s10+s24], $0x1, s30, s24, $0xb8;
	[tilespmem:$0x1F808] =	vst v63  }
0x90: {  	s5 =	simm.s32 $0x17808  }
0x91: {  	[tilespmem:s5], [sflag:$0x2] =	stream.indirect.gather [hbm4b:s11+s24], $0x1, s30, s24, $0xb8;
	[tilespmem:$0x1F808] =	vst v63  }
0x92: {  	_ = 	snop  }
0x93: {  	[tilespmem:s25], [sflag:$0x2] =	stream.indirect.gather [hbm4b:s1+s24], $0x1, s30, s24, $0xb8;
	[tilespmem:$0x1F808] =	vst v63  }
0x94: {  	_ =	swait.ge [sflag:s26], $0x2000  }
0x95: {  	[sflag:s26] =	ssyncset.done $0x0  }
0x96: {  	[sflag:s26] =	ssyncadd.s32 $0xFFFFE000  }
0x97: {  	_ =	swait.ge [sflag:s26], $0x2000  }
0x98: {  	[sflag:s26] =	ssyncset.done $0x0  }
0x99: {  	[sflag:s26] =	ssyncadd.s32 $0xFFFFE000  }
0x9a: {  	_ =	swait.ge [sflag:s26], $0x2000  }
0x9b: {  	[sflag:s26] =	ssyncset.done $0x0  }
0x9c: {  	[sflag:s26] =	ssyncadd.s32 $0xFFFFE000  }
0x9d: {  	_ =	swait.ge [sflag:s26], $0x2000  }
0x9e: {  	v5 =	vmov s30;
	[sflag:s26] =	ssyncset.done $0x0  }
0x9f: {  	v5 =	vshll.u32 v5, $0x1;
	[sflag:s26] =	ssyncadd.s32 $0xFFFFE000  }
0xa0: {  	v6 =	vor.u32 v4, v5;
	v5 =	vld [tilespmem:s16+$0x0];
	_ =	sdelay $0x4  }
0xa1: {  	[tilespmem:v6+s28+$0x0] =	vst.idx.msk $0xffff, v5  }
0xa2: {  	v6 =	vor.u32 $0x1, v6;
	v5 =	vld [tilespmem:s5+$0x0];
	_ =	sdelay $0x2  }
0xa3: {  	s29 =	simm.s32 $0x10  }
0xa4: {  	v7 =	vmov s29;
	s29 =	simm.s32 $0x20  }
.LBB2_17:
0xa5: {  	p0 =	sne.s32 s29, $0x1FF0;
	v7 =	vshll.u32 v7, $0x1;
	[tilespmem:v6+s28+$0x0] =	vst.idx.msk $0xffff, v5;
	s16 =	sadd.s32 $0x10, s16  }
0xa6: {  	v6 =	vor.u32 v4, v7;
	v5 =	vld [tilespmem:s16+$0x0];
	_ =	sdelay $0x4  }
0xa7: {  	s5 =	sadd.s32 $0x10, s5;
	[tilespmem:v6+s28+$0x0] =	vst.idx.msk $0xffff, v5  }
.Ltmp7:
0xa8: {  	v6 =	vor.u32 $0x1, v6;
	v5 =	vld [tilespmem:s5+$0x0];
	(pc) =	sbr.rel @p0 .LBB2_17-.Ltmp7, $2  }
0xa9: {  	_ =	sdelay $0x2  }
0xaa: {  	v7 =	vmov s29;
	s29 =	sadd.s32 $0x10, s29  }
0xab: {  	_ =	sdelay $0x3  }
0xac: {  	v7 =	vshll.u32 v7, $0x1;
	[tilespmem:v6+s28+$0x0] =	vst.idx.msk $0xffff, v5;
	s16 =	sadd.s32 $0x10, s16  }
0xad: {  	v5 =	vor.u32 v4, v7;
	v6 =	vld [tilespmem:s16+$0x0];
	_ =	sdelay $0x4  }
0xae: {  	s5 =	sadd.s32 $0x10, s5;
	[tilespmem:v5+s28+$0x0] =	vst.idx.msk $0xffff, v6  }
0xaf: {  	v5 =	vor.u32 $0x1, v5;
	v6 =	vld [tilespmem:s5+$0x0];
	_ =	sdelay $0x2  }
0xb0: {  	s0 =	sor.u32 s0, s14  }
0xb1: {  	s16 =	sshrl.u32 s0, $0x2  }
0xb2: {  	s5 =	sadd.s32 s2, s16;
	[tilespmem:v5+s28+$0x0] =	vst.idx.msk $0xffff, v6  }
0xb3: {  	[hbm4b:s5+s7] =	stream.linear.scatter [tilespmem:s28], [sflag:$0x3], $0x4000, $0x38;
	[tilespmem:$0x1F808] =	vst v63  }
0xb4: {  	_ =	swait.ge [sflag:s20], $0x4000  }
0xb5: {  	s0 =	sshrl.u32 s0, $0x3;
	[sflag:s20] =	ssyncset.done $0x0  }
0xb6: {  	s29 =	sadd.s32 s3, s0;
	[sflag:s20] =	ssyncadd.s32 $0xFFFFC000  }
0xb7: {  	[hbm4b:s29+s7] =	stream.linear.scatter [tilespmem:s24], [sflag:$0x3], $0x2000, $0x38;
	[tilespmem:$0x1F808] =	vst v63  }
0xb8: {  	s31 =	sadd.s32 $0x1, s31;
	_ =	swait.ge [sflag:s20], $0x2000  }
0xb9: {  	p0 =	sne.s32 s31, $0x8;
	[sflag:s20] =	ssyncset.done $0x0  }
.Ltmp8:
0xba: {  	s0 =	sadd.s32 s4, s0;
	[sflag:s20] =	ssyncadd.s32 $0xFFFFE000;
	(pc) =	sbr.rel @p0 .LBB2_16-.Ltmp8, $4  }
0xbb: {  	[hbm4b:s0+s7] =	stream.linear.scatter [tilespmem:s25], [sflag:$0x3], $0x2000, $0x38;
	[tilespmem:$0x1F808] =	vst v63  }
0xbc: {  	_ =	swait.ge [sflag:s20], $0x2000  }
0xbd: {  	[sflag:s20] =	ssyncset.done $0x0  }
0xbe: {  	[sflag:s20] =	ssyncadd.s32 $0xFFFFE000  }
0xbf: {  	s5 =	rddreg [dreg:$0x8]  }
0xc0: {  	s0 =	rddreg [dreg:$0x7];
	s5 =	sadd.s32 $0x1, s5  }
0xc1: {  	p0 =	sne.s32 s5, s0  }
.Ltmp9:
0xc2: {  	_ = 	snop;
	(pc) =	sbr.rel @p0 .LBB2_1-.Ltmp9, $1  }
0xc3: {  	_ =	sdelay $0x3  }
0xc4: {  	_ =	sfence.sel $0x180000  }
0xc5: {  	[bflag:$0x0] =	sbarrier.arrive $0xFFFF  }
0xc6: {  	_ =	strace $0x90000050  }
0xc7: {  	s0 =	stileid.u32;
	[bflag:$0x2] =	sbarrier.arrive $0xFFFF  }
0xc8: {  	p0 =	sne.s32 s0, $0x0;
	s0 =	rddreg [dreg:$0x6]  }
0xc9: {  	s0 =	sadd.s32 @!p0 $0x100000, s0  }
0xca: {  	[sflag:s0] =	ssyncadd.tile.s32 @!p0 $0x1;
	_ =	shalt  }
.Lfunc_end2:
_tile_overlayer_lowered:
.L_overlay_start_2:
0xcb: {  	(tag) =	ssettag $0x2  }
0xcc: {  	s0 =	rddreg [dreg:$0x0];
	s2 =	stileid.u32  }
0xcd: {  	s1 =	rddreg [dreg:$0x1];
	p0 =	sne.s32 s2, $0x0  }
0xce: {  	s3 =	rddreg [dreg:$0x2];
	[bflag:$0x3] =	sbarrier.arrive $0xFFFF;
	s2 =	simm.s32 @!p0 $0x1C03  }
0xcf: {  	[timem:s3], [sflag:s2] =	dma.local @!p0 [hbm:s0], s1  }
0xd0: {  	s0 =	simm.s32 @!p0 $0x3  }
0xd1: {  	_ =	swait.ge @!p0 [sflag:s0], s1  }
0xd2: {  	s1 =	ssub.s32 @!p0 $0x0, s1;
	[sflag:s0] =	ssyncset.done @!p0 $0x0  }
0xd3: {  	[sflag:s0] =	ssyncadd.s32 @!p0 s1  }
0xd4: {  	[bflag:$0x3] =	sbarrier.arrive $0xFFFF  }
0xd5: {  	_ =	shalt  }

// kernel: kernel.6.cloned.1.call-start
scs
__scs_entry_jumppad:
0x0: {  	(pc) =	sbr.rel $0x88, $3  }
0x1: {  	(tag) =	ssettag $0x0;
	lr =	simm.s32 $0x1  }
0x2: {  	[smem:$0x3F9F] =	sst lr;
	_ =	strace $0xD0000000  }
0x3: {  	_ = 	snop  }
0x4: {  	_ = 	snop  }
0x5: {  	_ = 	snop  }
0x6: {  	_ = 	snop  }
0x7: {  	_ = 	snop  }
__scs_overlays_trampoline_lowered:
0x8: {  	[smem:$0x3FAE] =	sst s0  }
0x9: {  	[smem:$0x3FAF] =	sst s1  }
0xa: {  	[smem:$0x3FB0] =	sst s2  }
0xb: {  	[smem:$0x3FB1] =	sst s3  }
0xc: {  	[smem:$0x3FB2] =	sst s4  }
0xd: {  	[smem:$0x3FB3] =	sst s5  }
0xe: {  	[smem:$0x3FB4] =	sst s6  }
0xf: {  	[smem:$0x3FB5] =	sst s7  }
0x10: {  	[smem:$0x3FB6] =	sst s8  }
0x11: {  	[smem:$0x3FB7] =	sst s9;
	s0 =	simm.s32 @!p0 $0x0  }
0x12: {  	s1 =	sld [smem:$0x3F9D];
	s0 =	simm.s32 @p0 $0x1  }
0x13: {  	[smem:$0x3FB8] =	sst s0;
	s0 =	simm.s32 @!p1 $0x0  }
0x14: {  	s2 =	sld [smem:$0x3F9C];
	s0 =	simm.s32 @p1 $0x1  }
0x15: {  	[smem:$0x3FB9] =	sst s0;
	s0 =	simm.s32 @!p2 $0x0  }
0x16: {  	s3 =	sld [smem:$0x3FDB];
	s0 =	simm.s32 @p2 $0x1  }
0x17: {  	s4 =	simm.s32 $0x1BF5;
	[smem:$0x3FBB] =	sst s0  }
0x18: {  	s0 =	sld [smem:$0x3F9E];
	_ =	swait.ge [sflag:s4], $0x0  }
0x19: {  	s7 =	sld [smem:$0x3F9F]  }
0x1a: {  	s8 =	sadd.s32 $0xFFFFE003, lr  }
0x1b: {  	s9 =	sadd.s32 $0xFFFFFEF7, lr;
	s5 =	simm.s32 $0xFFFFFFFF;
	p2 =	slt.u32 s8, $0xFFFFF086  }
0x1c: {  	p1 =	slt.u32 s9, $0xF7A;
	s5 =	simm.s32 @!p2 $0x0  }
0x1d: {  	s5 =	simm.s32 @p1 $0x1;
	p0 =	seq.s32 s7, s2  }
0x1e: {  	s7 =	smul.u32 @!p0 $0xF7A, s2;
	p2 =	seq.s32 @!p0 s5, $0x0  }
0x1f: {  	s9 =	smul.u32 $0xF7A, s1;
	s8 =	simm.s32 @!p0 $0x1BF5;
	p2 =	por !p2, p0  }
0x20: {  	[sflag:s8] =	ssyncset.s32 @!p0 $0xFFFFF086;
	s6 =	sadd.s32 @!p0 s3, s7;
	s7 =	simm.s32 @!p0 $0x108  }
0x21: {  	s3 =	sadd.s32 s3, s9;
	s6 =	sadd.s32 @!p0 $0x88, s6;
	s7 =	simm.s32 @p2 $0x1082  }
0x22: {  	[simem:s7], [sflag:s8] =	dma.local @!p0 [hbm:s6], $0xF7A  }
0x23: {  	s9 =	sor.u32 $0xD0000000, s2;
	s6 =	simm.s32 $0x108;
	_ =	swait.ge @!p0 [sflag:s8], $0x0  }
0x24: {  	s3 =	sadd.s32 $0x88, s3;
	s6 =	simm.s32 @!p1 $0x1082;
	[sflag:s4] =	ssyncset.s32 $0xFFFFF086  }
0x25: {  	[simem:s6], [sflag:s4] =	dma.local [hbm:s3], $0xF7A  }
0x26: {  	[smem:$0x3F9F] =	sst s1;
	(tag) =	ssettag s2;
	_ =	strace s9  }
0x27: {  	s1 =	sld [smem:$0x3FAF]  }
0x28: {  	s2 =	sld [smem:$0x3FB0]  }
0x29: {  	s4 =	sld [smem:$0x3FB2]  }
0x2a: {  	p0 =	seq.s32 s5, $0x0;
	s5 =	sld [smem:$0x3FB3]  }
0x2b: {  	s6 =	sld [smem:$0x3FB4]  }
0x2c: {  	s7 =	sld [smem:$0x3FB5]  }
0x2d: {  	s3 =	simm.s32 $0x108;
	s8 =	sld [smem:$0x3FB6]  }
0x2e: {  	s3 =	simm.s32 @!p0 $0x1082;
	s9 =	sld [smem:$0x3FB7]  }
0x2f: {  	lr =	sadd.s32 s0, s3;
	s0 =	sld [smem:$0x3FAE]  }
0x30: {  	s3 =	sld [smem:$0x3FB1]  }
0x31: {  	[smem:$0x3FBA] =	sst s10  }
0x32: {  	s10 =	sld [smem:$0x3FB8];
	_ =	sdelay $0x3  }
0x33: {  	p0 =	seq.s32 s10, $0x1;
	s10 =	sld [smem:$0x3FBA];
	_ =	sdelay $0x3  }
0x34: {  	[smem:$0x3FBA] =	sst s10  }
0x35: {  	s10 =	sld [smem:$0x3FB9];
	_ =	sdelay $0x3  }
0x36: {  	p1 =	seq.s32 s10, $0x1;
	s10 =	sld [smem:$0x3FBA];
	_ =	sdelay $0x3  }
0x37: {  	[smem:$0x3FBA] =	sst s10  }
0x38: {  	s10 =	sld [smem:$0x3FBB]  }
0x39: {  	_ = 	snop;
	(pc) =	sbr.ind lr, $3  }
0x3a: {  	_ = 	snop  }
0x3b: {  	_ = 	snop  }
0x3c: {  	p2 =	seq.s32 s10, $0x1;
	s10 =	sld [smem:$0x3FBA]  }
0x3d: {  	_ =	shalt  }
0x3e: {  	_ =	shalt  }
0x3f: {  	_ =	shalt  }
0x40: {  	_ =	shalt  }
0x41: {  	_ =	shalt  }
0x42: {  	_ =	shalt  }
0x43: {  	_ =	shalt  }
0x44: {  	_ =	shalt  }
0x45: {  	_ =	shalt  }
0x46: {  	_ =	shalt  }
0x47: {  	_ =	shalt  }
0x48: {  	_ =	shalt  }
0x49: {  	_ =	shalt  }
0x4a: {  	_ =	shalt  }
0x4b: {  	_ =	shalt  }
0x4c: {  	_ =	shalt  }
0x4d: {  	_ =	shalt  }
0x4e: {  	_ =	shalt  }
0x4f: {  	_ =	shalt  }
0x50: {  	_ =	shalt  }
0x51: {  	_ =	shalt  }
0x52: {  	_ =	shalt  }
0x53: {  	_ =	shalt  }
0x54: {  	_ =	shalt  }
0x55: {  	_ =	shalt  }
0x56: {  	_ =	shalt  }
0x57: {  	_ =	shalt  }
0x58: {  	_ =	shalt  }
0x59: {  	_ =	shalt  }
0x5a: {  	_ =	shalt  }
0x5b: {  	_ =	shalt  }
0x5c: {  	_ =	shalt  }
0x5d: {  	_ =	shalt  }
0x5e: {  	_ =	shalt  }
0x5f: {  	_ =	shalt  }
0x60: {  	_ =	shalt  }
0x61: {  	_ =	shalt  }
0x62: {  	_ =	shalt  }
0x63: {  	_ =	shalt  }
0x64: {  	_ =	shalt  }
0x65: {  	_ =	shalt  }
0x66: {  	_ =	shalt  }
0x67: {  	_ =	shalt  }
0x68: {  	_ =	shalt  }
0x69: {  	_ =	shalt  }
0x6a: {  	_ =	shalt  }
0x6b: {  	_ =	shalt  }
0x6c: {  	_ =	shalt  }
0x6d: {  	_ =	shalt  }
0x6e: {  	_ =	shalt  }
0x6f: {  	_ =	shalt  }
0x70: {  	_ =	shalt  }
0x71: {  	_ =	shalt  }
0x72: {  	_ =	shalt  }
0x73: {  	_ =	shalt  }
0x74: {  	_ =	shalt  }
0x75: {  	_ =	shalt  }
0x76: {  	_ =	shalt  }
0x77: {  	_ =	shalt  }
0x78: {  	_ =	shalt  }
0x79: {  	_ =	shalt  }
0x7a: {  	_ =	shalt  }
0x7b: {  	_ =	shalt  }
0x7c: {  	_ =	shalt  }
0x7d: {  	_ =	shalt  }
0x7e: {  	_ =	shalt  }
0x7f: {  	_ =	shalt  }
0x80: {  	_ =	shalt  }
0x81: {  	_ =	shalt  }
0x82: {  	_ =	shalt  }
0x83: {  	_ =	shalt  }
0x84: {  	_ =	shalt  }
0x85: {  	_ =	shalt  }
0x86: {  	_ =	shalt  }
0x87: {  	_ =	shalt  }
.Lfunc_end0:
.L_simem_size_0:
called_computation_lowered:
.L_overlay_start_0:
0x88: {  	s2 =	sld [smem:$0x3FD9]  }
0x89: {  	s3 =	sld [smem:$0x3FFE];
	_ =	sdelay $0x1  }
0x8a: {  	s1 =	srdreg.scid  }
0x8b: {  	s0 =	sand.u32 $0x1, s1  }
0x8c: {  	s16 =	sshll.u32 s0, $0xA;
	s2 =	sadd.s32 s3, s2  }
0x8d: {  	s2 =	sadd.s32 s2, s16  }
0x8e: {  	[smem:$0x3FC6] =	sst s2  }
0x8f: {  	_ = 	snop  }
0x90: {  	(tm) =	ssettm $0x1  }
0x91: {  	s17 =	sld [smem:$0x3FFB];
	_ =	sdelay $0x3  }
0x92: {  	_ =	strace s17  }
0x93: {  	s2 =	sld [smem:$0x3FFC];
	_ =	sdelay $0x3  }
0x94: {  	_ =	strace s2  }
0x95: {  	s2 =	sld [smem:$0x3FFD];
	_ =	sdelay $0x3  }
0x96: {  	_ =	strace s2  }
0x97: {  	_ =	strace $0x8FFFFFFF  }
0x98: {  	s18 =	sld [smem:$0x3FDB];
	_ =	sdelay $0x1  }
0x99: {  	s19 =	simm.s32 $_scs_section_size  }
0x9a: {  	s4 =	simm.s32 $_size__tile_overlayer_lowered;
	s5 =	simm.s32 $_tile_overlayer_lowered  }
0x9b: {  	s22 =	simm.s32 $0x1BFF;
	s21 =	sshll.u32 s5, $0x1;
	s2 =	sadd.s32 s19, s18  }
0x9c: {  	s6 =	simm.s32 $0x0;
	s20 =	sshll.u32 s4, $0x1;
	s4 =	sadd.s32 s21, s2  }
0x9d: {  	[timem:s6], [sflag:s22] =	dma.local [hbm:s4], s20  }
0x9e: {  	_ =	swait.ge [sflag:s22], s20  }
0x9f: {  	s3 =	ssub.s32 $0x0, s20;
	[sflag:s22] =	ssyncset.done $0x0  }
0xa0: {  	[sflag:s22] =	ssyncadd.s32 s3;
	_ =	sdelay $0x1  }
0xa1: {  	s23 =	simm.s32 $0x1B8B  }
0xa2: {  	_ =	swait.ge [sflag:s23], $0x1  }
0xa3: {  	[sflag:s23] =	ssyncset.done $0x0  }
0xa4: {  	s25 =	simm.s32 $0x1B8E;
	s24 =	sld [smem:$0x3FFE];
	[sflag:s23] =	ssyncadd.s32 $0xFFFFFFFF  }
0xa5: {  	s26 =	simm.s32 $execute0_lowered;
	[smem:$0x3FD2] =	sst s25  }
0xa6: {  	s4 =	sshll.u32 s26, $0x1;
	_ =	strace $0x80000046;
	[dreg:$0x1] =	wrdreg $0xFFFFFFFF  }
0xa7: {  	s28 =	simm.s32 $_size_execute0_lowered;
	s2 =	sadd.s32 s2, s4;
	[dreg:$0x0] =	wrdreg $0x0  }
0xa8: {  	s4 =	sshll.u32 s28, $0x1;
	[dreg:$0x2] =	wrdreg s2  }
0xa9: {  	[dreg:$0x3] =	wrdreg s4  }
0xaa: {  	[dreg:$0x4] =	wrdreg $0xC0  }
0xab: {  	_ =	task [dreg:s6], $0x5FFFF  }
0xac: {  	[dreg:$0x1] =	wrdreg $0xFFFFFFFF  }
0xad: {  	[dreg:$0x0] =	wrdreg $0x60  }
0xae: {  	[dreg:$0x2] =	wrdreg s24  }
0xaf: {  	[dreg:$0x3] =	wrdreg $0x9  }
0xb0: {  	_ =	task.clear_ibuf [dreg:s6], $0x4FFFF;
	_ =	strace $0x90000046  }
0xb1: {  	s29 =	simm.s32 $0x9;
	_ =	strace $0x80000048  }
0xb2: {  	_ =	swait.ge [sflag:s29], $0x1  }
0xb3: {  	[sflag:s29] =	ssyncadd.s32 $0xFFFFFFFF  }
0xb4: {  	_ =	strace $0x90000048  }
0xb5: {  	_ =	sfence  }
0xb6: {  	s30 =	sld [smem:$0x0];
	_ =	sdelay $0x2  }
0xb7: {  	s31 =	sshll.u32 s1, $0xD;
	s1 =	sshrl.u32 s1, $0x2  }
0xb8: {  	s3 =	sand.u32 $0x4000, s31;
	s1 =	sadd.s32 s1, s30  }
0xb9: {  	s0 =	sor.u32 s3, s0;
	s1 =	sshll.u32 s1, $0x11  }
0xba: {  	s0 =	sor.u32 s1, s0  }
0xbb: {  	s0 =	sadd.s32 $0x8F2B, s0  }
0xbc: {  	[sflag:s0] =	ssyncadd.remote.s32 $0x1  }
0xbd: {  	_ =	sfence.sel $0xFFFF  }
0xbe: {  	[dreg:$0x0] =	wrdreg $0xFFFFFFFF;
	(pc) =	sbr.abs _section_cstart, $3  }
0xbf: {  	[dreg:$0x1] =	wrdreg $0xFFFFFFFF  }
0xc0: {  	_ =	task.clear_ibuf [dreg:s6], $0x2FFFF;
	_ =	strace $0x9FFFFFFF  }
0xc1: {  	(tm) =	ssettm $0x7FFFFFFF  }
tec
execute0_lowered:
.L_overlay_start_1:
0x0: {  	(tag) =	ssettag $0x1  }
0x1: {  	s3 =	rddreg [dreg:$0x0]  }
0x2: {  	s0 =	rddreg [dreg:$0x1]  }
0x3: {  	s2 =	simm.s32 $0x0;
	s4 =	srdreg.scid;
	s1 =	stileid.u32  }
0x4: {  	s13 =	simm.s32 $0x1;
	s14 =	simm.s32 $0x2000;
	s15 =	simm.s32 $0x80  }
0x5: {  	s16 =	simm.s32 $0x400;
	[smem:$0x7FF] =	sst s2;
	s4 =	sand.u32 $0x1, s4  }
0x6: {  	s5 =	sshll.u32 s1, $0x1;
	s6 =	sshll.u32 s1, $0x9;
	_ =	strace $0x80000047  }
0x7: {  	s5 =	sor.u32 s4, s5;
	s6 =	sand.u32 $0x1800, s6;
	s4 =	ssub.s32 $0x2, s4  }
0x8: {  	s7 =	sshll.u32 s5, $0xD;
	s5 =	sshll.u32 s5, $0x4;
	s6 =	sadd.s32 s6, s3  }
0x9: {  	s30 =	sshrl.u32 s4, $0x1;
	s5 =	sand.u32 $0x70, s5;
	s12 =	sadd.s32 s7, s3  }
0xa: {  	s31 =	ssub.s32 s4, s30;
	s5 =	sadd.s32 s5, s6;
	s3 =	sadd.s32 $0x81E00, s12  }
0xb: {  	s6 =	sadd.s32 $0x82200, s12;
	s7 =	sadd.s32 $0x82600, s12;
	s8 =	sadd.s32 $0x82A00, s12  }
0xc: {  	s9 =	sadd.s32 $0x82E00, s12;
	s10 =	sadd.s32 $0x83200, s12;
	s11 =	sadd.s32 $0x83600, s12  }
0xd: {  	v0 =	vimm.s32 $0x0;
	v1 =	vimm.s32 $0x1;
	s12 =	sadd.s32 $0x83A00, s12;
	s4 =	sadd.s32 $0xC1E00, s5;
	s5 =	smax.u32 s31, $0x1  }
.LBB2_1:
0xe: {  	s17 =	simm.s32 $0x40;
	s18 =	simm.s32 $0x0  }
.LBB2_2:
0xf: {  	p0 =	sne.s32 s17, $0x1FC0;
	[tilespmem:s18+$0x2000] =	vst v0;
	s18 =	smov.u32 s17;
	s17 =	sadd.s32 $0x40, s17  }
.Ltmp0:
0x10: {  	(pc) =	sbr.rel @p0 .LBB2_2-.Ltmp0, $2  }
0x11: {  	_ =	sdelay $0x2  }
0x12: {  	s18 =	sshra.s32 s18, $0x2  }
0x13: {  	[tilespmem:s18+$0x2000] =	vst v0;
	s17 =	simm.s32 $0x0  }
0x14: {  	[tilespmem:s17], [sflag:$0x1] =	stream.linear.gather [hbm4b:s3+s17], $0x2000, $0x38;
	[tilespmem:$0x2800] =	vst v63  }
0x15: {  	_ =	swait.ge [sflag:s13], $0x2000  }
0x16: {  	[sflag:s13] =	ssyncset.done $0x0  }
0x17: {  	s18 =	simm.s32 $0x0;
	s17 =	simm.s32 $0x40;
	[sflag:s13] =	ssyncadd.s32 $0xFFFFE000  }
.LBB2_4:
0x18: {  	p0 =	sne.s32 s17, $0x7FC0;
	v2 =	vld [tilespmem:s18+$0x0];
	_ =	sdelay $0x4  }
0x19: {  	v2 =	vand.u32 $0x7FF, v2  }
.Ltmp1:
0x1a: {  	(pc) =	sbr.rel @p0 .LBB2_4-.Ltmp1, $2  }
0x1b: {  	_ =	sdelay $0x2  }
0x1c: {  	s18 =	sshra.s32 s17, $0x2;
	s17 =	sadd.s32 $0x40, s17;
	[tilespmem:v2+s14+$0x0] =	vst.idx.add.s32.msk $0xffff, v1  }
0x1d: {  	v2 =	vld [tilespmem:s18+$0x0];
	_ =	sdelay $0x4  }
0x1e: {  	v2 =	vand.u32 $0x7FF, v2;
	_ =	sdelay $0x4  }
0x1f: {  	s17 =	simm.s32 $0x0;
	[tilespmem:v2+s14+$0x0] =	vst.idx.add.s32.msk $0xffff, v1  }
0x20: {  	[tilespmem:s17], [sflag:$0x1] =	stream.linear.gather [hbm4b:s6+s17], $0x2000, $0x38;
	[tilespmem:$0x2800] =	vst v63  }
0x21: {  	_ =	swait.ge [sflag:s13], $0x2000  }
0x22: {  	[sflag:s13] =	ssyncset.done $0x0  }
0x23: {  	s18 =	simm.s32 $0x0;
	s17 =	simm.s32 $0x40;
	[sflag:s13] =	ssyncadd.s32 $0xFFFFE000  }
.LBB2_6:
0x24: {  	p0 =	sne.s32 s17, $0x7FC0;
	v2 =	vld [tilespmem:s18+$0x0];
	_ =	sdelay $0x4  }
0x25: {  	v2 =	vand.u32 $0x7FF, v2  }
.Ltmp2:
0x26: {  	(pc) =	sbr.rel @p0 .LBB2_6-.Ltmp2, $2  }
0x27: {  	_ =	sdelay $0x2  }
0x28: {  	s18 =	sshra.s32 s17, $0x2;
	s17 =	sadd.s32 $0x40, s17;
	[tilespmem:v2+s14+$0x0] =	vst.idx.add.s32.msk $0xffff, v1  }
0x29: {  	v2 =	vld [tilespmem:s18+$0x0];
	_ =	sdelay $0x4  }
0x2a: {  	v2 =	vand.u32 $0x7FF, v2;
	_ =	sdelay $0x4  }
0x2b: {  	s17 =	simm.s32 $0x0;
	[tilespmem:v2+s14+$0x0] =	vst.idx.add.s32.msk $0xffff, v1  }
0x2c: {  	[tilespmem:s17], [sflag:$0x1] =	stream.linear.gather [hbm4b:s7+s17], $0x2000, $0x38;
	[tilespmem:$0x2800] =	vst v63  }
0x2d: {  	_ =	swait.ge [sflag:s13], $0x2000  }
0x2e: {  	[sflag:s13] =	ssyncset.done $0x0  }
0x2f: {  	s18 =	simm.s32 $0x0;
	s17 =	simm.s32 $0x40;
	[sflag:s13] =	ssyncadd.s32 $0xFFFFE000  }
.LBB2_8:
0x30: {  	p0 =	sne.s32 s17, $0x7FC0;
	v2 =	vld [tilespmem:s18+$0x0];
	_ =	sdelay $0x4  }
0x31: {  	v2 =	vand.u32 $0x7FF, v2  }
.Ltmp3:
0x32: {  	(pc) =	sbr.rel @p0 .LBB2_8-.Ltmp3, $2  }
0x33: {  	_ =	sdelay $0x2  }
0x34: {  	s18 =	sshra.s32 s17, $0x2;
	s17 =	sadd.s32 $0x40, s17;
	[tilespmem:v2+s14+$0x0] =	vst.idx.add.s32.msk $0xffff, v1  }
0x35: {  	v2 =	vld [tilespmem:s18+$0x0];
	_ =	sdelay $0x4  }
0x36: {  	v2 =	vand.u32 $0x7FF, v2;
	_ =	sdelay $0x4  }
0x37: {  	s17 =	simm.s32 $0x0;
	[tilespmem:v2+s14+$0x0] =	vst.idx.add.s32.msk $0xffff, v1  }
0x38: {  	[tilespmem:s17], [sflag:$0x1] =	stream.linear.gather [hbm4b:s8+s17], $0x2000, $0x38;
	[tilespmem:$0x2800] =	vst v63  }
0x39: {  	_ =	swait.ge [sflag:s13], $0x2000  }
0x3a: {  	[sflag:s13] =	ssyncset.done $0x0  }
0x3b: {  	s18 =	simm.s32 $0x0;
	s17 =	simm.s32 $0x40;
	[sflag:s13] =	ssyncadd.s32 $0xFFFFE000  }
.LBB2_10:
0x3c: {  	p0 =	sne.s32 s17, $0x7FC0;
	v2 =	vld [tilespmem:s18+$0x0];
	_ =	sdelay $0x4  }
0x3d: {  	v2 =	vand.u32 $0x7FF, v2  }
.Ltmp4:
0x3e: {  	(pc) =	sbr.rel @p0 .LBB2_10-.Ltmp4, $2  }
0x3f: {  	_ =	sdelay $0x2  }
0x40: {  	s18 =	sshra.s32 s17, $0x2;
	s17 =	sadd.s32 $0x40, s17;
	[tilespmem:v2+s14+$0x0] =	vst.idx.add.s32.msk $0xffff, v1  }
0x41: {  	v2 =	vld [tilespmem:s18+$0x0];
	_ =	sdelay $0x4  }
0x42: {  	v2 =	vand.u32 $0x7FF, v2;
	_ =	sdelay $0x4  }
0x43: {  	s17 =	simm.s32 $0x0;
	[tilespmem:v2+s14+$0x0] =	vst.idx.add.s32.msk $0xffff, v1  }
0x44: {  	[tilespmem:s17], [sflag:$0x1] =	stream.linear.gather [hbm4b:s9+s17], $0x2000, $0x38;
	[tilespmem:$0x2800] =	vst v63  }
0x45: {  	_ =	swait.ge [sflag:s13], $0x2000  }
0x46: {  	[sflag:s13] =	ssyncset.done $0x0  }
0x47: {  	s18 =	simm.s32 $0x0;
	s17 =	simm.s32 $0x40;
	[sflag:s13] =	ssyncadd.s32 $0xFFFFE000  }
.LBB2_12:
0x48: {  	p0 =	sne.s32 s17, $0x7FC0;
	v2 =	vld [tilespmem:s18+$0x0];
	_ =	sdelay $0x4  }
0x49: {  	v2 =	vand.u32 $0x7FF, v2  }
.Ltmp5:
0x4a: {  	(pc) =	sbr.rel @p0 .LBB2_12-.Ltmp5, $2  }
0x4b: {  	_ =	sdelay $0x2  }
0x4c: {  	s18 =	sshra.s32 s17, $0x2;
	s17 =	sadd.s32 $0x40, s17;
	[tilespmem:v2+s14+$0x0] =	vst.idx.add.s32.msk $0xffff, v1  }
0x4d: {  	v2 =	vld [tilespmem:s18+$0x0];
	_ =	sdelay $0x4  }
0x4e: {  	v2 =	vand.u32 $0x7FF, v2;
	_ =	sdelay $0x4  }
0x4f: {  	s17 =	simm.s32 $0x0;
	[tilespmem:v2+s14+$0x0] =	vst.idx.add.s32.msk $0xffff, v1  }
0x50: {  	[tilespmem:s17], [sflag:$0x1] =	stream.linear.gather [hbm4b:s10+s17], $0x2000, $0x38;
	[tilespmem:$0x2800] =	vst v63  }
0x51: {  	_ =	swait.ge [sflag:s13], $0x2000  }
0x52: {  	[sflag:s13] =	ssyncset.done $0x0  }
0x53: {  	s18 =	simm.s32 $0x0;
	s17 =	simm.s32 $0x40;
	[sflag:s13] =	ssyncadd.s32 $0xFFFFE000  }
.LBB2_14:
0x54: {  	p0 =	sne.s32 s17, $0x7FC0;
	v2 =	vld [tilespmem:s18+$0x0];
	_ =	sdelay $0x4  }
0x55: {  	v2 =	vand.u32 $0x7FF, v2  }
.Ltmp6:
0x56: {  	(pc) =	sbr.rel @p0 .LBB2_14-.Ltmp6, $2  }
0x57: {  	_ =	sdelay $0x2  }
0x58: {  	s18 =	sshra.s32 s17, $0x2;
	s17 =	sadd.s32 $0x40, s17;
	[tilespmem:v2+s14+$0x0] =	vst.idx.add.s32.msk $0xffff, v1  }
0x59: {  	v2 =	vld [tilespmem:s18+$0x0];
	_ =	sdelay $0x4  }
0x5a: {  	v2 =	vand.u32 $0x7FF, v2;
	_ =	sdelay $0x4  }
0x5b: {  	s17 =	simm.s32 $0x0;
	[tilespmem:v2+s14+$0x0] =	vst.idx.add.s32.msk $0xffff, v1  }
0x5c: {  	[tilespmem:s17], [sflag:$0x1] =	stream.linear.gather [hbm4b:s11+s17], $0x2000, $0x38;
	[tilespmem:$0x2800] =	vst v63  }
0x5d: {  	_ =	swait.ge [sflag:s13], $0x2000  }
0x5e: {  	[sflag:s13] =	ssyncset.done $0x0  }
0x5f: {  	s18 =	simm.s32 $0x0;
	s17 =	simm.s32 $0x40;
	[sflag:s13] =	ssyncadd.s32 $0xFFFFE000  }
.LBB2_16:
0x60: {  	p0 =	sne.s32 s17, $0x7FC0;
	v2 =	vld [tilespmem:s18+$0x0];
	_ =	sdelay $0x4  }
0x61: {  	v2 =	vand.u32 $0x7FF, v2  }
.Ltmp7:
0x62: {  	(pc) =	sbr.rel @p0 .LBB2_16-.Ltmp7, $2  }
0x63: {  	_ =	sdelay $0x2  }
0x64: {  	s18 =	sshra.s32 s17, $0x2;
	s17 =	sadd.s32 $0x40, s17;
	[tilespmem:v2+s14+$0x0] =	vst.idx.add.s32.msk $0xffff, v1  }
0x65: {  	v2 =	vld [tilespmem:s18+$0x0];
	_ =	sdelay $0x4  }
0x66: {  	v2 =	vand.u32 $0x7FF, v2;
	_ =	sdelay $0x4  }
0x67: {  	s17 =	simm.s32 $0x0;
	[tilespmem:v2+s14+$0x0] =	vst.idx.add.s32.msk $0xffff, v1  }
0x68: {  	[tilespmem:s17], [sflag:$0x1] =	stream.linear.gather [hbm4b:s12+s17], $0x2000, $0x38;
	[tilespmem:$0x2800] =	vst v63  }
0x69: {  	_ =	swait.ge [sflag:s13], $0x2000  }
0x6a: {  	[sflag:s13] =	ssyncset.done $0x0  }
0x6b: {  	s18 =	simm.s32 $0x0;
	s17 =	simm.s32 $0x40;
	[sflag:s13] =	ssyncadd.s32 $0xFFFFE000  }
.LBB2_18:
0x6c: {  	p0 =	sne.s32 s17, $0x7FC0;
	v2 =	vld [tilespmem:s18+$0x0];
	_ =	sdelay $0x4  }
0x6d: {  	v2 =	vand.u32 $0x7FF, v2  }
.Ltmp8:
0x6e: {  	(pc) =	sbr.rel @p0 .LBB2_18-.Ltmp8, $2  }
0x6f: {  	_ =	sdelay $0x2  }
0x70: {  	s18 =	sshra.s32 s17, $0x2;
	s17 =	sadd.s32 $0x40, s17;
	[tilespmem:v2+s14+$0x0] =	vst.idx.add.s32.msk $0xffff, v1  }
0x71: {  	v2 =	vld [tilespmem:s18+$0x0];
	_ =	sdelay $0x4  }
0x72: {  	v2 =	vand.u32 $0x7FF, v2;
	_ =	sdelay $0x2  }
0x73: {  	s2 =	sadd.s32 $0x1, s2  }
0x74: {  	p0 =	sne.s32 s2, s5  }
.Ltmp9:
0x75: {  	[tilespmem:v2+s14+$0x0] =	vst.idx.add.s32.msk $0xffff, v1;
	(pc) =	sbr.rel @p0 .LBB2_1-.Ltmp9, $4  }
0x76: {  	[hbm4b:s4+s15] =	stream.strided.scatter [tilespmem:s14], [sflag:$0x1], $0x800, s16, s15, $0x38;
	[tilespmem:$0x2800] =	vst v63  }
0x77: {  	_ =	swait.ge [sflag:s13], $0x800  }
0x78: {  	[sflag:s13] =	ssyncset.done $0x0  }
0x79: {  	[sflag:s13] =	ssyncadd.s32 $0xFFFFF800  }
0x7a: {  	_ =	sfence.sel $0x180000  }
0x7b: {  	[bflag:$0x0] =	sbarrier.arrive $0xFFFF  }
0x7c: {  	p0 =	sne.s32 s1, $0x0;
	_ =	strace $0x90000047  }
0x7d: {  	s0 =	sadd.s32 @!p0 $0x100000, s0;
	[bflag:$0x2] =	sbarrier.arrive $0xFFFF  }
0x7e: {  	[sflag:s0] =	ssyncadd.tile.s32 @!p0 $0x1;
	_ =	shalt  }
.Lfunc_end2:
_tile_overlayer_lowered:
.L_overlay_start_2:
0x7f: {  	(tag) =	ssettag $0x2  }
0x80: {  	s0 =	rddreg [dreg:$0x0];
	s2 =	stileid.u32  }
0x81: {  	s1 =	rddreg [dreg:$0x1];
	p0 =	sne.s32 s2, $0x0  }
0x82: {  	s3 =	rddreg [dreg:$0x2];
	[bflag:$0x3] =	sbarrier.arrive $0xFFFF;
	s2 =	simm.s32 @!p0 $0x1C01  }
0x83: {  	[timem:s3], [sflag:s2] =	dma.local @!p0 [hbm:s0], s1  }
0x84: {  	s0 =	simm.s32 @!p0 $0x1  }
0x85: {  	_ =	swait.ge @!p0 [sflag:s0], s1  }
0x86: {  	s1 =	ssub.s32 @!p0 $0x0, s1;
	[sflag:s0] =	ssyncset.done @!p0 $0x0  }
0x87: {  	[sflag:s0] =	ssyncadd.s32 @!p0 s1  }
0x88: {  	[bflag:$0x3] =	sbarrier.arrive $0xFFFF  }
0x89: {  	_ =	shalt  }

// kernel: kernel.9.cloned.1.call-start
scs
__scs_entry_jumppad:
0x0: {  	(pc) =	sbr.rel $0x88, $3  }
0x1: {  	(tag) =	ssettag $0x0;
	lr =	simm.s32 $0x1  }
0x2: {  	[smem:$0x3F9F] =	sst lr;
	_ =	strace $0xD0000000  }
0x3: {  	_ = 	snop  }
0x4: {  	_ = 	snop  }
0x5: {  	_ = 	snop  }
0x6: {  	_ = 	snop  }
0x7: {  	_ = 	snop  }
__scs_overlays_trampoline_lowered:
0x8: {  	[smem:$0x3FAE] =	sst s0  }
0x9: {  	[smem:$0x3FAF] =	sst s1  }
0xa: {  	[smem:$0x3FB0] =	sst s2  }
0xb: {  	[smem:$0x3FB1] =	sst s3  }
0xc: {  	[smem:$0x3FB2] =	sst s4  }
0xd: {  	[smem:$0x3FB3] =	sst s5  }
0xe: {  	[smem:$0x3FB4] =	sst s6  }
0xf: {  	[smem:$0x3FB5] =	sst s7  }
0x10: {  	[smem:$0x3FB6] =	sst s8  }
0x11: {  	[smem:$0x3FB7] =	sst s9;
	s0 =	simm.s32 @!p0 $0x0  }
0x12: {  	s1 =	sld [smem:$0x3F9D];
	s0 =	simm.s32 @p0 $0x1  }
0x13: {  	[smem:$0x3FB8] =	sst s0;
	s0 =	simm.s32 @!p1 $0x0  }
0x14: {  	s2 =	sld [smem:$0x3F9C];
	s0 =	simm.s32 @p1 $0x1  }
0x15: {  	[smem:$0x3FB9] =	sst s0;
	s0 =	simm.s32 @!p2 $0x0  }
0x16: {  	s3 =	sld [smem:$0x3FDB];
	s0 =	simm.s32 @p2 $0x1  }
0x17: {  	s4 =	simm.s32 $0x1BF5;
	[smem:$0x3FBB] =	sst s0  }
0x18: {  	s0 =	sld [smem:$0x3F9E];
	_ =	swait.ge [sflag:s4], $0x0  }
0x19: {  	s7 =	sld [smem:$0x3F9F]  }
0x1a: {  	s8 =	sadd.s32 $0xFFFFE003, lr  }
0x1b: {  	s9 =	sadd.s32 $0xFFFFFEF7, lr;
	s5 =	simm.s32 $0xFFFFFFFF;
	p2 =	slt.u32 s8, $0xFFFFF086  }
0x1c: {  	p1 =	slt.u32 s9, $0xF7A;
	s5 =	simm.s32 @!p2 $0x0  }
0x1d: {  	s5 =	simm.s32 @p1 $0x1;
	p0 =	seq.s32 s7, s2  }
0x1e: {  	s7 =	smul.u32 @!p0 $0xF7A, s2;
	p2 =	seq.s32 @!p0 s5, $0x0  }
0x1f: {  	s9 =	smul.u32 $0xF7A, s1;
	s8 =	simm.s32 @!p0 $0x1BF5;
	p2 =	por !p2, p0  }
0x20: {  	[sflag:s8] =	ssyncset.s32 @!p0 $0xFFFFF086;
	s6 =	sadd.s32 @!p0 s3, s7;
	s7 =	simm.s32 @!p0 $0x108  }
0x21: {  	s3 =	sadd.s32 s3, s9;
	s6 =	sadd.s32 @!p0 $0x88, s6;
	s7 =	simm.s32 @p2 $0x1082  }
0x22: {  	[simem:s7], [sflag:s8] =	dma.local @!p0 [hbm:s6], $0xF7A  }
0x23: {  	s9 =	sor.u32 $0xD0000000, s2;
	s6 =	simm.s32 $0x108;
	_ =	swait.ge @!p0 [sflag:s8], $0x0  }
0x24: {  	s3 =	sadd.s32 $0x88, s3;
	s6 =	simm.s32 @!p1 $0x1082;
	[sflag:s4] =	ssyncset.s32 $0xFFFFF086  }
0x25: {  	[simem:s6], [sflag:s4] =	dma.local [hbm:s3], $0xF7A  }
0x26: {  	[smem:$0x3F9F] =	sst s1;
	(tag) =	ssettag s2;
	_ =	strace s9  }
0x27: {  	s1 =	sld [smem:$0x3FAF]  }
0x28: {  	s2 =	sld [smem:$0x3FB0]  }
0x29: {  	s4 =	sld [smem:$0x3FB2]  }
0x2a: {  	p0 =	seq.s32 s5, $0x0;
	s5 =	sld [smem:$0x3FB3]  }
0x2b: {  	s6 =	sld [smem:$0x3FB4]  }
0x2c: {  	s7 =	sld [smem:$0x3FB5]  }
0x2d: {  	s3 =	simm.s32 $0x108;
	s8 =	sld [smem:$0x3FB6]  }
0x2e: {  	s3 =	simm.s32 @!p0 $0x1082;
	s9 =	sld [smem:$0x3FB7]  }
0x2f: {  	lr =	sadd.s32 s0, s3;
	s0 =	sld [smem:$0x3FAE]  }
0x30: {  	s3 =	sld [smem:$0x3FB1]  }
0x31: {  	[smem:$0x3FBA] =	sst s10  }
0x32: {  	s10 =	sld [smem:$0x3FB8];
	_ =	sdelay $0x3  }
0x33: {  	p0 =	seq.s32 s10, $0x1;
	s10 =	sld [smem:$0x3FBA];
	_ =	sdelay $0x3  }
0x34: {  	[smem:$0x3FBA] =	sst s10  }
0x35: {  	s10 =	sld [smem:$0x3FB9];
	_ =	sdelay $0x3  }
0x36: {  	p1 =	seq.s32 s10, $0x1;
	s10 =	sld [smem:$0x3FBA];
	_ =	sdelay $0x3  }
0x37: {  	[smem:$0x3FBA] =	sst s10  }
0x38: {  	s10 =	sld [smem:$0x3FBB]  }
0x39: {  	_ = 	snop;
	(pc) =	sbr.ind lr, $3  }
0x3a: {  	_ = 	snop  }
0x3b: {  	_ = 	snop  }
0x3c: {  	p2 =	seq.s32 s10, $0x1;
	s10 =	sld [smem:$0x3FBA]  }
0x3d: {  	_ =	shalt  }
0x3e: {  	_ =	shalt  }
0x3f: {  	_ =	shalt  }
0x40: {  	_ =	shalt  }
0x41: {  	_ =	shalt  }
0x42: {  	_ =	shalt  }
0x43: {  	_ =	shalt  }
0x44: {  	_ =	shalt  }
0x45: {  	_ =	shalt  }
0x46: {  	_ =	shalt  }
0x47: {  	_ =	shalt  }
0x48: {  	_ =	shalt  }
0x49: {  	_ =	shalt  }
0x4a: {  	_ =	shalt  }
0x4b: {  	_ =	shalt  }
0x4c: {  	_ =	shalt  }
0x4d: {  	_ =	shalt  }
0x4e: {  	_ =	shalt  }
0x4f: {  	_ =	shalt  }
0x50: {  	_ =	shalt  }
0x51: {  	_ =	shalt  }
0x52: {  	_ =	shalt  }
0x53: {  	_ =	shalt  }
0x54: {  	_ =	shalt  }
0x55: {  	_ =	shalt  }
0x56: {  	_ =	shalt  }
0x57: {  	_ =	shalt  }
0x58: {  	_ =	shalt  }
0x59: {  	_ =	shalt  }
0x5a: {  	_ =	shalt  }
0x5b: {  	_ =	shalt  }
0x5c: {  	_ =	shalt  }
0x5d: {  	_ =	shalt  }
0x5e: {  	_ =	shalt  }
0x5f: {  	_ =	shalt  }
0x60: {  	_ =	shalt  }
0x61: {  	_ =	shalt  }
0x62: {  	_ =	shalt  }
0x63: {  	_ =	shalt  }
0x64: {  	_ =	shalt  }
0x65: {  	_ =	shalt  }
0x66: {  	_ =	shalt  }
0x67: {  	_ =	shalt  }
0x68: {  	_ =	shalt  }
0x69: {  	_ =	shalt  }
0x6a: {  	_ =	shalt  }
0x6b: {  	_ =	shalt  }
0x6c: {  	_ =	shalt  }
0x6d: {  	_ =	shalt  }
0x6e: {  	_ =	shalt  }
0x6f: {  	_ =	shalt  }
0x70: {  	_ =	shalt  }
0x71: {  	_ =	shalt  }
0x72: {  	_ =	shalt  }
0x73: {  	_ =	shalt  }
0x74: {  	_ =	shalt  }
0x75: {  	_ =	shalt  }
0x76: {  	_ =	shalt  }
0x77: {  	_ =	shalt  }
0x78: {  	_ =	shalt  }
0x79: {  	_ =	shalt  }
0x7a: {  	_ =	shalt  }
0x7b: {  	_ =	shalt  }
0x7c: {  	_ =	shalt  }
0x7d: {  	_ =	shalt  }
0x7e: {  	_ =	shalt  }
0x7f: {  	_ =	shalt  }
0x80: {  	_ =	shalt  }
0x81: {  	_ =	shalt  }
0x82: {  	_ =	shalt  }
0x83: {  	_ =	shalt  }
0x84: {  	_ =	shalt  }
0x85: {  	_ =	shalt  }
0x86: {  	_ =	shalt  }
0x87: {  	_ =	shalt  }
.Lfunc_end0:
.L_simem_size_0:
called_computation.1_lowered:
.L_overlay_start_0:
0x88: {  	s2 =	sld [smem:$0x3FD9]  }
0x89: {  	s3 =	sld [smem:$0x3FFE];
	_ =	sdelay $0x1  }
0x8a: {  	s1 =	srdreg.scid  }
0x8b: {  	s0 =	sand.u32 $0x1, s1  }
0x8c: {  	s14 =	sshll.u32 s0, $0xA;
	s2 =	sadd.s32 s3, s2  }
0x8d: {  	s2 =	sadd.s32 s2, s14  }
0x8e: {  	[smem:$0x3FC6] =	sst s2  }
0x8f: {  	_ = 	snop  }
0x90: {  	s2 =	sld [smem:$0x3FD0];
	_ =	sdelay $0x2  }
0x91: {  	s15 =	simm.s32 $0xA;
	s4 =	simm.s32 $0x10  }
0x92: {  	[smem:s4], [sflag:s15] =	dma.local [hbm:s2], $0x1  }
0x93: {  	_ =	swait.eq [sflag:s15], $0x1  }
0x94: {  	s16 =	sld [smem:$0x10];
	[sflag:s15] =	ssyncset.done $0x0  }
0x95: {  	s17 =	sld [smem:$0x11];
	[sflag:s15] =	ssyncadd.s32 $0xFFFFFFFF  }
0x96: {  	s18 =	sld [smem:$0x12];
	(tm) =	ssettm $0x1  }
0x97: {  	s5 =	sld [smem:$0x3FFB];
	_ =	sdelay $0x3  }
0x98: {  	_ =	strace s5  }
0x99: {  	s5 =	sld [smem:$0x3FFC];
	_ =	sdelay $0x3  }
0x9a: {  	_ =	strace s5  }
0x9b: {  	s5 =	sld [smem:$0x3FFD];
	_ =	sdelay $0x3  }
0x9c: {  	_ =	strace s5  }
0x9d: {  	_ =	strace $0x8FFFFFFF  }
0x9e: {  	s19 =	sld [smem:$0x3FDB];
	_ =	sdelay $0x1  }
0x9f: {  	s6 =	simm.s32 $_scs_section_size  }
0xa0: {  	s7 =	simm.s32 $_size__tile_overlayer_lowered;
	s8 =	simm.s32 $_tile_overlayer_lowered  }
0xa1: {  	s22 =	simm.s32 $0x1BFF;
	s21 =	sshll.u32 s8, $0x1;
	s5 =	sadd.s32 s6, s19  }
0xa2: {  	s9 =	simm.s32 $0x0;
	s20 =	sshll.u32 s7, $0x1;
	s7 =	sadd.s32 s21, s5  }
0xa3: {  	[timem:s9], [sflag:s22] =	dma.local [hbm:s7], s20  }
0xa4: {  	_ =	swait.ge [sflag:s22], s20  }
0xa5: {  	s6 =	ssub.s32 $0x0, s20;
	[sflag:s22] =	ssyncset.done $0x0  }
0xa6: {  	[sflag:s22] =	ssyncadd.s32 s6;
	_ =	sdelay $0x1  }
0xa7: {  	s23 =	simm.s32 $0x1B8B  }
0xa8: {  	_ =	swait.ge [sflag:s23], $0x1  }
0xa9: {  	[sflag:s23] =	ssyncset.done $0x0  }
0xaa: {  	s25 =	simm.s32 $0x1B8E;
	s24 =	sld [smem:$0x3FFE];
	[sflag:s23] =	ssyncadd.s32 $0xFFFFFFFF  }
0xab: {  	s26 =	simm.s32 $execute0_lowered;
	[smem:$0x3FD2] =	sst s25  }
0xac: {  	s7 =	sshll.u32 s26, $0x1;
	_ =	strace $0x80000049;
	[dreg:$0x1] =	wrdreg $0xFFFFFFFF  }
0xad: {  	s28 =	simm.s32 $_size_execute0_lowered;
	s5 =	sadd.s32 s5, s7;
	[dreg:$0x0] =	wrdreg $0x0  }
0xae: {  	s7 =	sshll.u32 s28, $0x1;
	[dreg:$0x2] =	wrdreg s5  }
0xaf: {  	[dreg:$0x3] =	wrdreg s7  }
0xb0: {  	[dreg:$0x4] =	wrdreg $0xC0  }
0xb1: {  	_ =	task [dreg:s9], $0x5FFFF  }
0xb2: {  	[dreg:$0x1] =	wrdreg $0xFFFFFFFF  }
0xb3: {  	[dreg:$0x0] =	wrdreg $0x60  }
0xb4: {  	[dreg:$0x2] =	wrdreg s24  }
0xb5: {  	[dreg:$0x3] =	wrdreg s18  }
0xb6: {  	[dreg:$0x4] =	wrdreg s17  }
0xb7: {  	[dreg:$0x5] =	wrdreg s16  }
0xb8: {  	[dreg:$0x6] =	wrdreg $0xA0000  }
0xb9: {  	[dreg:$0x7] =	wrdreg $0x9  }
0xba: {  	_ =	task.clear_ibuf [dreg:s9], $0x8FFFF;
	_ =	strace $0x90000049  }
0xbb: {  	s29 =	simm.s32 $0x9;
	_ =	strace $0x8000004B  }
0xbc: {  	_ =	swait.ge [sflag:s29], $0x1  }
0xbd: {  	[sflag:s29] =	ssyncadd.s32 $0xFFFFFFFF  }
0xbe: {  	_ =	strace $0x9000004B  }
0xbf: {  	_ =	sfence  }
0xc0: {  	s30 =	sld [smem:$0x0];
	_ =	sdelay $0x2  }
0xc1: {  	s31 =	sshll.u32 s1, $0xD;
	s1 =	sshrl.u32 s1, $0x2  }
0xc2: {  	s3 =	sand.u32 $0x4000, s31;
	s1 =	sadd.s32 s1, s30  }
0xc3: {  	s0 =	sor.u32 s3, s0;
	s1 =	sshll.u32 s1, $0x11  }
0xc4: {  	s0 =	sor.u32 s1, s0  }
0xc5: {  	s0 =	sadd.s32 $0x8F2B, s0  }
0xc6: {  	[sflag:s0] =	ssyncadd.remote.s32 $0x1  }
0xc7: {  	_ =	sfence.sel $0xFFFF  }
0xc8: {  	[dreg:$0x0] =	wrdreg $0xFFFFFFFF;
	(pc) =	sbr.abs _section_cstart, $3  }
0xc9: {  	[dreg:$0x1] =	wrdreg $0xFFFFFFFF  }
0xca: {  	_ =	task.clear_ibuf [dreg:s9], $0x2FFFF;
	_ =	strace $0x9FFFFFFF  }
0xcb: {  	(tm) =	ssettm $0x7FFFFFFF  }
tec
execute0_lowered:
.L_overlay_start_1:
0x0: {  	(tag) =	ssettag $0x1  }
0x1: {  	s0 =	rddreg [dreg:$0x0]  }
0x2: {  	s5 =	rddreg [dreg:$0x1]  }
0x3: {  	s1 =	rddreg [dreg:$0x2]  }
0x4: {  	s8 =	rddreg [dreg:$0x3]  }
0x5: {  	s2 =	rddreg [dreg:$0x4]  }
0x6: {  	s3 =	simm.s32 $0x0;
	s6 =	srdreg.scid;
	s18 =	stileid.u32  }
0x7: {  	s28 =	simm.s32 $0x2000;
	s29 =	simm.s32 $0x1B808;
	s30 =	simm.s32 $0x1B008  }
0x8: {  	s31 =	simm.s32 $0x6000;
	[smem:$0x7FF] =	sst s3;
	s4 =	sadd.s32 $0x81E00, s0  }
0x9: {  	s10 =	sand.u32 $0x1, s6;
	s6 =	sadd.s32 $0x41E00, s0;
	s7 =	sadd.s32 $0xC1E00, s0  }
0xa: {  	s0 =	sadd.s32 $0xC3E00, s0;
	s16 =	sshll.u32 s18, $0x11;
	s12 =	sshll.u32 s18, $0x10  }
0xb: {  	s17 =	sshll.u32 s18, $0x8;
	_ =	strace $0x8000004A;
	s9 =	ssub.s32 $0x2, s10  }
0xc: {  	[dreg:$0x6] =	wrdreg s0;
	s11 =	sshll.u32 s10, $0x14;
	s13 =	ssub.s32 $0x0, s10  }
0xd: {  	s15 =	sshll.u32 s10, $0xC;
	s17 =	sand.u32 $0x800, s17;
	p1 =	sne.s32 s10, $0x0  }
0xe: {  	s19 =	sshrl.u32 s9, $0x1;
	s14 =	sor.u32 s12, s11;
	s8 =	sadd.s32 s8, s15  }
0xf: {  	s12 =	sadd.s32 s12, s2;
	s0 =	ssub.s32 s9, s19;
	s9 =	sshll.u32 s18, $0x1  }
0x10: {  	s18 =	sshll.u32 s18, $0x4;
	s14 =	sshrl.u32 s14, $0x3;
	s22 =	sadd.s32 $0x2000, s12  }
0x11: {  	s8 =	sadd.s32 s17, s8;
	s23 =	sadd.s32 $0x4000, s12;
	[dreg:$0xa] =	wrdreg s22  }
0x12: {  	s24 =	sadd.s32 $0x6000, s12;
	s25 =	sadd.s32 $0x8000, s12;
	[dreg:$0xb] =	wrdreg s23  }
0x13: {  	s26 =	sadd.s32 $0xA000, s12;
	s20 =	sand.u32 $0x70, s18;
	[dreg:$0xc] =	wrdreg s24  }
0x14: {  	s5 =	sadd.s32 s5, s14;
	s0 =	smax.u32 s0, $0x1;
	[dreg:$0xd] =	wrdreg s25  }
0x15: {  	[dreg:$0xe] =	wrdreg s26;
	s22 =	simm.s32 $0x80;
	s23 =	simm.s32 $0x400  }
0x16: {  	p0 =	sne.s32 s9, s13;
	s24 =	simm.s32 $0x1A008;
	s25 =	simm.s32 $0x2  }
0x17: {  	v1 =	vimm.s32 $0x0;
	v0 =	vmov s11;
	s26 =	simm.s32 $0x1;
	[dreg:$0x7] =	wrdreg s5;
	s21 =	sadd.s32 s20, s8  }
0x18: {  	v2 =	vlaneseq.u32;
	v3 =	vimm.s32 $0xF;
	v0 =	vxor.u32 $0xFFFFFFFF, v0;
	[dreg:$0x9] =	wrdreg s0;
	s20 =	sadd.s32 $0xC000, s12;
	s0 =	simm.s32 $0x4000  }
0x19: {  	v5 =	vimm.s32 $0x1;
	v4 =	vor.u32 $0x100000, v2;
	v0 =	vbroadcast v0, $0x0;
	s5 =	simm.s32 $0x1A808;
	[dreg:$0x8] =	wrdreg s21;
	s21 =	sadd.s32 $0xE000, s12  }
.LBB2_1:
0x1a: {  	s8 =	simm.s32 $0x40;
	s10 =	simm.s32 $0x0  }
.LBB2_2:
0x1b: {  	p2 =	sne.s32 s8, $0x1FC0;
	[tilespmem:s10+$0x1A808] =	vst v1;
	s10 =	smov.u32 s8;
	s8 =	sadd.s32 $0x40, s8  }
.Ltmp0:
0x1c: {  	(pc) =	sbr.rel @p2 .LBB2_2-.Ltmp0, $2  }
0x1d: {  	_ =	sdelay $0x2  }
0x1e: {  	s10 =	sshra.s32 s10, $0x2  }
0x1f: {  	[tilespmem:s10+$0x1A808] =	vst v1;
	s8 =	simm.s32 $0x0;
	s10 =	simm.s32 $0x40;
	s11 =	simm.s32 $0x0  }
.LBB2_4:
0x20: {  	p2 =	sne.s32 s10, $0x1FC0;
	[tilespmem:s11+$0x1B008] =	vst v1;
	s11 =	smov.u32 s10;
	s10 =	sadd.s32 $0x40, s10  }
.Ltmp1:
0x21: {  	(pc) =	sbr.rel @p2 .LBB2_4-.Ltmp1, $2  }
0x22: {  	_ =	sdelay $0x2  }
0x23: {  	s11 =	sshra.s32 s11, $0x2  }
0x24: {  	[tilespmem:s11+$0x1B008] =	vst v1  }
.LBB2_6:
0x25: {  	s10 =	sshll.u32 s8, $0x4  }
0x26: {  	s11 =	sshll.u32 s8, $0x8;
	s10 =	sand.u32 $0x70, s10  }
0x27: {  	s11 =	sand.u32 $0x1800, s11;
	s10 =	sadd.s32 s7, s10  }
0x28: {  	s10 =	sadd.s32 s11, s10  }
0x29: {  	[tilespmem:s24], [sflag:$0x2] =	stream.strided.gather [hbm4b:s10+s22], $0x800, s23, s22, $0x38;
	[tilespmem:$0x1C008] =	vst v63  }
0x2a: {  	_ =	swait.ge [sflag:s25], $0x800  }
0x2b: {  	[sflag:s25] =	ssyncset.done $0x0  }
0x2c: {  	s10 =	simm.s32 $0x0;
	[sflag:s25] =	ssyncadd.s32 $0xFFFFF800  }
0x2d: {  	v9 =	vld [tilespmem:s10+$0x1A008]  }
0x2e: {  	v10 =	vld [tilespmem:s10+$0x1A808]  }
0x2f: {  	p2 =	slt.u32 s8, s9;
	s11 =	simm.s32 $0x1;
	v7 =	vld [tilespmem:s10+$0x1B008]  }
0x30: {  	s11 =	simm.s32 @!p2 $0x0  }
0x31: {  	v6 =	vmov s11  }
0x32: {  	v8 =	vmul.u32 v6, v9  }
0x33: {  	s13 =	simm.s32 $0x80;
	s11 =	simm.s32 $0x10;
	v9 =	vadd.s32 v9, v10  }
.LBB2_7:
0x34: {  	p2 =	sne.s32 s13, $0x1FC0;
	v10 =	vld [tilespmem:s11+$0x1A008];
	[tilespmem:s10+$0x1A808] =	vst v9;
	v7 =	vadd.s32 v8, v7  }
0x35: {  	v9 =	vld [tilespmem:s11+$0x1A808];
	[tilespmem:s10+$0x1B008] =	vst v7;
	s10 =	smov.u32 s11  }
.Ltmp2:
0x36: {  	v7 =	vld [tilespmem:s10+$0x1B008];
	(pc) =	sbr.rel @p2 .LBB2_7-.Ltmp2, $3  }
0x37: {  	_ =	sdelay $0x1  }
0x38: {  	v8 =	vmul.u32 v6, v10  }
0x39: {  	s11 =	sshra.s32 s13, $0x2;
	s13 =	sadd.s32 $0x40, s13;
	v9 =	vadd.s32 v10, v9  }
0x3a: {  	v10 =	vld [tilespmem:s11+$0x1A008];
	[tilespmem:s10+$0x1A808] =	vst v9;
	v7 =	vadd.s32 v8, v7  }
0x3b: {  	v63 =	vld [tilespmem:s11+$0x1A808];
	[tilespmem:s10+$0x1B008] =	vst v7  }
0x3c: {  	s8 =	sadd.s32 $0x1, s8;
	v7 =	vld [tilespmem:s11+$0x1B008]  }
0x3d: {  	p2 =	sne.s32 s8, $0x20  }
.Ltmp3:
0x3e: {  	_ = 	snop;
	(pc) =	sbr.rel @p2 .LBB2_6-.Ltmp3, $4  }
0x3f: {  	v6 =	vmul.u32 v6, v10  }
0x40: {  	v8 =	vadd.s32 v10, v63  }
0x41: {  	[tilespmem:s11+$0x1A808] =	vst v8;
	v6 =	vadd.s32 v6, v7  }
0x42: {  	[tilespmem:s11+$0x1B008] =	vst v6  }
0x43: {  	s10 =	simm.s32 $0x0  }
0x44: {  	v9 =	vld [tilespmem:s10+$0x1A808];
	_ =	sdelay $0x4  }
0x45: {  	(xrf0) =	vadd.scan.msk.s32 $0xffff, v9;
	_ =	sdelay $0x3  }
0x46: {  	s8 =	simm.s32 $0x10  }
0x47: {  	v7 =	vld [tilespmem:s8+$0x1A808]  }
0x48: {  	v8, _, _ =	vpop (xrf0)  }
0x49: {  	v10 =	vsub.s32 v8, v9;
	v9 =	vld [tilespmem:s10+$0x1B008];
	_ =	sdelay $0x2  }
0x4a: {  	v6 =	vimm.s32 $0x0;
	(xrf0) =	vadd.scan.msk.s32 $0xffff, v7  }
0x4b: {  	s11 =	simm.s32 $0x20;
	s13 =	simm.s32 $0xC0;
	v10 =	vadd.s32 v6, v10  }
.LBB2_10:
0x4c: {  	p2 =	sne.s32 s13, $0x1FC0;
	v11 =	vld [tilespmem:s11+$0x1A808];
	[tilespmem:s10+$0x1B808] =	vst v10;
	v9 =	vadd.s32 v9, v10  }
0x4d: {  	[tilespmem:s10+$0x1B008] =	vst v9;
	s10 =	smov.u32 s8;
	s8 =	smov.u32 s11  }
.Ltmp4:
0x4e: {  	v9 =	vld [tilespmem:s10+$0x1B008];
	(pc) =	sbr.rel @p2 .LBB2_10-.Ltmp4, $4  }
0x4f: {  	v10 =	vperm.xlane v8, v3  }
0x50: {  	v8, _, _ =	vpop (xrf0)  }
0x51: {  	v6 =	vadd.s32 v6, v10;
	(xrf0) =	vadd.scan.msk.s32 $0xffff, v11;
	v12 =	vsub.s32 v8, v7;
	v7 =	vmov v11  }
0x52: {  	s11 =	sshra.s32 s13, $0x2;
	s13 =	sadd.s32 $0x40, s13;
	v10 =	vadd.s32 v6, v12  }
0x53: {  	v11 =	vld [tilespmem:s11+$0x1A808];
	[tilespmem:s10+$0x1B808] =	vst v10;
	v9 =	vadd.s32 v9, v10  }
0x54: {  	[tilespmem:s10+$0x1B008] =	vst v9  }
0x55: {  	v9 =	vld [tilespmem:s8+$0x1B008]  }
0x56: {  	v8 =	vperm.xlane v8, v3  }
0x57: {  	v61, _, _ =	vpop (xrf0)  }
0x58: {  	v6 =	vadd.s32 v6, v8;
	(xrf0) =	vadd.scan.msk.s32 $0xffff, v11;
	v7 =	vsub.s32 v61, v7  }
0x59: {  	v7 =	vadd.s32 v6, v7  }
0x5a: {  	[tilespmem:s8+$0x1B808] =	vst v7;
	v7 =	vadd.s32 v9, v7  }
0x5b: {  	[tilespmem:s8+$0x1B008] =	vst v7  }
0x5c: {  	v7 =	vld [tilespmem:s11+$0x1B008]  }
0x5d: {  	v62 =	vperm.xlane v61, v3  }
0x5e: {  	v63, _, _ =	vpop (xrf0)  }
0x5f: {  	v6 =	vadd.s32 v6, v62;
	v9 =	vsub.s32 v63, v11  }
0x60: {  	v6 =	vadd.s32 v6, v9  }
0x61: {  	[tilespmem:s11+$0x1B808] =	vst v6;
	v6 =	vadd.s32 v7, v6  }
0x62: {  	s10 =	simm.s32 @!p0 $0x1B808;
	s8 =	simm.s32 @!p0 $0x0;
	[tilespmem:s11+$0x1B008] =	vst v6;
	s11 =	rddreg [dreg:$0x6]  }
0x63: {  	[hbm4b:s11+s8] =	stream.linear.scatter @!p0 [tilespmem:s10], [sflag:$0x2], $0x800, $0x38;
	[tilespmem:$0x1C008] =	vst v63  }
0x64: {  	s8 =	simm.s32 @!p0 $0x2  }
0x65: {  	_ =	swait.ge @!p0 [sflag:s8], $0x800  }
0x66: {  	s13 =	simm.s32 $0x0;
	[sflag:s8] =	ssyncset.done @!p0 $0x0  }
0x67: {  	s11 =	smov.u32 s16;
	[sflag:s8] =	ssyncadd.s32 @!p0 $0xFFFFF800;
	s8 =	simm.s32 $0x0  }
.LBB2_12:
0x68: {  	s10 =	sshll.u32 s13, $0xD  }
0x69: {  	s10 =	sadd.s32 s16, s10  }
0x6a: {  	s14 =	sshrl.u32 s10, $0x3  }
0x6b: {  	s10 =	sadd.s32 s4, s14  }
0x6c: {  	[tilespmem:s8], [sflag:$0x2] =	stream.linear.gather [hbm4b:s10+s8], $0x2000, $0x38;
	[tilespmem:$0x1C008] =	vst v63  }
0x6d: {  	_ =	swait.ge [sflag:s25], $0x2000  }
0x6e: {  	[sflag:s25] =	ssyncset.done $0x0  }
0x6f: {  	s19 =	sadd.s32 s6, s14;
	[sflag:s25] =	ssyncadd.s32 $0xFFFFE000  }
0x70: {  	[tilespmem:s28], [sflag:$0x2] =	stream.linear.gather [hbm4b:s19+s8], $0x2000, $0x38;
	[tilespmem:$0x1C008] =	vst v63  }
0x71: {  	_ =	swait.ge [sflag:s25], $0x2000  }
0x72: {  	[sflag:s25] =	ssyncset.done $0x0  }
0x73: {  	s15 =	simm.s32 $0x0;
	[sflag:s25] =	ssyncadd.s32 $0xFFFFE000  }
0x74: {  	v6 =	vld [tilespmem:s15+$0x0];
	_ =	sdelay $0x4  }
0x75: {  	(xrf1) =	vunique.msk.u32 $0xffff, v6;
	_ =	sdelay $0x3  }
0x76: {  	v8 =	vld [tilespmem:s15+$0x2000]  }
0x77: {  	v7 =	vld.idx.msk [tilespmem:v6+s29+$0x0], $0xffff;
	_ =	sdelay $0x4  }
0x78: {  	v7 =	vadd.s32 v8, v7  }
0x79: {  	v8 =	vshra.s32 v7, $0xB  }
0x7a: {  	[tilespmem:s15+$0x8000] =	vst v8  }
0x7b: {  	v8 =	vld.idx.msk [tilespmem:v6+s30+$0x0], $0xffff  }
0x7c: {  	_, v9, vm0 =	vpop (xrf1);
	_ =	sdelay $0x3  }
0x7d: {  	v7 =	vshll.u32 v7, $0x15;
	v8 =	vadd.s32 v9, v8  }
0x7e: {  	v7 =	vor.u32 s11, v7;
	v9 =	vadd.s32 v0, v8  }
0x7f: {  	s18 =	simm.s32 $0x10;
	vm15 =	vlt.u32 v9, $0x100000;
	[tilespmem:v6+s30+$0x0] =	vst.idx.msk vm0, v8;
	v8 =	vor.u32 v2, v7  }
0x80: {  	s17 =	simm.s32 $0x80;
	s10 =	smov.u32 s11;
	v7 =	vsel vm15, v9, v4;
	v6 =	vld [tilespmem:s18+$0x0];
	[tilespmem:s15+$0x4000] =	vst v8  }
.LBB2_13:
0x81: {  	p2 =	sne.s32 s17, $0x7FC0;
	s10 =	sadd.s32 $0x10, s10  }
0x82: {  	[tilespmem:s15+$0x6000] =	vst v7;
	s19 =	smov.u32 s17;
	s17 =	sadd.s32 $0x40, s17;
	s15 =	smov.u32 s18  }
0x83: {  	_ =	sdelay $0x2  }
0x84: {  	(xrf1) =	vunique.msk.u32 $0xffff, v6;
	_ =	sdelay $0x2  }
0x85: {  	v7 =	vld.idx.msk [tilespmem:v6+s29+$0x0], $0xffff  }
0x86: {  	v8 =	vld [tilespmem:s15+$0x2000];
	_ =	sdelay $0x4  }
0x87: {  	v7 =	vadd.s32 v8, v7  }
0x88: {  	v8 =	vshra.s32 v7, $0xB;
	v7 =	vshll.u32 v7, $0x15  }
0x89: {  	[tilespmem:s15+$0x8000] =	vst v8;
	v7 =	vor.u32 s10, v7  }
0x8a: {  	v8 =	vld.idx.msk [tilespmem:v6+s30+$0x0], $0xffff;
	_ =	sdelay $0x1  }
0x8b: {  	_, v9, vm0 =	vpop (xrf1);
	_ =	sdelay $0x2  }
.Ltmp5:
0x8c: {  	(pc) =	sbr.rel @p2 .LBB2_13-.Ltmp5, $4  }
0x8d: {  	v8 =	vadd.s32 v9, v8  }
0x8e: {  	v9 =	vadd.s32 v0, v8  }
0x8f: {  	s18 =	sshra.s32 s19, $0x2;
	[tilespmem:v6+s30+$0x0] =	vst.idx.msk vm0, v8;
	vm0 =	vlt.u32 v9, $0x100000;
	v8 =	vor.u32 v2, v7  }
0x90: {  	v6 =	vld [tilespmem:s18+$0x0];
	v7 =	vsel vm0, v9, v4;
	[tilespmem:s15+$0x4000] =	vst v8  }
0x91: {  	_ =	sdelay $0x3  }
0x92: {  	(xrf1) =	vunique.msk.u32 $0xffff, v6;
	_ =	sdelay $0x2  }
0x93: {  	[tilespmem:s15+$0x6000] =	vst v7  }
0x94: {  	v8 =	vld [tilespmem:s18+$0x2000]  }
0x95: {  	v7 =	vld.idx.msk [tilespmem:v6+s29+$0x0], $0xffff;
	_ =	sdelay $0x4  }
0x96: {  	v7 =	vadd.s32 v8, v7  }
0x97: {  	v8 =	vshra.s32 v7, $0xB  }
0x98: {  	[tilespmem:s18+$0x8000] =	vst v8  }
0x99: {  	v8 =	vld.idx.msk [tilespmem:v6+s30+$0x0], $0xffff  }
0x9a: {  	_, v9, vm0 =	vpop (xrf1);
	_ =	sdelay $0x3  }
0x9b: {  	s10 =	sadd.s32 $0x10, s10;
	v7 =	vshll.u32 v7, $0x15;
	v8 =	vadd.s32 v9, v8  }
0x9c: {  	v7 =	vor.u32 s10, v7;
	v9 =	vadd.s32 v0, v8  }
0x9d: {  	vm15 =	vlt.u32 v9, $0x100000;
	[tilespmem:v6+s30+$0x0] =	vst.idx.msk vm0, v8;
	v6 =	vor.u32 v2, v7  }
0x9e: {  	v7 =	vsel vm15, v9, v4;
	[tilespmem:s18+$0x4000] =	vst v6  }
0x9f: {  	s15 =	simm.s32 @!p1 $0x8000;
	s10 =	sadd.s32 @!p1 s1, s14;
	s14 =	simm.s32 @!p1 $0x0;
	[tilespmem:s18+$0x6000] =	vst v7  }
0xa0: {  	[hbm4b:s10+s14] =	stream.linear.scatter @!p1 [tilespmem:s15], [sflag:$0x2], $0x2000, $0x38;
	[tilespmem:$0x1C008] =	vst v63  }
0xa1: {  	s10 =	simm.s32 @!p1 $0x2  }
0xa2: {  	s13 =	sadd.s32 $0x1, s13;
	_ =	swait.ge @!p1 [sflag:s10], $0x2000  }
0xa3: {  	p2 =	sne.s32 s13, $0x10;
	[sflag:s10] =	ssyncset.done @!p1 $0x0  }
.Ltmp6:
0xa4: {  	[sflag:s10] =	ssyncadd.s32 @!p1 $0xFFFFE000;
	(pc) =	sbr.rel @p2 .LBB2_12-.Ltmp6, $4  }
0xa5: {  	[spmem:s2] =	stream.indirect.scatter [tilespmem:s0], [sflag:$0x1], $0x1, s31, s28, $0xb8;
	[tilespmem:$0x1C008] =	vst v63  }
0xa6: {  	_ =	swait.ge [sflag:s26], $0x2000  }
0xa7: {  	[sflag:s26] =	ssyncset.done $0x0  }
0xa8: {  	s11 =	sadd.s32 $0x2000, s11;
	[sflag:s26] =	ssyncadd.s32 $0xFFFFE000  }
0xa9: {  	s8 =	stileid.u32  }
0xaa: {  	[bflag:$0x0] =	sbarrier.arrive $0xFFFF;
	s8 =	sshll.u32 s8, $0x6  }
0xab: {  	s10 =	sshrl.u32 s12, $0x3;
	s11 =	rddreg [dreg:$0x7];
	s8 =	sor.u32 $0x1C02, s8  }
0xac: {  	[hbm:s11], [sflag:s8] =	dma.local [spmem:s10], $0x2000  }
0xad: {  	_ =	swait.ge [sflag:s25], $0x2000  }
0xae: {  	[sflag:s25] =	ssyncset.done $0x0  }
0xaf: {  	s8 =	simm.s32 $0x40;
	s10 =	simm.s32 $0x0;
	[sflag:s25] =	ssyncadd.s32 $0xFFFFE000  }
.LBB2_16:
0xb0: {  	p2 =	sne.s32 s8, $0x1FC0;
	[tilespmem:s10+$0x1A808] =	vst v1;
	s10 =	smov.u32 s8;
	s8 =	sadd.s32 $0x40, s8  }
.Ltmp7:
0xb1: {  	(pc) =	sbr.rel @p2 .LBB2_16-.Ltmp7, $2  }
0xb2: {  	_ =	sdelay $0x2  }
0xb3: {  	s10 =	sshra.s32 s10, $0x2  }
0xb4: {  	[tilespmem:s10+$0x1A808] =	vst v1;
	s8 =	simm.s32 $0x0  }
0xb5: {  	[tilespmem:s8], [sflag:$0x2] =	stream.linear.gather [spmem:s12], $0x2000, $0x38;
	[tilespmem:$0x1C008] =	vst v63  }
0xb6: {  	_ =	swait.ge [sflag:s25], $0x2000  }
0xb7: {  	[sflag:s25] =	ssyncset.done $0x0  }
0xb8: {  	s10 =	simm.s32 $0x0;
	s8 =	simm.s32 $0x40;
	[sflag:s25] =	ssyncadd.s32 $0xFFFFE000  }
.LBB2_18:
0xb9: {  	p2 =	sne.s32 s8, $0x7FC0;
	v6 =	vld [tilespmem:s10+$0x0];
	_ =	sdelay $0x4  }
0xba: {  	v6 =	vshrl.u32 v6, $0x15  }
.Ltmp8:
0xbb: {  	(pc) =	sbr.rel @p2 .LBB2_18-.Ltmp8, $2  }
0xbc: {  	_ =	sdelay $0x2  }
0xbd: {  	s10 =	sshra.s32 s8, $0x2;
	s8 =	sadd.s32 $0x40, s8;
	[tilespmem:v6+s5+$0x0] =	vst.idx.add.s32.msk $0xffff, v5  }
0xbe: {  	v6 =	vld [tilespmem:s10+$0x0];
	_ =	sdelay $0x4  }
0xbf: {  	v6 =	vshrl.u32 v6, $0x15;
	_ =	sdelay $0x4  }
0xc0: {  	s8 =	simm.s32 $0x0;
	s19 =	rddreg [dreg:$0xa];
	[tilespmem:v6+s5+$0x0] =	vst.idx.add.s32.msk $0xffff, v5  }
0xc1: {  	[tilespmem:s8], [sflag:$0x2] =	stream.linear.gather [spmem:s19], $0x2000, $0x38;
	[tilespmem:$0x1C008] =	vst v63  }
0xc2: {  	_ =	swait.ge [sflag:s25], $0x2000  }
0xc3: {  	[sflag:s25] =	ssyncset.done $0x0  }
0xc4: {  	s10 =	simm.s32 $0x0;
	s8 =	simm.s32 $0x40;
	[sflag:s25] =	ssyncadd.s32 $0xFFFFE000  }
.LBB2_20:
0xc5: {  	p2 =	sne.s32 s8, $0x7FC0;
	v6 =	vld [tilespmem:s10+$0x0];
	_ =	sdelay $0x4  }
0xc6: {  	v6 =	vshrl.u32 v6, $0x15  }
.Ltmp9:
0xc7: {  	(pc) =	sbr.rel @p2 .LBB2_20-.Ltmp9, $2  }
0xc8: {  	_ =	sdelay $0x2  }
0xc9: {  	s10 =	sshra.s32 s8, $0x2;
	s8 =	sadd.s32 $0x40, s8;
	[tilespmem:v6+s5+$0x0] =	vst.idx.add.s32.msk $0xffff, v5  }
0xca: {  	v6 =	vld [tilespmem:s10+$0x0];
	_ =	sdelay $0x4  }
0xcb: {  	v6 =	vshrl.u32 v6, $0x15;
	_ =	sdelay $0x4  }
0xcc: {  	s8 =	simm.s32 $0x0;
	s19 =	rddreg [dreg:$0xb];
	[tilespmem:v6+s5+$0x0] =	vst.idx.add.s32.msk $0xffff, v5  }
0xcd: {  	[tilespmem:s8], [sflag:$0x2] =	stream.linear.gather [spmem:s19], $0x2000, $0x38;
	[tilespmem:$0x1C008] =	vst v63  }
0xce: {  	_ =	swait.ge [sflag:s25], $0x2000  }
0xcf: {  	[sflag:s25] =	ssyncset.done $0x0  }
0xd0: {  	s10 =	simm.s32 $0x0;
	s8 =	simm.s32 $0x40;
	[sflag:s25] =	ssyncadd.s32 $0xFFFFE000  }
.LBB2_22:
0xd1: {  	p2 =	sne.s32 s8, $0x7FC0;
	v6 =	vld [tilespmem:s10+$0x0];
	_ =	sdelay $0x4  }
0xd2: {  	v6 =	vshrl.u32 v6, $0x15  }
.Ltmp10:
0xd3: {  	(pc) =	sbr.rel @p2 .LBB2_22-.Ltmp10, $2  }
0xd4: {  	_ =	sdelay $0x2  }
0xd5: {  	s10 =	sshra.s32 s8, $0x2;
	s8 =	sadd.s32 $0x40, s8;
	[tilespmem:v6+s5+$0x0] =	vst.idx.add.s32.msk $0xffff, v5  }
0xd6: {  	v6 =	vld [tilespmem:s10+$0x0];
	_ =	sdelay $0x4  }
0xd7: {  	v6 =	vshrl.u32 v6, $0x15;
	_ =	sdelay $0x4  }
0xd8: {  	s8 =	simm.s32 $0x0;
	s19 =	rddreg [dreg:$0xc];
	[tilespmem:v6+s5+$0x0] =	vst.idx.add.s32.msk $0xffff, v5  }
0xd9: {  	[tilespmem:s8], [sflag:$0x2] =	stream.linear.gather [spmem:s19], $0x2000, $0x38;
	[tilespmem:$0x1C008] =	vst v63  }
0xda: {  	_ =	swait.ge [sflag:s25], $0x2000  }
0xdb: {  	[sflag:s25] =	ssyncset.done $0x0  }
0xdc: {  	s10 =	simm.s32 $0x0;
	s8 =	simm.s32 $0x40;
	[sflag:s25] =	ssyncadd.s32 $0xFFFFE000  }
.LBB2_24:
0xdd: {  	p2 =	sne.s32 s8, $0x7FC0;
	v6 =	vld [tilespmem:s10+$0x0];
	_ =	sdelay $0x4  }
0xde: {  	v6 =	vshrl.u32 v6, $0x15  }
.Ltmp11:
0xdf: {  	(pc) =	sbr.rel @p2 .LBB2_24-.Ltmp11, $2  }
0xe0: {  	_ =	sdelay $0x2  }
0xe1: {  	s10 =	sshra.s32 s8, $0x2;
	s8 =	sadd.s32 $0x40, s8;
	[tilespmem:v6+s5+$0x0] =	vst.idx.add.s32.msk $0xffff, v5  }
0xe2: {  	v6 =	vld [tilespmem:s10+$0x0];
	_ =	sdelay $0x4  }
0xe3: {  	v6 =	vshrl.u32 v6, $0x15;
	_ =	sdelay $0x4  }
0xe4: {  	s8 =	simm.s32 $0x0;
	s19 =	rddreg [dreg:$0xd];
	[tilespmem:v6+s5+$0x0] =	vst.idx.add.s32.msk $0xffff, v5  }
0xe5: {  	[tilespmem:s8], [sflag:$0x2] =	stream.linear.gather [spmem:s19], $0x2000, $0x38;
	[tilespmem:$0x1C008] =	vst v63  }
0xe6: {  	_ =	swait.ge [sflag:s25], $0x2000  }
0xe7: {  	[sflag:s25] =	ssyncset.done $0x0  }
0xe8: {  	s10 =	simm.s32 $0x0;
	s8 =	simm.s32 $0x40;
	[sflag:s25] =	ssyncadd.s32 $0xFFFFE000  }
.LBB2_26:
0xe9: {  	p2 =	sne.s32 s8, $0x7FC0;
	v6 =	vld [tilespmem:s10+$0x0];
	_ =	sdelay $0x4  }
0xea: {  	v6 =	vshrl.u32 v6, $0x15  }
.Ltmp12:
0xeb: {  	(pc) =	sbr.rel @p2 .LBB2_26-.Ltmp12, $2  }
0xec: {  	_ =	sdelay $0x2  }
0xed: {  	s10 =	sshra.s32 s8, $0x2;
	s8 =	sadd.s32 $0x40, s8;
	[tilespmem:v6+s5+$0x0] =	vst.idx.add.s32.msk $0xffff, v5  }
0xee: {  	v6 =	vld [tilespmem:s10+$0x0];
	_ =	sdelay $0x4  }
0xef: {  	v6 =	vshrl.u32 v6, $0x15;
	_ =	sdelay $0x4  }
0xf0: {  	s8 =	simm.s32 $0x0;
	s19 =	rddreg [dreg:$0xe];
	[tilespmem:v6+s5+$0x0] =	vst.idx.add.s32.msk $0xffff, v5  }
0xf1: {  	[tilespmem:s8], [sflag:$0x2] =	stream.linear.gather [spmem:s19], $0x2000, $0x38;
	[tilespmem:$0x1C008] =	vst v63  }
0xf2: {  	_ =	swait.ge [sflag:s25], $0x2000  }
0xf3: {  	[sflag:s25] =	ssyncset.done $0x0  }
0xf4: {  	s10 =	simm.s32 $0x0;
	s8 =	simm.s32 $0x40;
	[sflag:s25] =	ssyncadd.s32 $0xFFFFE000  }
.LBB2_28:
0xf5: {  	p2 =	sne.s32 s8, $0x7FC0;
	v6 =	vld [tilespmem:s10+$0x0];
	_ =	sdelay $0x4  }
0xf6: {  	v6 =	vshrl.u32 v6, $0x15  }
.Ltmp13:
0xf7: {  	(pc) =	sbr.rel @p2 .LBB2_28-.Ltmp13, $2  }
0xf8: {  	_ =	sdelay $0x2  }
0xf9: {  	s10 =	sshra.s32 s8, $0x2;
	s8 =	sadd.s32 $0x40, s8;
	[tilespmem:v6+s5+$0x0] =	vst.idx.add.s32.msk $0xffff, v5  }
0xfa: {  	v6 =	vld [tilespmem:s10+$0x0];
	_ =	sdelay $0x4  }
0xfb: {  	v6 =	vshrl.u32 v6, $0x15;
	_ =	sdelay $0x4  }
0xfc: {  	s8 =	simm.s32 $0x0;
	[tilespmem:v6+s5+$0x0] =	vst.idx.add.s32.msk $0xffff, v5  }
0xfd: {  	[tilespmem:s8], [sflag:$0x2] =	stream.linear.gather [spmem:s20], $0x2000, $0x38;
	[tilespmem:$0x1C008] =	vst v63  }
0xfe: {  	_ =	swait.ge [sflag:s25], $0x2000  }
0xff: {  	[sflag:s25] =	ssyncset.done $0x0  }
0x100: {  	s10 =	simm.s32 $0x0;
	s8 =	simm.s32 $0x40;
	[sflag:s25] =	ssyncadd.s32 $0xFFFFE000  }
.LBB2_30:
0x101: {  	p2 =	sne.s32 s8, $0x7FC0;
	v6 =	vld [tilespmem:s10+$0x0];
	_ =	sdelay $0x4  }
0x102: {  	v6 =	vshrl.u32 v6, $0x15  }
.Ltmp14:
0x103: {  	(pc) =	sbr.rel @p2 .LBB2_30-.Ltmp14, $2  }
0x104: {  	_ =	sdelay $0x2  }
0x105: {  	s10 =	sshra.s32 s8, $0x2;
	s8 =	sadd.s32 $0x40, s8;
	[tilespmem:v6+s5+$0x0] =	vst.idx.add.s32.msk $0xffff, v5  }
0x106: {  	v6 =	vld [tilespmem:s10+$0x0];
	_ =	sdelay $0x4  }
0x107: {  	v6 =	vshrl.u32 v6, $0x15;
	_ =	sdelay $0x4  }
0x108: {  	s8 =	simm.s32 $0x0;
	[tilespmem:v6+s5+$0x0] =	vst.idx.add.s32.msk $0xffff, v5  }
0x109: {  	[tilespmem:s8], [sflag:$0x2] =	stream.linear.gather [spmem:s21], $0x2000, $0x38;
	[tilespmem:$0x1C008] =	vst v63  }
0x10a: {  	_ =	swait.ge [sflag:s25], $0x2000  }
0x10b: {  	[sflag:s25] =	ssyncset.done $0x0  }
0x10c: {  	s10 =	simm.s32 $0x0;
	s8 =	simm.s32 $0x40;
	[sflag:s25] =	ssyncadd.s32 $0xFFFFE000  }
.LBB2_32:
0x10d: {  	p2 =	sne.s32 s8, $0x7FC0;
	v6 =	vld [tilespmem:s10+$0x0];
	_ =	sdelay $0x4  }
0x10e: {  	v6 =	vshrl.u32 v6, $0x15  }
.Ltmp15:
0x10f: {  	(pc) =	sbr.rel @p2 .LBB2_32-.Ltmp15, $2  }
0x110: {  	_ =	sdelay $0x2  }
0x111: {  	s10 =	sshra.s32 s8, $0x2;
	s8 =	sadd.s32 $0x40, s8;
	[tilespmem:v6+s5+$0x0] =	vst.idx.add.s32.msk $0xffff, v5  }
0x112: {  	v6 =	vld [tilespmem:s10+$0x0];
	_ =	sdelay $0x4  }
0x113: {  	v6 =	vshrl.u32 v6, $0x15;
	_ =	sdelay $0x4  }
0x114: {  	s8 =	rddreg [dreg:$0x8];
	[tilespmem:v6+s5+$0x0] =	vst.idx.add.s32.msk $0xffff, v5  }
0x115: {  	[hbm4b:s8+s22] =	stream.strided.scatter [tilespmem:s5], [sflag:$0x2], $0x800, s23, s22, $0x38;
	[tilespmem:$0x1C008] =	vst v63  }
0x116: {  	_ =	swait.ge [sflag:s25], $0x800  }
0x117: {  	s3 =	sadd.s32 $0x1, s3;
	s19 =	rddreg [dreg:$0x9]  }
0x118: {  	p2 =	sne.s32 s3, s19  }
.Ltmp16:
0x119: {  	_ = 	snop;
	(pc) =	sbr.rel @p2 .LBB2_1-.Ltmp16, $3  }
0x11a: {  	_ =	sdelay $0x1  }
0x11b: {  	[sflag:s25] =	ssyncset.done $0x0  }
0x11c: {  	[sflag:s25] =	ssyncadd.s32 $0xFFFFF800  }
0x11d: {  	_ =	sfence.sel $0x180000  }
0x11e: {  	[bflag:$0x0] =	sbarrier.arrive $0xFFFF  }
0x11f: {  	_ =	strace $0x9000004A  }
0x120: {  	s0 =	stileid.u32;
	[bflag:$0x2] =	sbarrier.arrive $0xFFFF  }
0x121: {  	p0 =	sne.s32 s0, $0x0;
	s0 =	rddreg [dreg:$0x5]  }
0x122: {  	s0 =	sadd.s32 @!p0 $0x100000, s0  }
0x123: {  	[sflag:s0] =	ssyncadd.tile.s32 @!p0 $0x1;
	_ =	shalt  }
.Lfunc_end2:
_tile_overlayer_lowered:
.L_overlay_start_2:
0x124: {  	(tag) =	ssettag $0x2  }
0x125: {  	s0 =	rddreg [dreg:$0x0];
	s2 =	stileid.u32  }
0x126: {  	s1 =	rddreg [dreg:$0x1];
	p0 =	sne.s32 s2, $0x0  }
0x127: {  	s3 =	rddreg [dreg:$0x2];
	[bflag:$0x3] =	sbarrier.arrive $0xFFFF;
	s2 =	simm.s32 @!p0 $0x1C02  }
0x128: {  	[timem:s3], [sflag:s2] =	dma.local @!p0 [hbm:s0], s1  }
0x129: {  	s0 =	simm.s32 @!p0 $0x2  }
0x12a: {  	_ =	swait.ge @!p0 [sflag:s0], s1  }
0x12b: {  	s1 =	ssub.s32 @!p0 $0x0, s1;
	[sflag:s0] =	ssyncset.done @!p0 $0x0  }
0x12c: {  	[sflag:s0] =	ssyncadd.s32 @!p0 s1  }
0x12d: {  	[bflag:$0x3] =	sbarrier.arrive $0xFFFF  }
0x12e: {  	_ =	shalt  }

</sc_bundles>
